<compile_context>
chip_gen: v7x
topology: tpu7x:2x2x1
jax: 0.10.2.dev20260603
libtpu: 0.0.44.dev20260713+nightly
codegen_flags: <defaults>
</compile_context>

<pallas_src>
import functools

import jax
import jax.numpy as jnp
from jax import lax
from jax.experimental import pallas as pl
from jax.experimental.pallas import tpu as pltpu
from jax.experimental.pallas import tpu_sc as plsc

_NSEL = 64


def _topk_indices(acc):
    n = acc.shape[-1]
    vrow = acc.reshape(1, n)
    vcols = lax.broadcast_in_dim(vrow, (n, n), (0, 1))
    vcol1 = jnp.transpose(vrow, (1, 0))
    vrows = lax.broadcast_in_dim(vcol1, (n, n), (0, 1))
    jj = lax.broadcasted_iota(jnp.int32, (n, n), 0)
    ii = lax.broadcasted_iota(jnp.int32, (n, n), 1)
    beats = (vrows > vcols) | ((vrows == vcols) & (jj < ii))
    rank_row = jnp.sum(beats.astype(jnp.int32), axis=0, keepdims=True)
    rank_col = jnp.transpose(rank_row, (1, 0))
    rank_b = lax.broadcast_in_dim(rank_col, (n, _NSEL), (0, 1))
    rr = lax.broadcasted_iota(jnp.int32, (n, _NSEL), 1)
    ivals = lax.broadcasted_iota(jnp.int32, (n, _NSEL), 0)
    idxmat = jnp.where(rank_b == rr, ivals, 0)
    return jnp.sum(idxmat, axis=0, keepdims=True).reshape(1, 1, _NSEL)


def _reduce_sc(scores2):
    mesh = plsc.VectorSubcoreMesh(core_axis_name="c", subcore_axis_name="s")
    rpc = 64
    nchunks = 4096 // rpc
    nbuf = 4

    @functools.partial(
        pl.kernel,
        mesh=mesh,
        out_type=[jax.ShapeDtypeStruct((32, 256), jnp.float32)],
        scratch_types=(
            [pltpu.VMEM((rpc, 256), jnp.float32) for _ in range(nbuf)]
            + [pltpu.VMEM((256,), jnp.float32)]
            + [pltpu.SemaphoreType.DMA for _ in range(nbuf)]
        ),
    )
    def sck(s_h, out_h, *scr):
        bufs, accv, sems = scr[:nbuf], scr[nbuf], scr[nbuf + 1:]
        w = lax.axis_index("s") * 2 + lax.axis_index("c")
        base_row = w * 4096

        def start(c, j):
            return pltpu.async_copy(
                s_h.at[pl.ds(base_row + c * rpc, rpc), :], bufs[j], sems[j])

        for j in range(nbuf):
            start(j, j)

        accs = tuple(jnp.zeros((16,), jnp.float32) for _ in range(16))

        def group(i, accs):
            c0 = i * nbuf
            for j in range(nbuf):
                pltpu.make_async_copy(
                    s_h.at[pl.ds(base_row, rpc), :], bufs[j], sems[j]).wait()
                buf = bufs[j]

                def rowbody(r, a, buf=buf):
                    r0 = r * 2
                    a = tuple(
                        a[g] + buf[r0, pl.ds(g * 16, 16)] for g in range(16))
                    return tuple(
                        a[g] + buf[r0 + 1, pl.ds(g * 16, 16)]
                        for g in range(16))

                accs = lax.fori_loop(0, rpc // 2, rowbody, accs)

                @pl.when(c0 + nbuf + j < nchunks)
                def _(c0=c0, j=j):
                    start(c0 + nbuf + j, j)
            return accs

        accs = lax.fori_loop(0, nchunks // nbuf, group, accs)

        for g in range(16):
            accv[pl.ds(g * 16, 16)] = accs[g]
        pltpu.sync_copy(accv, out_h.at[w])

    return sck(scores2)[0]


def _combine_topk(acc_sc):
    B = acc_sc.shape[0]

    def body(s_ref, idx_ref):
        tot = jnp.sum(s_ref[...], axis=1, keepdims=True)
        idx_ref[...] = _topk_indices(tot)

    idx = pl.pallas_call(
        body,
        grid=(B,),
        in_specs=[pl.BlockSpec((1, 8, 256), lambda b: (b, 0, 0))],
        out_specs=[pl.BlockSpec((1, 1, _NSEL), lambda b: (b, 0, 0))],
        out_shape=[jax.ShapeDtypeStruct((B, 1, _NSEL), jnp.int32)],
    )(acc_sc)[0]
    return idx.reshape(B, _NSEL)


def _gather_scramble_tc(k6, v6, idx):
    B = k6.shape[0]

    def body(idx_ref, *refs):
        k_refs, v_refs, (ok_ref, ov_ref) = refs[:16], refs[16:32], refs[32:]
        for j in range(16):
            xk = k_refs[j][0, 0, :, 0, :, :].reshape(16, 256)
            ok_ref[j] = jnp.transpose(xk, (1, 0))
            xv = v_refs[j][0, 0, :, 0, :, :].reshape(16, 256)
            ov_ref[j] = jnp.transpose(xv, (1, 0))

    def mk_in(j):
        def imap(b, sg, idx_ref, j=j % 16):
            blk = idx_ref[b, sg * 16 + j]
            return (b, lax.div(blk, 16), 0, lax.rem(blk, 16), 0, 0)
        return pl.BlockSpec((1, 1, 4, 1, 4, 256), imap)

    out_spec = pl.BlockSpec((16, 256, 16), lambda b, sg, idx_ref: (b * 4 + sg, 0, 0))
    grid_spec = pltpu.PrefetchScalarGridSpec(
        num_scalar_prefetch=1,
        grid=(B, 4),
        in_specs=[mk_in(j) for j in range(32)],
        out_specs=[out_spec, out_spec],
    )
    tk, tv = pl.pallas_call(
        body,
        grid_spec=grid_spec,
        out_shape=[
            jax.ShapeDtypeStruct((256, 256, 16), jnp.float32),
            jax.ShapeDtypeStruct((256, 256, 16), jnp.float32),
        ],
    )(idx, *([k6] * 16), *([v6] * 16))
    return tk, tv


def kernel(q, k, v, attn_scores_cmp, spatial_size):
    del q, spatial_size
    B, H, N, NC = attn_scores_cmp.shape
    acc_sc = _reduce_sc(attn_scores_cmp.reshape(B * H * N, NC))
    indices = _combine_topk(acc_sc.reshape(B, 8, 256))
    k6 = k.reshape(B, 16, 4, 16, 4, 256)
    v6 = v.reshape(B, 16, 4, 16, 4, 256)
    tk, tv = _gather_scramble_tc(k6, v6, indices)
    k_slc = tk.reshape(B, _NSEL * 16, 256)
    v_slc = tv.reshape(B, _NSEL * 16, 256)
    return (k_slc, v_slc, indices)

# --- scband reference (transcript-rebuilt; emitter-appended) ---
"""Pipeline reference for scband-token-selection-67130338836483 (READ-ONLY COPY).

The authoritative reference and input builder live on the scoring server;
editing this copy changes nothing except your own understanding.
"""

import jax, jax.numpy as jnp
import numpy as np

BLOCK_SIZE = 4
NUM_SELECT = 64


def setup_inputs(seed: int = 0) -> dict:
    key = jax.random.key(seed)
    ks = jax.random.split(key, 4)
    B, heads, N, C = 4, 8, 4096, 256
    N_cmp = 256
    q = jax.random.normal(ks[0], (B, heads, N, C), dtype=jnp.float32)
    k = jax.random.normal(ks[1], (B, N, C), dtype=jnp.float32)
    v = jax.random.normal(ks[2], (B, N, C), dtype=jnp.float32)
    attn_scores_cmp = jax.random.normal(ks[3], (B, heads, N, N_cmp), dtype=jnp.float32)
    return {"q": q, "k": k, "v": v, "attn_scores_cmp": attn_scores_cmp, "spatial_size": (64, 64)}


def _extract_blocks(x, H, W, bs):
    # Faithful emulation of torch: reshape(B,H,W,C).permute(0,3,1,2) -> F.unfold(kernel=bs, stride=bs)
    # -> permute(0,2,1) -> reshape(B, n_blocks, bs*bs, -1)  (note: torch's flat reshape mixes
    # the (C, bs, bs) unfold layout; we replicate that exact flat reshape).
    B, N, C = x.shape
    x2 = x.reshape(B, H, W, C).transpose(0, 3, 1, 2)  # (B, C, H, W)
    nbh = (H - bs) // bs + 1
    nbw = (W - bs) // bs + 1
    p = x2.reshape(B, C, nbh, bs, nbw, bs).transpose(0, 2, 4, 1, 3, 5)  # (B, nbh, nbw, C, bs, bs)
    n_blocks = nbh * nbw
    p = p.reshape(B, n_blocks, C * bs * bs)  # == unfold(...).permute(0,2,1)
    return p.reshape(B, n_blocks, bs * bs, C)


def reference(q, k, v, attn_scores_cmp, spatial_size):
    B, num_heads, N, N_cmp = attn_scores_cmp.shape
    side = int(np.sqrt(k.shape[1]))
    H, W = side, side
    bs = BLOCK_SIZE
    importance = attn_scores_cmp.sum(axis=1)          # (B, N, N_cmp)
    block_importance = importance.mean(axis=1)        # (B, N_cmp)
    num_select = min(NUM_SELECT, N_cmp)
    _, indices = jax.lax.top_k(block_importance, num_select)  # (B, num_select)
    nbh = (H - bs) // bs + 1
    nbw = (W - bs) // bs + 1
    n_blocks = nbh * nbw
    k_blocks = _extract_blocks(k, H, W, bs)
    v_blocks = _extract_blocks(v, H, W, bs)
    indices = jnp.clip(indices, 0, n_blocks - 1)
    indices = indices + (jnp.asarray(spatial_size).sum() * 0).astype(indices.dtype)
    C = k.shape[-1]
    idx = jnp.broadcast_to(indices[:, :, None, None], (B, num_select, bs * bs, C))
    k_slc = jnp.take_along_axis(k_blocks, idx, axis=1).reshape(B, num_select * bs * bs, C)
    v_slc = jnp.take_along_axis(v_blocks, idx, axis=1).reshape(B, num_select * bs * bs, C)
    return (k_slc, v_slc, indices)

if __name__ == "__main__":
    import jax
    _d = setup_inputs()
    print(jax.jit(kernel)(*tuple(_d.values())))

</pallas_src>

<mosaic_0001>
#map = affine_map<(d0, d1) -> (0, 0)>
module attributes {stable_mosaic.version = 14 : i64} {
  func.func @sck(%arg0: i32, %arg1: i32, %arg2: memref<131072x256xf32, #tpu.memory_space<hbm>>, %arg3: memref<32x256xf32, #tpu.memory_space<hbm>>, %arg4: memref<64x256xf32, #tpu.memory_space<vmem>>, %arg5: memref<64x256xf32, #tpu.memory_space<vmem>>, %arg6: memref<64x256xf32, #tpu.memory_space<vmem>>, %arg7: memref<64x256xf32, #tpu.memory_space<vmem>>, %arg8: memref<256xf32, #tpu.memory_space<vmem>>, %arg9: memref<!tpu.dma_semaphore, #tpu.memory_space<semaphore_mem>>, %arg10: memref<!tpu.dma_semaphore, #tpu.memory_space<semaphore_mem>>, %arg11: memref<!tpu.dma_semaphore, #tpu.memory_space<semaphore_mem>>, %arg12: memref<!tpu.dma_semaphore, #tpu.memory_space<semaphore_mem>>) attributes {dimension_semantics = [#tpu.dimension_semantics<core_parallel>, #tpu.dimension_semantics<subcore_parallel>], iteration_bounds = array<i64: 2, 16>, scalar_prefetch = 0 : i64, scratch_operands = 9 : i64, tpu.core_type = #tpu.core_type<sc_vector_subcore>, window_params = [{transform_indices = #map}, {transform_indices = #map}]} {
    %mul3A = arith.constant 2 : i32
    %mul3A_0 = arith.muli %arg1, %mul3A : i32
    %add3A = arith.addi %mul3A_0, %arg0 : i32
    %mul3A_1 = arith.constant 4096 : i32
    %mul3A_2 = arith.muli %add3A, %mul3A_1 : i32
    %add3A_3 = arith.constant 0 : i32
    %add3A_4 = arith.addi %mul3A_2, %add3A_3 : i32
    %dma_start3A = arith.constant 0 : i32
    %dma_start3A_5 = tpu.memref_slice %arg2[%add3A_4, %dma_start3A] : memref<131072x256xf32, #tpu.memory_space<hbm>> -> memref<64x256xf32, #tpu.memory_space<hbm>>
    %dma_start3A_6 = arith.constant 0 : i32
    %dma_start3A_7 = tpu.memref_slice %arg2[%add3A_4, %dma_start3A_6] : memref<131072x256xf32, #tpu.memory_space<hbm>> -> memref<64x256xf32, #tpu.memory_space<hbm>>
    tpu.enqueue_dma source(%dma_start3A_7 : memref<64x256xf32, #tpu.memory_space<hbm>>) target(%arg4 : memref<64x256xf32, #tpu.memory_space<vmem>>) target_semaphore(%arg9 : memref<!tpu.dma_semaphore, #tpu.memory_space<semaphore_mem>>)
    %add3A_8 = arith.constant 64 : i32
    %add3A_9 = arith.addi %mul3A_2, %add3A_8 : i32
    %dma_start3A_10 = arith.constant 0 : i32
    %dma_start3A_11 = tpu.memref_slice %arg2[%add3A_9, %dma_start3A_10] : memref<131072x256xf32, #tpu.memory_space<hbm>> -> memref<64x256xf32, #tpu.memory_space<hbm>>
    %dma_start3A_12 = arith.constant 0 : i32
    %dma_start3A_13 = tpu.memref_slice %arg2[%add3A_9, %dma_start3A_12] : memref<131072x256xf32, #tpu.memory_space<hbm>> -> memref<64x256xf32, #tpu.memory_space<hbm>>
    tpu.enqueue_dma source(%dma_start3A_13 : memref<64x256xf32, #tpu.memory_space<hbm>>) target(%arg5 : memref<64x256xf32, #tpu.memory_space<vmem>>) target_semaphore(%arg10 : memref<!tpu.dma_semaphore, #tpu.memory_space<semaphore_mem>>)
    %add3A_14 = arith.constant 128 : i32
    %add3A_15 = arith.addi %mul3A_2, %add3A_14 : i32
    %dma_start3A_16 = arith.constant 0 : i32
    %dma_start3A_17 = tpu.memref_slice %arg2[%add3A_15, %dma_start3A_16] : memref<131072x256xf32, #tpu.memory_space<hbm>> -> memref<64x256xf32, #tpu.memory_space<hbm>>
    %dma_start3A_18 = arith.constant 0 : i32
    %dma_start3A_19 = tpu.memref_slice %arg2[%add3A_15, %dma_start3A_18] : memref<131072x256xf32, #tpu.memory_space<hbm>> -> memref<64x256xf32, #tpu.memory_space<hbm>>
    tpu.enqueue_dma source(%dma_start3A_19 : memref<64x256xf32, #tpu.memory_space<hbm>>) target(%arg6 : memref<64x256xf32, #tpu.memory_space<vmem>>) target_semaphore(%arg11 : memref<!tpu.dma_semaphore, #tpu.memory_space<semaphore_mem>>)
    %add3A_20 = arith.constant 192 : i32
    %add3A_21 = arith.addi %mul3A_2, %add3A_20 : i32
    %dma_start3A_22 = arith.constant 0 : i32
    %dma_start3A_23 = tpu.memref_slice %arg2[%add3A_21, %dma_start3A_22] : memref<131072x256xf32, #tpu.memory_space<hbm>> -> memref<64x256xf32, #tpu.memory_space<hbm>>
    %dma_start3A_24 = arith.constant 0 : i32
    %dma_start3A_25 = tpu.memref_slice %arg2[%add3A_21, %dma_start3A_24] : memref<131072x256xf32, #tpu.memory_space<hbm>> -> memref<64x256xf32, #tpu.memory_space<hbm>>
    tpu.enqueue_dma source(%dma_start3A_25 : memref<64x256xf32, #tpu.memory_space<hbm>>) target(%arg7 : memref<64x256xf32, #tpu.memory_space<vmem>>) target_semaphore(%arg12 : memref<!tpu.dma_semaphore, #tpu.memory_space<semaphore_mem>>)
    %broadcast_in_dim3A = arith.constant 0.000000e+00 : f32
    %broadcast_in_dim3A_26 = vector.broadcast %broadcast_in_dim3A : f32 to vector<16xf32>
    %broadcast_in_dim3A_27 = arith.constant 0.000000e+00 : f32
    %broadcast_in_dim3A_28 = vector.broadcast %broadcast_in_dim3A_27 : f32 to vector<16xf32>
    %broadcast_in_dim3A_29 = arith.constant 0.000000e+00 : f32
    %broadcast_in_dim3A_30 = vector.broadcast %broadcast_in_dim3A_29 : f32 to vector<16xf32>
    %broadcast_in_dim3A_31 = arith.constant 0.000000e+00 : f32
    %broadcast_in_dim3A_32 = vector.broadcast %broadcast_in_dim3A_31 : f32 to vector<16xf32>
    %broadcast_in_dim3A_33 = arith.constant 0.000000e+00 : f32
    %broadcast_in_dim3A_34 = vector.broadcast %broadcast_in_dim3A_33 : f32 to vector<16xf32>
    %broadcast_in_dim3A_35 = arith.constant 0.000000e+00 : f32
    %broadcast_in_dim3A_36 = vector.broadcast %broadcast_in_dim3A_35 : f32 to vector<16xf32>
    %broadcast_in_dim3A_37 = arith.constant 0.000000e+00 : f32
    %broadcast_in_dim3A_38 = vector.broadcast %broadcast_in_dim3A_37 : f32 to vector<16xf32>
    %broadcast_in_dim3A_39 = arith.constant 0.000000e+00 : f32
    %broadcast_in_dim3A_40 = vector.broadcast %broadcast_in_dim3A_39 : f32 to vector<16xf32>
    %broadcast_in_dim3A_41 = arith.constant 0.000000e+00 : f32
    %broadcast_in_dim3A_42 = vector.broadcast %broadcast_in_dim3A_41 : f32 to vector<16xf32>
    %broadcast_in_dim3A_43 = arith.constant 0.000000e+00 : f32
    %broadcast_in_dim3A_44 = vector.broadcast %broadcast_in_dim3A_43 : f32 to vector<16xf32>
    %broadcast_in_dim3A_45 = arith.constant 0.000000e+00 : f32
    %broadcast_in_dim3A_46 = vector.broadcast %broadcast_in_dim3A_45 : f32 to vector<16xf32>
    %broadcast_in_dim3A_47 = arith.constant 0.000000e+00 : f32
    %broadcast_in_dim3A_48 = vector.broadcast %broadcast_in_dim3A_47 : f32 to vector<16xf32>
    %broadcast_in_dim3A_49 = arith.constant 0.000000e+00 : f32
    %broadcast_in_dim3A_50 = vector.broadcast %broadcast_in_dim3A_49 : f32 to vector<16xf32>
    %broadcast_in_dim3A_51 = arith.constant 0.000000e+00 : f32
    %broadcast_in_dim3A_52 = vector.broadcast %broadcast_in_dim3A_51 : f32 to vector<16xf32>
    %broadcast_in_dim3A_53 = arith.constant 0.000000e+00 : f32
    %broadcast_in_dim3A_54 = vector.broadcast %broadcast_in_dim3A_53 : f32 to vector<16xf32>
    %broadcast_in_dim3A_55 = arith.constant 0.000000e+00 : f32
    %broadcast_in_dim3A_56 = vector.broadcast %broadcast_in_dim3A_55 : f32 to vector<16xf32>
    %scan3A = arith.constant 0 : i32
    %scan3A_57 = arith.constant 16 : i32
    %scan3A_58 = arith.addi %scan3A, %scan3A_57 : i32
    %scan3A_59 = arith.constant 1 : i32
    %scan3A_60:16 = scf.for %scan3A_125 = %scan3A to %scan3A_58 step %scan3A_59 iter_args(%scan3A_126 = %broadcast_in_dim3A_26, %scan3A_127 = %broadcast_in_dim3A_28, %scan3A_128 = %broadcast_in_dim3A_30, %scan3A_129 = %broadcast_in_dim3A_32, %scan3A_130 = %broadcast_in_dim3A_34, %scan3A_131 = %broadcast_in_dim3A_36, %scan3A_132 = %broadcast_in_dim3A_38, %scan3A_133 = %broadcast_in_dim3A_40, %scan3A_134 = %broadcast_in_dim3A_42, %scan3A_135 = %broadcast_in_dim3A_44, %scan3A_136 = %broadcast_in_dim3A_46, %scan3A_137 = %broadcast_in_dim3A_48, %scan3A_138 = %broadcast_in_dim3A_50, %scan3A_139 = %broadcast_in_dim3A_52, %scan3A_140 = %broadcast_in_dim3A_54, %scan3A_141 = %broadcast_in_dim3A_56) -> (vector<16xf32>, vector<16xf32>, vector<16xf32>, vector<16xf32>, vector<16xf32>, vector<16xf32>, vector<16xf32>, vector<16xf32>, vector<16xf32>, vector<16xf32>, vector<16xf32>, vector<16xf32>, vector<16xf32>, vector<16xf32>, vector<16xf32>, vector<16xf32>)  : i32 {
      %mul3A_142 = arith.constant 4 : i32
      %mul3A_143 = arith.muli %scan3A_125, %mul3A_142 : i32
      %dma_wait3A = arith.constant 0 : i32
      %dma_wait3A_144 = tpu.memref_slice %arg2[%mul3A_2, %dma_wait3A] : memref<131072x256xf32, #tpu.memory_space<hbm>> -> memref<64x256xf32, #tpu.memory_space<hbm>>
      %dma_wait3A_145 = arith.constant 0 : i32
      %dma_wait3A_146 = tpu.memref_slice %arg2[%mul3A_2, %dma_wait3A_145] : memref<131072x256xf32, #tpu.memory_space<hbm>> -> memref<64x256xf32, #tpu.memory_space<hbm>>
      tpu.wait_dma2 semaphore(%arg9 : memref<!tpu.dma_semaphore, #tpu.memory_space<semaphore_mem>>) src(%dma_wait3A_146 : memref<64x256xf32, #tpu.memory_space<hbm>>) dst(%arg4 : memref<64x256xf32, #tpu.memory_space<vmem>>)
      %scan3A_147 = arith.constant 0 : i32
      %scan3A_148 = arith.constant 32 : i32
      %scan3A_149 = arith.addi %scan3A_147, %scan3A_148 : i32
      %scan3A_150 = arith.constant 1 : i32
      %scan3A_151:16 = scf.for %scan3A_216 = %scan3A_147 to %scan3A_149 step %scan3A_150 iter_args(%scan3A_217 = %scan3A_126, %scan3A_218 = %scan3A_127, %scan3A_219 = %scan3A_128, %scan3A_220 = %scan3A_129, %scan3A_221 = %scan3A_130, %scan3A_222 = %scan3A_131, %scan3A_223 = %scan3A_132, %scan3A_224 = %scan3A_133, %scan3A_225 = %scan3A_134, %scan3A_226 = %scan3A_135, %scan3A_227 = %scan3A_136, %scan3A_228 = %scan3A_137, %scan3A_229 = %scan3A_138, %scan3A_230 = %scan3A_139, %scan3A_231 = %scan3A_140, %scan3A_232 = %scan3A_141) -> (vector<16xf32>, vector<16xf32>, vector<16xf32>, vector<16xf32>, vector<16xf32>, vector<16xf32>, vector<16xf32>, vector<16xf32>, vector<16xf32>, vector<16xf32>, vector<16xf32>, vector<16xf32>, vector<16xf32>, vector<16xf32>, vector<16xf32>, vector<16xf32>)  : i32 {
        %mul3A_233 = arith.constant 2 : i32
        %mul3A_234 = arith.muli %scan3A_216, %mul3A_233 : i32
        %get3A = arith.index_cast %mul3A_234 : i32 to index
        %get3A_235 = arith.constant 0 : index
        %get3A_236 = tpu.vector_load %arg4[%get3A, %get3A_235] {strides = array<i32>} : memref<64x256xf32, #tpu.memory_space<vmem>>, vector<1x16xf32>,
        %get3A_237 = vector.shape_cast %get3A_236 : vector<1x16xf32> to vector<16xf32>
        %add3A_238 = arith.addf %scan3A_217, %get3A_237 : vector<16xf32>
        %get3A_239 = arith.index_cast %mul3A_234 : i32 to index
        %get3A_240 = arith.constant 16 : index
        %get3A_241 = tpu.vector_load %arg4[%get3A_239, %get3A_240] {strides = array<i32>} : memref<64x256xf32, #tpu.memory_space<vmem>>, vector<1x16xf32>,
        %get3A_242 = vector.shape_cast %get3A_241 : vector<1x16xf32> to vector<16xf32>
        %add3A_243 = arith.addf %scan3A_218, %get3A_242 : vector<16xf32>
        %get3A_244 = arith.index_cast %mul3A_234 : i32 to index
        %get3A_245 = arith.constant 32 : index
        %get3A_246 = tpu.vector_load %arg4[%get3A_244, %get3A_245] {strides = array<i32>} : memref<64x256xf32, #tpu.memory_space<vmem>>, vector<1x16xf32>,
        %get3A_247 = vector.shape_cast %get3A_246 : vector<1x16xf32> to vector<16xf32>
        %add3A_248 = arith.addf %scan3A_219, %get3A_247 : vector<16xf32>
        %get3A_249 = arith.index_cast %mul3A_234 : i32 to index
        %get3A_250 = arith.constant 48 : index
        %get3A_251 = tpu.vector_load %arg4[%get3A_249, %get3A_250] {strides = array<i32>} : memref<64x256xf32, #tpu.memory_space<vmem>>, vector<1x16xf32>,
        %get3A_252 = vector.shape_cast %get3A_251 : vector<1x16xf32> to vector<16xf32>
        %add3A_253 = arith.addf %scan3A_220, %get3A_252 : vector<16xf32>
        %get3A_254 = arith.index_cast %mul3A_234 : i32 to index
        %get3A_255 = arith.constant 64 : index
        %get3A_256 = tpu.vector_load %arg4[%get3A_254, %get3A_255] {strides = array<i32>} : memref<64x256xf32, #tpu.memory_space<vmem>>, vector<1x16xf32>,
        %get3A_257 = vector.shape_cast %get3A_256 : vector<1x16xf32> to vector<16xf32>
        %add3A_258 = arith.addf %scan3A_221, %get3A_257 : vector<16xf32>
        %get3A_259 = arith.index_cast %mul3A_234 : i32 to index
        %get3A_260 = arith.constant 80 : index
        %get3A_261 = tpu.vector_load %arg4[%get3A_259, %get3A_260] {strides = array<i32>} : memref<64x256xf32, #tpu.memory_space<vmem>>, vector<1x16xf32>,
        %get3A_262 = vector.shape_cast %get3A_261 : vector<1x16xf32> to vector<16xf32>
        %add3A_263 = arith.addf %scan3A_222, %get3A_262 : vector<16xf32>
        %get3A_264 = arith.index_cast %mul3A_234 : i32 to index
        %get3A_265 = arith.constant 96 : index
        %get3A_266 = tpu.vector_load %arg4[%get3A_264, %get3A_265] {strides = array<i32>} : memref<64x256xf32, #tpu.memory_space<vmem>>, vector<1x16xf32>,
        %get3A_267 = vector.shape_cast %get3A_266 : vector<1x16xf32> to vector<16xf32>
        %add3A_268 = arith.addf %scan3A_223, %get3A_267 : vector<16xf32>
        %get3A_269 = arith.index_cast %mul3A_234 : i32 to index
        %get3A_270 = arith.constant 112 : index
        %get3A_271 = tpu.vector_load %arg4[%get3A_269, %get3A_270] {strides = array<i32>} : memref<64x256xf32, #tpu.memory_space<vmem>>, vector<1x16xf32>,
        %get3A_272 = vector.shape_cast %get3A_271 : vector<1x16xf32> to vector<16xf32>
        %add3A_273 = arith.addf %scan3A_224, %get3A_272 : vector<16xf32>
        %get3A_274 = arith.index_cast %mul3A_234 : i32 to index
        %get3A_275 = arith.constant 128 : index
        %get3A_276 = tpu.vector_load %arg4[%get3A_274, %get3A_275] {strides = array<i32>} : memref<64x256xf32, #tpu.memory_space<vmem>>, vector<1x16xf32>,
        %get3A_277 = vector.shape_cast %get3A_276 : vector<1x16xf32> to vector<16xf32>
        %add3A_278 = arith.addf %scan3A_225, %get3A_277 : vector<16xf32>
        %get3A_279 = arith.index_cast %mul3A_234 : i32 to index
        %get3A_280 = arith.constant 144 : index
        %get3A_281 = tpu.vector_load %arg4[%get3A_279, %get3A_280] {strides = array<i32>} : memref<64x256xf32, #tpu.memory_space<vmem>>, vector<1x16xf32>,
        %get3A_282 = vector.shape_cast %get3A_281 : vector<1x16xf32> to vector<16xf32>
        %add3A_283 = arith.addf %scan3A_226, %get3A_282 : vector<16xf32>
        %get3A_284 = arith.index_cast %mul3A_234 : i32 to index
        %get3A_285 = arith.constant 160 : index
        %get3A_286 = tpu.vector_load %arg4[%get3A_284, %get3A_285] {strides = array<i32>} : memref<64x256xf32, #tpu.memory_space<vmem>>, vector<1x16xf32>,
        %get3A_287 = vector.shape_cast %get3A_286 : vector<1x16xf32> to vector<16xf32>
        %add3A_288 = arith.addf %scan3A_227, %get3A_287 : vector<16xf32>
        %get3A_289 = arith.index_cast %mul3A_234 : i32 to index
        %get3A_290 = arith.constant 176 : index
        %get3A_291 = tpu.vector_load %arg4[%get3A_289, %get3A_290] {strides = array<i32>} : memref<64x256xf32, #tpu.memory_space<vmem>>, vector<1x16xf32>,
        %get3A_292 = vector.shape_cast %get3A_291 : vector<1x16xf32> to vector<16xf32>
        %add3A_293 = arith.addf %scan3A_228, %get3A_292 : vector<16xf32>
        %get3A_294 = arith.index_cast %mul3A_234 : i32 to index
        %get3A_295 = arith.constant 192 : index
        %get3A_296 = tpu.vector_load %arg4[%get3A_294, %get3A_295] {strides = array<i32>} : memref<64x256xf32, #tpu.memory_space<vmem>>, vector<1x16xf32>,
        %get3A_297 = vector.shape_cast %get3A_296 : vector<1x16xf32> to vector<16xf32>
        %add3A_298 = arith.addf %scan3A_229, %get3A_297 : vector<16xf32>
        %get3A_299 = arith.index_cast %mul3A_234 : i32 to index
        %get3A_300 = arith.constant 208 : index
        %get3A_301 = tpu.vector_load %arg4[%get3A_299, %get3A_300] {strides = array<i32>} : memref<64x256xf32, #tpu.memory_space<vmem>>, vector<1x16xf32>,
        %get3A_302 = vector.shape_cast %get3A_301 : vector<1x16xf32> to vector<16xf32>
        %add3A_303 = arith.addf %scan3A_230, %get3A_302 : vector<16xf32>
        %get3A_304 = arith.index_cast %mul3A_234 : i32 to index
        %get3A_305 = arith.constant 224 : index
        %get3A_306 = tpu.vector_load %arg4[%get3A_304, %get3A_305] {strides = array<i32>} : memref<64x256xf32, #tpu.memory_space<vmem>>, vector<1x16xf32>,
        %get3A_307 = vector.shape_cast %get3A_306 : vector<1x16xf32> to vector<16xf32>
        %add3A_308 = arith.addf %scan3A_231, %get3A_307 : vector<16xf32>
        %get3A_309 = arith.index_cast %mul3A_234 : i32 to index
        %get3A_310 = arith.constant 240 : index
        %get3A_311 = tpu.vector_load %arg4[%get3A_309, %get3A_310] {strides = array<i32>} : memref<64x256xf32, #tpu.memory_space<vmem>>, vector<1x16xf32>,
        %get3A_312 = vector.shape_cast %get3A_311 : vector<1x16xf32> to vector<16xf32>
        %add3A_313 = arith.addf %scan3A_232, %get3A_312 : vector<16xf32>
        %add3A_314 = arith.constant 1 : i32
        %add3A_315 = arith.addi %mul3A_234, %add3A_314 : i32
        %get3A_316 = arith.index_cast %add3A_315 : i32 to index
        %get3A_317 = arith.constant 0 : index
        %get3A_318 = tpu.vector_load %arg4[%get3A_316, %get3A_317] {strides = array<i32>} : memref<64x256xf32, #tpu.memory_space<vmem>>, vector<1x16xf32>,
        %get3A_319 = vector.shape_cast %get3A_318 : vector<1x16xf32> to vector<16xf32>
        %add3A_320 = arith.addf %add3A_238, %get3A_319 : vector<16xf32>
        %add3A_321 = arith.constant 1 : i32
        %add3A_322 = arith.addi %mul3A_234, %add3A_321 : i32
        %get3A_323 = arith.index_cast %add3A_322 : i32 to index
        %get3A_324 = arith.constant 16 : index
        %get3A_325 = tpu.vector_load %arg4[%get3A_323, %get3A_324] {strides = array<i32>} : memref<64x256xf32, #tpu.memory_space<vmem>>, vector<1x16xf32>,
        %get3A_326 = vector.shape_cast %get3A_325 : vector<1x16xf32> to vector<16xf32>
        %add3A_327 = arith.addf %add3A_243, %get3A_326 : vector<16xf32>
        %add3A_328 = arith.constant 1 : i32
        %add3A_329 = arith.addi %mul3A_234, %add3A_328 : i32
        %get3A_330 = arith.index_cast %add3A_329 : i32 to index
        %get3A_331 = arith.constant 32 : index
        %get3A_332 = tpu.vector_load %arg4[%get3A_330, %get3A_331] {strides = array<i32>} : memref<64x256xf32, #tpu.memory_space<vmem>>, vector<1x16xf32>,
        %get3A_333 = vector.shape_cast %get3A_332 : vector<1x16xf32> to vector<16xf32>
        %add3A_334 = arith.addf %add3A_248, %get3A_333 : vector<16xf32>
        %add3A_335 = arith.constant 1 : i32
        %add3A_336 = arith.addi %mul3A_234, %add3A_335 : i32
        %get3A_337 = arith.index_cast %add3A_336 : i32 to index
        %get3A_338 = arith.constant 48 : index
        %get3A_339 = tpu.vector_load %arg4[%get3A_337, %get3A_338] {strides = array<i32>} : memref<64x256xf32, #tpu.memory_space<vmem>>, vector<1x16xf32>,
        %get3A_340 = vector.shape_cast %get3A_339 : vector<1x16xf32> to vector<16xf32>
        %add3A_341 = arith.addf %add3A_253, %get3A_340 : vector<16xf32>
        %add3A_342 = arith.constant 1 : i32
        %add3A_343 = arith.addi %mul3A_234, %add3A_342 : i32
        %get3A_344 = arith.index_cast %add3A_343 : i32 to index
        %get3A_345 = arith.constant 64 : index
        %get3A_346 = tpu.vector_load %arg4[%get3A_344, %get3A_345] {strides = array<i32>} : memref<64x256xf32, #tpu.memory_space<vmem>>, vector<1x16xf32>,
        %get3A_347 = vector.shape_cast %get3A_346 : vector<1x16xf32> to vector<16xf32>
        %add3A_348 = arith.addf %add3A_258, %get3A_347 : vector<16xf32>
        %add3A_349 = arith.constant 1 : i32
        %add3A_350 = arith.addi %mul3A_234, %add3A_349 : i32
        %get3A_351 = arith.index_cast %add3A_350 : i32 to index
        %get3A_352 = arith.constant 80 : index
        %get3A_353 = tpu.vector_load %arg4[%get3A_351, %get3A_352] {strides = array<i32>} : memref<64x256xf32, #tpu.memory_space<vmem>>, vector<1x16xf32>,
        %get3A_354 = vector.shape_cast %get3A_353 : vector<1x16xf32> to vector<16xf32>
        %add3A_355 = arith.addf %add3A_263, %get3A_354 : vector<16xf32>
        %add3A_356 = arith.constant 1 : i32
        %add3A_357 = arith.addi %mul3A_234, %add3A_356 : i32
        %get3A_358 = arith.index_cast %add3A_357 : i32 to index
        %get3A_359 = arith.constant 96 : index
        %get3A_360 = tpu.vector_load %arg4[%get3A_358, %get3A_359] {strides = array<i32>} : memref<64x256xf32, #tpu.memory_space<vmem>>, vector<1x16xf32>,
        %get3A_361 = vector.shape_cast %get3A_360 : vector<1x16xf32> to vector<16xf32>
        %add3A_362 = arith.addf %add3A_268, %get3A_361 : vector<16xf32>
        %add3A_363 = arith.constant 1 : i32
        %add3A_364 = arith.addi %mul3A_234, %add3A_363 : i32
        %get3A_365 = arith.index_cast %add3A_364 : i32 to index
        %get3A_366 = arith.constant 112 : index
        %get3A_367 = tpu.vector_load %arg4[%get3A_365, %get3A_366] {strides = array<i32>} : memref<64x256xf32, #tpu.memory_space<vmem>>, vector<1x16xf32>,
        %get3A_368 = vector.shape_cast %get3A_367 : vector<1x16xf32> to vector<16xf32>
        %add3A_369 = arith.addf %add3A_273, %get3A_368 : vector<16xf32>
        %add3A_370 = arith.constant 1 : i32
        %add3A_371 = arith.addi %mul3A_234, %add3A_370 : i32
        %get3A_372 = arith.index_cast %add3A_371 : i32 to index
        %get3A_373 = arith.constant 128 : index
        %get3A_374 = tpu.vector_load %arg4[%get3A_372, %get3A_373] {strides = array<i32>} : memref<64x256xf32, #tpu.memory_space<vmem>>, vector<1x16xf32>,
        %get3A_375 = vector.shape_cast %get3A_374 : vector<1x16xf32> to vector<16xf32>
        %add3A_376 = arith.addf %add3A_278, %get3A_375 : vector<16xf32>
        %add3A_377 = arith.constant 1 : i32
        %add3A_378 = arith.addi %mul3A_234, %add3A_377 : i32
        %get3A_379 = arith.index_cast %add3A_378 : i32 to index
        %get3A_380 = arith.constant 144 : index
        %get3A_381 = tpu.vector_load %arg4[%get3A_379, %get3A_380] {strides = array<i32>} : memref<64x256xf32, #tpu.memory_space<vmem>>, vector<1x16xf32>,
        %get3A_382 = vector.shape_cast %get3A_381 : vector<1x16xf32> to vector<16xf32>
        %add3A_383 = arith.addf %add3A_283, %get3A_382 : vector<16xf32>
        %add3A_384 = arith.constant 1 : i32
        %add3A_385 = arith.addi %mul3A_234, %add3A_384 : i32
        %get3A_386 = arith.index_cast %add3A_385 : i32 to index
        %get3A_387 = arith.constant 160 : index
        %get3A_388 = tpu.vector_load %arg4[%get3A_386, %get3A_387] {strides = array<i32>} : memref<64x256xf32, #tpu.memory_space<vmem>>, vector<1x16xf32>,
        %get3A_389 = vector.shape_cast %get3A_388 : vector<1x16xf32> to vector<16xf32>
        %add3A_390 = arith.addf %add3A_288, %get3A_389 : vector<16xf32>
        %add3A_391 = arith.constant 1 : i32
        %add3A_392 = arith.addi %mul3A_234, %add3A_391 : i32
        %get3A_393 = arith.index_cast %add3A_392 : i32 to index
        %get3A_394 = arith.constant 176 : index
        %get3A_395 = tpu.vector_load %arg4[%get3A_393, %get3A_394] {strides = array<i32>} : memref<64x256xf32, #tpu.memory_space<vmem>>, vector<1x16xf32>,
        %get3A_396 = vector.shape_cast %get3A_395 : vector<1x16xf32> to vector<16xf32>
        %add3A_397 = arith.addf %add3A_293, %get3A_396 : vector<16xf32>
        %add3A_398 = arith.constant 1 : i32
        %add3A_399 = arith.addi %mul3A_234, %add3A_398 : i32
        %get3A_400 = arith.index_cast %add3A_399 : i32 to index
        %get3A_401 = arith.constant 192 : index
        %get3A_402 = tpu.vector_load %arg4[%get3A_400, %get3A_401] {strides = array<i32>} : memref<64x256xf32, #tpu.memory_space<vmem>>, vector<1x16xf32>,
        %get3A_403 = vector.shape_cast %get3A_402 : vector<1x16xf32> to vector<16xf32>
        %add3A_404 = arith.addf %add3A_298, %get3A_403 : vector<16xf32>
        %add3A_405 = arith.constant 1 : i32
        %add3A_406 = arith.addi %mul3A_234, %add3A_405 : i32
        %get3A_407 = arith.index_cast %add3A_406 : i32 to index
        %get3A_408 = arith.constant 208 : index
        %get3A_409 = tpu.vector_load %arg4[%get3A_407, %get3A_408] {strides = array<i32>} : memref<64x256xf32, #tpu.memory_space<vmem>>, vector<1x16xf32>,
        %get3A_410 = vector.shape_cast %get3A_409 : vector<1x16xf32> to vector<16xf32>
        %add3A_411 = arith.addf %add3A_303, %get3A_410 : vector<16xf32>
        %add3A_412 = arith.constant 1 : i32
        %add3A_413 = arith.addi %mul3A_234, %add3A_412 : i32
        %get3A_414 = arith.index_cast %add3A_413 : i32 to index
        %get3A_415 = arith.constant 224 : index
        %get3A_416 = tpu.vector_load %arg4[%get3A_414, %get3A_415] {strides = array<i32>} : memref<64x256xf32, #tpu.memory_space<vmem>>, vector<1x16xf32>,
        %get3A_417 = vector.shape_cast %get3A_416 : vector<1x16xf32> to vector<16xf32>
        %add3A_418 = arith.addf %add3A_308, %get3A_417 : vector<16xf32>
        %add3A_419 = arith.constant 1 : i32
        %add3A_420 = arith.addi %mul3A_234, %add3A_419 : i32
        %get3A_421 = arith.index_cast %add3A_420 : i32 to index
        %get3A_422 = arith.constant 240 : index
        %get3A_423 = tpu.vector_load %arg4[%get3A_421, %get3A_422] {strides = array<i32>} : memref<64x256xf32, #tpu.memory_space<vmem>>, vector<1x16xf32>,
        %get3A_424 = vector.shape_cast %get3A_423 : vector<1x16xf32> to vector<16xf32>
        %add3A_425 = arith.addf %add3A_313, %get3A_424 : vector<16xf32>
        scf.yield %add3A_320, %add3A_327, %add3A_334, %add3A_341, %add3A_348, %add3A_355, %add3A_362, %add3A_369, %add3A_376, %add3A_383, %add3A_390, %add3A_397, %add3A_404, %add3A_411, %add3A_418, %add3A_425 : vector<16xf32>, vector<16xf32>, vector<16xf32>, vector<16xf32>, vector<16xf32>, vector<16xf32>, vector<16xf32>, vector<16xf32>, vector<16xf32>, vector<16xf32>, vector<16xf32>, vector<16xf32>, vector<16xf32>, vector<16xf32>, vector<16xf32>, vector<16xf32>
      }
      %scan3A_152 = arith.constant 32 : i32
      %add3A_153 = arith.constant 4 : i32
      %add3A_154 = arith.addi %mul3A_143, %add3A_153 : i32
      %add3A_155 = arith.constant 0 : i32
      %add3A_156 = arith.addi %add3A_154, %add3A_155 : i32
      %lt3A = arith.constant 64 : i32
      %lt3A_157 = arith.cmpi slt, %add3A_156, %lt3A : i32
      %convert_element_type3A = arith.extui %lt3A_157 : i1 to i32
      %cond3A = arith.constant 0 : i32
      %cond3A_158 = arith.cmpi ne, %convert_element_type3A, %cond3A : i32
      scf.if %cond3A_158 {
        %add3A_216 = arith.constant 4 : i32
        %add3A_217 = arith.addi %mul3A_143, %add3A_216 : i32
        %add3A_218 = arith.constant 0 : i32
        %add3A_219 = arith.addi %add3A_217, %add3A_218 : i32
        %mul3A_220 = arith.constant 64 : i32
        %mul3A_221 = arith.muli %add3A_219, %mul3A_220 : i32
        %add3A_222 = arith.addi %mul3A_2, %mul3A_221 : i32
        %dma_start3A_223 = arith.constant 0 : i32
        %dma_start3A_224 = tpu.memref_slice %arg2[%add3A_222, %dma_start3A_223] : memref<131072x256xf32, #tpu.memory_space<hbm>> -> memref<64x256xf32, #tpu.memory_space<hbm>>
        %dma_start3A_225 = arith.constant 0 : i32
        %dma_start3A_226 = tpu.memref_slice %arg2[%add3A_222, %dma_start3A_225] : memref<131072x256xf32, #tpu.memory_space<hbm>> -> memref<64x256xf32, #tpu.memory_space<hbm>>
        tpu.enqueue_dma source(%dma_start3A_226 : memref<64x256xf32, #tpu.memory_space<hbm>>) target(%arg4 : memref<64x256xf32, #tpu.memory_space<vmem>>) target_semaphore(%arg9 : memref<!tpu.dma_semaphore, #tpu.memory_space<semaphore_mem>>)
      } else {
      }
      %dma_wait3A_159 = arith.constant 0 : i32
      %dma_wait3A_160 = tpu.memref_slice %arg2[%mul3A_2, %dma_wait3A_159] : memref<131072x256xf32, #tpu.memory_space<hbm>> -> memref<64x256xf32, #tpu.memory_space<hbm>>
      %dma_wait3A_161 = arith.constant 0 : i32
      %dma_wait3A_162 = tpu.memref_slice %arg2[%mul3A_2, %dma_wait3A_161] : memref<131072x256xf32, #tpu.memory_space<hbm>> -> memref<64x256xf32, #tpu.memory_space<hbm>>
      tpu.wait_dma2 semaphore(%arg10 : memref<!tpu.dma_semaphore, #tpu.memory_space<semaphore_mem>>) src(%dma_wait3A_162 : memref<64x256xf32, #tpu.memory_space<hbm>>) dst(%arg5 : memref<64x256xf32, #tpu.memory_space<vmem>>)
      %scan3A_163 = arith.constant 0 : i32
      %scan3A_164 = arith.constant 32 : i32
      %scan3A_165 = arith.addi %scan3A_163, %scan3A_164 : i32
      %scan3A_166 = arith.constant 1 : i32
      %scan3A_167:16 = scf.for %scan3A_216 = %scan3A_163 to %scan3A_165 step %scan3A_166 iter_args(%scan3A_217 = %scan3A_151#0, %scan3A_218 = %scan3A_151#1, %scan3A_219 = %scan3A_151#2, %scan3A_220 = %scan3A_151#3, %scan3A_221 = %scan3A_151#4, %scan3A_222 = %scan3A_151#5, %scan3A_223 = %scan3A_151#6, %scan3A_224 = %scan3A_151#7, %scan3A_225 = %scan3A_151#8, %scan3A_226 = %scan3A_151#9, %scan3A_227 = %scan3A_151#10, %scan3A_228 = %scan3A_151#11, %scan3A_229 = %scan3A_151#12, %scan3A_230 = %scan3A_151#13, %scan3A_231 = %scan3A_151#14, %scan3A_232 = %scan3A_151#15) -> (vector<16xf32>, vector<16xf32>, vector<16xf32>, vector<16xf32>, vector<16xf32>, vector<16xf32>, vector<16xf32>, vector<16xf32>, vector<16xf32>, vector<16xf32>, vector<16xf32>, vector<16xf32>, vector<16xf32>, vector<16xf32>, vector<16xf32>, vector<16xf32>)  : i32 {
        %mul3A_233 = arith.constant 2 : i32
        %mul3A_234 = arith.muli %scan3A_216, %mul3A_233 : i32
        %get3A = arith.index_cast %mul3A_234 : i32 to index
        %get3A_235 = arith.constant 0 : index
        %get3A_236 = tpu.vector_load %arg5[%get3A, %get3A_235] {strides = array<i32>} : memref<64x256xf32, #tpu.memory_space<vmem>>, vector<1x16xf32>,
        %get3A_237 = vector.shape_cast %get3A_236 : vector<1x16xf32> to vector<16xf32>
        %add3A_238 = arith.addf %scan3A_217, %get3A_237 : vector<16xf32>
        %get3A_239 = arith.index_cast %mul3A_234 : i32 to index
        %get3A_240 = arith.constant 16 : index
        %get3A_241 = tpu.vector_load %arg5[%get3A_239, %get3A_240] {strides = array<i32>} : memref<64x256xf32, #tpu.memory_space<vmem>>, vector<1x16xf32>,
        %get3A_242 = vector.shape_cast %get3A_241 : vector<1x16xf32> to vector<16xf32>
        %add3A_243 = arith.addf %scan3A_218, %get3A_242 : vector<16xf32>
        %get3A_244 = arith.index_cast %mul3A_234 : i32 to index
        %get3A_245 = arith.constant 32 : index
        %get3A_246 = tpu.vector_load %arg5[%get3A_244, %get3A_245] {strides = array<i32>} : memref<64x256xf32, #tpu.memory_space<vmem>>, vector<1x16xf32>,
        %get3A_247 = vector.shape_cast %get3A_246 : vector<1x16xf32> to vector<16xf32>
        %add3A_248 = arith.addf %scan3A_219, %get3A_247 : vector<16xf32>
        %get3A_249 = arith.index_cast %mul3A_234 : i32 to index
        %get3A_250 = arith.constant 48 : index
        %get3A_251 = tpu.vector_load %arg5[%get3A_249, %get3A_250] {strides = array<i32>} : memref<64x256xf32, #tpu.memory_space<vmem>>, vector<1x16xf32>,
        %get3A_252 = vector.shape_cast %get3A_251 : vector<1x16xf32> to vector<16xf32>
        %add3A_253 = arith.addf %scan3A_220, %get3A_252 : vector<16xf32>
        %get3A_254 = arith.index_cast %mul3A_234 : i32 to index
        %get3A_255 = arith.constant 64 : index
        %get3A_256 = tpu.vector_load %arg5[%get3A_254, %get3A_255] {strides = array<i32>} : memref<64x256xf32, #tpu.memory_space<vmem>>, vector<1x16xf32>,
        %get3A_257 = vector.shape_cast %get3A_256 : vector<1x16xf32> to vector<16xf32>
        %add3A_258 = arith.addf %scan3A_221, %get3A_257 : vector<16xf32>
        %get3A_259 = arith.index_cast %mul3A_234 : i32 to index
        %get3A_260 = arith.constant 80 : index
        %get3A_261 = tpu.vector_load %arg5[%get3A_259, %get3A_260] {strides = array<i32>} : memref<64x256xf32, #tpu.memory_space<vmem>>, vector<1x16xf32>,
        %get3A_262 = vector.shape_cast %get3A_261 : vector<1x16xf32> to vector<16xf32>
        %add3A_263 = arith.addf %scan3A_222, %get3A_262 : vector<16xf32>
        %get3A_264 = arith.index_cast %mul3A_234 : i32 to index
        %get3A_265 = arith.constant 96 : index
        %get3A_266 = tpu.vector_load %arg5[%get3A_264, %get3A_265] {strides = array<i32>} : memref<64x256xf32, #tpu.memory_space<vmem>>, vector<1x16xf32>,
        %get3A_267 = vector.shape_cast %get3A_266 : vector<1x16xf32> to vector<16xf32>
        %add3A_268 = arith.addf %scan3A_223, %get3A_267 : vector<16xf32>
        %get3A_269 = arith.index_cast %mul3A_234 : i32 to index
        %get3A_270 = arith.constant 112 : index
        %get3A_271 = tpu.vector_load %arg5[%get3A_269, %get3A_270] {strides = array<i32>} : memref<64x256xf32, #tpu.memory_space<vmem>>, vector<1x16xf32>,
        %get3A_272 = vector.shape_cast %get3A_271 : vector<1x16xf32> to vector<16xf32>
        %add3A_273 = arith.addf %scan3A_224, %get3A_272 : vector<16xf32>
        %get3A_274 = arith.index_cast %mul3A_234 : i32 to index
        %get3A_275 = arith.constant 128 : index
        %get3A_276 = tpu.vector_load %arg5[%get3A_274, %get3A_275] {strides = array<i32>} : memref<64x256xf32, #tpu.memory_space<vmem>>, vector<1x16xf32>,
        %get3A_277 = vector.shape_cast %get3A_276 : vector<1x16xf32> to vector<16xf32>
        %add3A_278 = arith.addf %scan3A_225, %get3A_277 : vector<16xf32>
        %get3A_279 = arith.index_cast %mul3A_234 : i32 to index
        %get3A_280 = arith.constant 144 : index
        %get3A_281 = tpu.vector_load %arg5[%get3A_279, %get3A_280] {strides = array<i32>} : memref<64x256xf32, #tpu.memory_space<vmem>>, vector<1x16xf32>,
        %get3A_282 = vector.shape_cast %get3A_281 : vector<1x16xf32> to vector<16xf32>
        %add3A_283 = arith.addf %scan3A_226, %get3A_282 : vector<16xf32>
        %get3A_284 = arith.index_cast %mul3A_234 : i32 to index
        %get3A_285 = arith.constant 160 : index
        %get3A_286 = tpu.vector_load %arg5[%get3A_284, %get3A_285] {strides = array<i32>} : memref<64x256xf32, #tpu.memory_space<vmem>>, vector<1x16xf32>,
        %get3A_287 = vector.shape_cast %get3A_286 : vector<1x16xf32> to vector<16xf32>
        %add3A_288 = arith.addf %scan3A_227, %get3A_287 : vector<16xf32>
        %get3A_289 = arith.index_cast %mul3A_234 : i32 to index
        %get3A_290 = arith.constant 176 : index
        %get3A_291 = tpu.vector_load %arg5[%get3A_289, %get3A_290] {strides = array<i32>} : memref<64x256xf32, #tpu.memory_space<vmem>>, vector<1x16xf32>,
        %get3A_292 = vector.shape_cast %get3A_291 : vector<1x16xf32> to vector<16xf32>
        %add3A_293 = arith.addf %scan3A_228, %get3A_292 : vector<16xf32>
        %get3A_294 = arith.index_cast %mul3A_234 : i32 to index
        %get3A_295 = arith.constant 192 : index
        %get3A_296 = tpu.vector_load %arg5[%get3A_294, %get3A_295] {strides = array<i32>} : memref<64x256xf32, #tpu.memory_space<vmem>>, vector<1x16xf32>,
        %get3A_297 = vector.shape_cast %get3A_296 : vector<1x16xf32> to vector<16xf32>
        %add3A_298 = arith.addf %scan3A_229, %get3A_297 : vector<16xf32>
        %get3A_299 = arith.index_cast %mul3A_234 : i32 to index
        %get3A_300 = arith.constant 208 : index
        %get3A_301 = tpu.vector_load %arg5[%get3A_299, %get3A_300] {strides = array<i32>} : memref<64x256xf32, #tpu.memory_space<vmem>>, vector<1x16xf32>,
        %get3A_302 = vector.shape_cast %get3A_301 : vector<1x16xf32> to vector<16xf32>
        %add3A_303 = arith.addf %scan3A_230, %get3A_302 : vector<16xf32>
        %get3A_304 = arith.index_cast %mul3A_234 : i32 to index
        %get3A_305 = arith.constant 224 : index
        %get3A_306 = tpu.vector_load %arg5[%get3A_304, %get3A_305] {strides = array<i32>} : memref<64x256xf32, #tpu.memory_space<vmem>>, vector<1x16xf32>,
        %get3A_307 = vector.shape_cast %get3A_306 : vector<1x16xf32> to vector<16xf32>
        %add3A_308 = arith.addf %scan3A_231, %get3A_307 : vector<16xf32>
        %get3A_309 = arith.index_cast %mul3A_234 : i32 to index
        %get3A_310 = arith.constant 240 : index
        %get3A_311 = tpu.vector_load %arg5[%get3A_309, %get3A_310] {strides = array<i32>} : memref<64x256xf32, #tpu.memory_space<vmem>>, vector<1x16xf32>,
        %get3A_312 = vector.shape_cast %get3A_311 : vector<1x16xf32> to vector<16xf32>
        %add3A_313 = arith.addf %scan3A_232, %get3A_312 : vector<16xf32>
        %add3A_314 = arith.constant 1 : i32
        %add3A_315 = arith.addi %mul3A_234, %add3A_314 : i32
        %get3A_316 = arith.index_cast %add3A_315 : i32 to index
        %get3A_317 = arith.constant 0 : index
        %get3A_318 = tpu.vector_load %arg5[%get3A_316, %get3A_317] {strides = array<i32>} : memref<64x256xf32, #tpu.memory_space<vmem>>, vector<1x16xf32>,
        %get3A_319 = vector.shape_cast %get3A_318 : vector<1x16xf32> to vector<16xf32>
        %add3A_320 = arith.addf %add3A_238, %get3A_319 : vector<16xf32>
        %add3A_321 = arith.constant 1 : i32
        %add3A_322 = arith.addi %mul3A_234, %add3A_321 : i32
        %get3A_323 = arith.index_cast %add3A_322 : i32 to index
        %get3A_324 = arith.constant 16 : index
        %get3A_325 = tpu.vector_load %arg5[%get3A_323, %get3A_324] {strides = array<i32>} : memref<64x256xf32, #tpu.memory_space<vmem>>, vector<1x16xf32>,
        %get3A_326 = vector.shape_cast %get3A_325 : vector<1x16xf32> to vector<16xf32>
        %add3A_327 = arith.addf %add3A_243, %get3A_326 : vector<16xf32>
        %add3A_328 = arith.constant 1 : i32
        %add3A_329 = arith.addi %mul3A_234, %add3A_328 : i32
        %get3A_330 = arith.index_cast %add3A_329 : i32 to index
        %get3A_331 = arith.constant 32 : index
        %get3A_332 = tpu.vector_load %arg5[%get3A_330, %get3A_331] {strides = array<i32>} : memref<64x256xf32, #tpu.memory_space<vmem>>, vector<1x16xf32>,
        %get3A_333 = vector.shape_cast %get3A_332 : vector<1x16xf32> to vector<16xf32>
        %add3A_334 = arith.addf %add3A_248, %get3A_333 : vector<16xf32>
        %add3A_335 = arith.constant 1 : i32
        %add3A_336 = arith.addi %mul3A_234, %add3A_335 : i32
        %get3A_337 = arith.index_cast %add3A_336 : i32 to index
        %get3A_338 = arith.constant 48 : index
        %get3A_339 = tpu.vector_load %arg5[%get3A_337, %get3A_338] {strides = array<i32>} : memref<64x256xf32, #tpu.memory_space<vmem>>, vector<1x16xf32>,
        %get3A_340 = vector.shape_cast %get3A_339 : vector<1x16xf32> to vector<16xf32>
        %add3A_341 = arith.addf %add3A_253, %get3A_340 : vector<16xf32>
        %add3A_342 = arith.constant 1 : i32
        %add3A_343 = arith.addi %mul3A_234, %add3A_342 : i32
        %get3A_344 = arith.index_cast %add3A_343 : i32 to index
        %get3A_345 = arith.constant 64 : index
        %get3A_346 = tpu.vector_load %arg5[%get3A_344, %get3A_345] {strides = array<i32>} : memref<64x256xf32, #tpu.memory_space<vmem>>, vector<1x16xf32>,
        %get3A_347 = vector.shape_cast %get3A_346 : vector<1x16xf32> to vector<16xf32>
        %add3A_348 = arith.addf %add3A_258, %get3A_347 : vector<16xf32>
        %add3A_349 = arith.constant 1 : i32
        %add3A_350 = arith.addi %mul3A_234, %add3A_349 : i32
        %get3A_351 = arith.index_cast %add3A_350 : i32 to index
        %get3A_352 = arith.constant 80 : index
        %get3A_353 = tpu.vector_load %arg5[%get3A_351, %get3A_352] {strides = array<i32>} : memref<64x256xf32, #tpu.memory_space<vmem>>, vector<1x16xf32>,
        %get3A_354 = vector.shape_cast %get3A_353 : vector<1x16xf32> to vector<16xf32>
        %add3A_355 = arith.addf %add3A_263, %get3A_354 : vector<16xf32>
        %add3A_356 = arith.constant 1 : i32
        %add3A_357 = arith.addi %mul3A_234, %add3A_356 : i32
        %get3A_358 = arith.index_cast %add3A_357 : i32 to index
        %get3A_359 = arith.constant 96 : index
        %get3A_360 = tpu.vector_load %arg5[%get3A_358, %get3A_359] {strides = array<i32>} : memref<64x256xf32, #tpu.memory_space<vmem>>, vector<1x16xf32>,
        %get3A_361 = vector.shape_cast %get3A_360 : vector<1x16xf32> to vector<16xf32>
        %add3A_362 = arith.addf %add3A_268, %get3A_361 : vector<16xf32>
        %add3A_363 = arith.constant 1 : i32
        %add3A_364 = arith.addi %mul3A_234, %add3A_363 : i32
        %get3A_365 = arith.index_cast %add3A_364 : i32 to index
        %get3A_366 = arith.constant 112 : index
        %get3A_367 = tpu.vector_load %arg5[%get3A_365, %get3A_366] {strides = array<i32>} : memref<64x256xf32, #tpu.memory_space<vmem>>, vector<1x16xf32>,
        %get3A_368 = vector.shape_cast %get3A_367 : vector<1x16xf32> to vector<16xf32>
        %add3A_369 = arith.addf %add3A_273, %get3A_368 : vector<16xf32>
        %add3A_370 = arith.constant 1 : i32
        %add3A_371 = arith.addi %mul3A_234, %add3A_370 : i32
        %get3A_372 = arith.index_cast %add3A_371 : i32 to index
        %get3A_373 = arith.constant 128 : index
        %get3A_374 = tpu.vector_load %arg5[%get3A_372, %get3A_373] {strides = array<i32>} : memref<64x256xf32, #tpu.memory_space<vmem>>, vector<1x16xf32>,
        %get3A_375 = vector.shape_cast %get3A_374 : vector<1x16xf32> to vector<16xf32>
        %add3A_376 = arith.addf %add3A_278, %get3A_375 : vector<16xf32>
        %add3A_377 = arith.constant 1 : i32
        %add3A_378 = arith.addi %mul3A_234, %add3A_377 : i32
        %get3A_379 = arith.index_cast %add3A_378 : i32 to index
        %get3A_380 = arith.constant 144 : index
        %get3A_381 = tpu.vector_load %arg5[%get3A_379, %get3A_380] {strides = array<i32>} : memref<64x256xf32, #tpu.memory_space<vmem>>, vector<1x16xf32>,
        %get3A_382 = vector.shape_cast %get3A_381 : vector<1x16xf32> to vector<16xf32>
        %add3A_383 = arith.addf %add3A_283, %get3A_382 : vector<16xf32>
        %add3A_384 = arith.constant 1 : i32
        %add3A_385 = arith.addi %mul3A_234, %add3A_384 : i32
        %get3A_386 = arith.index_cast %add3A_385 : i32 to index
        %get3A_387 = arith.constant 160 : index
        %get3A_388 = tpu.vector_load %arg5[%get3A_386, %get3A_387] {strides = array<i32>} : memref<64x256xf32, #tpu.memory_space<vmem>>, vector<1x16xf32>,
        %get3A_389 = vector.shape_cast %get3A_388 : vector<1x16xf32> to vector<16xf32>
        %add3A_390 = arith.addf %add3A_288, %get3A_389 : vector<16xf32>
        %add3A_391 = arith.constant 1 : i32
        %add3A_392 = arith.addi %mul3A_234, %add3A_391 : i32
        %get3A_393 = arith.index_cast %add3A_392 : i32 to index
        %get3A_394 = arith.constant 176 : index
        %get3A_395 = tpu.vector_load %arg5[%get3A_393, %get3A_394] {strides = array<i32>} : memref<64x256xf32, #tpu.memory_space<vmem>>, vector<1x16xf32>,
        %get3A_396 = vector.shape_cast %get3A_395 : vector<1x16xf32> to vector<16xf32>
        %add3A_397 = arith.addf %add3A_293, %get3A_396 : vector<16xf32>
        %add3A_398 = arith.constant 1 : i32
        %add3A_399 = arith.addi %mul3A_234, %add3A_398 : i32
        %get3A_400 = arith.index_cast %add3A_399 : i32 to index
        %get3A_401 = arith.constant 192 : index
        %get3A_402 = tpu.vector_load %arg5[%get3A_400, %get3A_401] {strides = array<i32>} : memref<64x256xf32, #tpu.memory_space<vmem>>, vector<1x16xf32>,
        %get3A_403 = vector.shape_cast %get3A_402 : vector<1x16xf32> to vector<16xf32>
        %add3A_404 = arith.addf %add3A_298, %get3A_403 : vector<16xf32>
        %add3A_405 = arith.constant 1 : i32
        %add3A_406 = arith.addi %mul3A_234, %add3A_405 : i32
        %get3A_407 = arith.index_cast %add3A_406 : i32 to index
        %get3A_408 = arith.constant 208 : index
        %get3A_409 = tpu.vector_load %arg5[%get3A_407, %get3A_408] {strides = array<i32>} : memref<64x256xf32, #tpu.memory_space<vmem>>, vector<1x16xf32>,
        %get3A_410 = vector.shape_cast %get3A_409 : vector<1x16xf32> to vector<16xf32>
        %add3A_411 = arith.addf %add3A_303, %get3A_410 : vector<16xf32>
        %add3A_412 = arith.constant 1 : i32
        %add3A_413 = arith.addi %mul3A_234, %add3A_412 : i32
        %get3A_414 = arith.index_cast %add3A_413 : i32 to index
        %get3A_415 = arith.constant 224 : index
        %get3A_416 = tpu.vector_load %arg5[%get3A_414, %get3A_415] {strides = array<i32>} : memref<64x256xf32, #tpu.memory_space<vmem>>, vector<1x16xf32>,
        %get3A_417 = vector.shape_cast %get3A_416 : vector<1x16xf32> to vector<16xf32>
        %add3A_418 = arith.addf %add3A_308, %get3A_417 : vector<16xf32>
        %add3A_419 = arith.constant 1 : i32
        %add3A_420 = arith.addi %mul3A_234, %add3A_419 : i32
        %get3A_421 = arith.index_cast %add3A_420 : i32 to index
        %get3A_422 = arith.constant 240 : index
        %get3A_423 = tpu.vector_load %arg5[%get3A_421, %get3A_422] {strides = array<i32>} : memref<64x256xf32, #tpu.memory_space<vmem>>, vector<1x16xf32>,
        %get3A_424 = vector.shape_cast %get3A_423 : vector<1x16xf32> to vector<16xf32>
        %add3A_425 = arith.addf %add3A_313, %get3A_424 : vector<16xf32>
        scf.yield %add3A_320, %add3A_327, %add3A_334, %add3A_341, %add3A_348, %add3A_355, %add3A_362, %add3A_369, %add3A_376, %add3A_383, %add3A_390, %add3A_397, %add3A_404, %add3A_411, %add3A_418, %add3A_425 : vector<16xf32>, vector<16xf32>, vector<16xf32>, vector<16xf32>, vector<16xf32>, vector<16xf32>, vector<16xf32>, vector<16xf32>, vector<16xf32>, vector<16xf32>, vector<16xf32>, vector<16xf32>, vector<16xf32>, vector<16xf32>, vector<16xf32>, vector<16xf32>
      }
      %scan3A_168 = arith.constant 32 : i32
      %add3A_169 = arith.constant 4 : i32
      %add3A_170 = arith.addi %mul3A_143, %add3A_169 : i32
      %add3A_171 = arith.constant 1 : i32
      %add3A_172 = arith.addi %add3A_170, %add3A_171 : i32
      %lt3A_173 = arith.constant 64 : i32
      %lt3A_174 = arith.cmpi slt, %add3A_172, %lt3A_173 : i32
      %convert_element_type3A_175 = arith.extui %lt3A_174 : i1 to i32
      %cond3A_176 = arith.constant 0 : i32
      %cond3A_177 = arith.cmpi ne, %convert_element_type3A_175, %cond3A_176 : i32
      scf.if %cond3A_177 {
        %add3A_216 = arith.constant 4 : i32
        %add3A_217 = arith.addi %mul3A_143, %add3A_216 : i32
        %add3A_218 = arith.constant 1 : i32
        %add3A_219 = arith.addi %add3A_217, %add3A_218 : i32
        %mul3A_220 = arith.constant 64 : i32
        %mul3A_221 = arith.muli %add3A_219, %mul3A_220 : i32
        %add3A_222 = arith.addi %mul3A_2, %mul3A_221 : i32
        %dma_start3A_223 = arith.constant 0 : i32
        %dma_start3A_224 = tpu.memref_slice %arg2[%add3A_222, %dma_start3A_223] : memref<131072x256xf32, #tpu.memory_space<hbm>> -> memref<64x256xf32, #tpu.memory_space<hbm>>
        %dma_start3A_225 = arith.constant 0 : i32
        %dma_start3A_226 = tpu.memref_slice %arg2[%add3A_222, %dma_start3A_225] : memref<131072x256xf32, #tpu.memory_space<hbm>> -> memref<64x256xf32, #tpu.memory_space<hbm>>
        tpu.enqueue_dma source(%dma_start3A_226 : memref<64x256xf32, #tpu.memory_space<hbm>>) target(%arg5 : memref<64x256xf32, #tpu.memory_space<vmem>>) target_semaphore(%arg10 : memref<!tpu.dma_semaphore, #tpu.memory_space<semaphore_mem>>)
      } else {
      }
      %dma_wait3A_178 = arith.constant 0 : i32
      %dma_wait3A_179 = tpu.memref_slice %arg2[%mul3A_2, %dma_wait3A_178] : memref<131072x256xf32, #tpu.memory_space<hbm>> -> memref<64x256xf32, #tpu.memory_space<hbm>>
      %dma_wait3A_180 = arith.constant 0 : i32
      %dma_wait3A_181 = tpu.memref_slice %arg2[%mul3A_2, %dma_wait3A_180] : memref<131072x256xf32, #tpu.memory_space<hbm>> -> memref<64x256xf32, #tpu.memory_space<hbm>>
      tpu.wait_dma2 semaphore(%arg11 : memref<!tpu.dma_semaphore, #tpu.memory_space<semaphore_mem>>) src(%dma_wait3A_181 : memref<64x256xf32, #tpu.memory_space<hbm>>) dst(%arg6 : memref<64x256xf32, #tpu.memory_space<vmem>>)
      %scan3A_182 = arith.constant 0 : i32
      %scan3A_183 = arith.constant 32 : i32
      %scan3A_184 = arith.addi %scan3A_182, %scan3A_183 : i32
      %scan3A_185 = arith.constant 1 : i32
      %scan3A_186:16 = scf.for %scan3A_216 = %scan3A_182 to %scan3A_184 step %scan3A_185 iter_args(%scan3A_217 = %scan3A_167#0, %scan3A_218 = %scan3A_167#1, %scan3A_219 = %scan3A_167#2, %scan3A_220 = %scan3A_167#3, %scan3A_221 = %scan3A_167#4, %scan3A_222 = %scan3A_167#5, %scan3A_223 = %scan3A_167#6, %scan3A_224 = %scan3A_167#7, %scan3A_225 = %scan3A_167#8, %scan3A_226 = %scan3A_167#9, %scan3A_227 = %scan3A_167#10, %scan3A_228 = %scan3A_167#11, %scan3A_229 = %scan3A_167#12, %scan3A_230 = %scan3A_167#13, %scan3A_231 = %scan3A_167#14, %scan3A_232 = %scan3A_167#15) -> (vector<16xf32>, vector<16xf32>, vector<16xf32>, vector<16xf32>, vector<16xf32>, vector<16xf32>, vector<16xf32>, vector<16xf32>, vector<16xf32>, vector<16xf32>, vector<16xf32>, vector<16xf32>, vector<16xf32>, vector<16xf32>, vector<16xf32>, vector<16xf32>)  : i32 {
        %mul3A_233 = arith.constant 2 : i32
        %mul3A_234 = arith.muli %scan3A_216, %mul3A_233 : i32
        %get3A = arith.index_cast %mul3A_234 : i32 to index
        %get3A_235 = arith.constant 0 : index
        %get3A_236 = tpu.vector_load %arg6[%get3A, %get3A_235] {strides = array<i32>} : memref<64x256xf32, #tpu.memory_space<vmem>>, vector<1x16xf32>,
        %get3A_237 = vector.shape_cast %get3A_236 : vector<1x16xf32> to vector<16xf32>
        %add3A_238 = arith.addf %scan3A_217, %get3A_237 : vector<16xf32>
        %get3A_239 = arith.index_cast %mul3A_234 : i32 to index
        %get3A_240 = arith.constant 16 : index
        %get3A_241 = tpu.vector_load %arg6[%get3A_239, %get3A_240] {strides = array<i32>} : memref<64x256xf32, #tpu.memory_space<vmem>>, vector<1x16xf32>,
        %get3A_242 = vector.shape_cast %get3A_241 : vector<1x16xf32> to vector<16xf32>
        %add3A_243 = arith.addf %scan3A_218, %get3A_242 : vector<16xf32>
        %get3A_244 = arith.index_cast %mul3A_234 : i32 to index
        %get3A_245 = arith.constant 32 : index
        %get3A_246 = tpu.vector_load %arg6[%get3A_244, %get3A_245] {strides = array<i32>} : memref<64x256xf32, #tpu.memory_space<vmem>>, vector<1x16xf32>,
        %get3A_247 = vector.shape_cast %get3A_246 : vector<1x16xf32> to vector<16xf32>
        %add3A_248 = arith.addf %scan3A_219, %get3A_247 : vector<16xf32>
        %get3A_249 = arith.index_cast %mul3A_234 : i32 to index
        %get3A_250 = arith.constant 48 : index
        %get3A_251 = tpu.vector_load %arg6[%get3A_249, %get3A_250] {strides = array<i32>} : memref<64x256xf32, #tpu.memory_space<vmem>>, vector<1x16xf32>,
        %get3A_252 = vector.shape_cast %get3A_251 : vector<1x16xf32> to vector<16xf32>
        %add3A_253 = arith.addf %scan3A_220, %get3A_252 : vector<16xf32>
        %get3A_254 = arith.index_cast %mul3A_234 : i32 to index
        %get3A_255 = arith.constant 64 : index
        %get3A_256 = tpu.vector_load %arg6[%get3A_254, %get3A_255] {strides = array<i32>} : memref<64x256xf32, #tpu.memory_space<vmem>>, vector<1x16xf32>,
        %get3A_257 = vector.shape_cast %get3A_256 : vector<1x16xf32> to vector<16xf32>
        %add3A_258 = arith.addf %scan3A_221, %get3A_257 : vector<16xf32>
        %get3A_259 = arith.index_cast %mul3A_234 : i32 to index
        %get3A_260 = arith.constant 80 : index
        %get3A_261 = tpu.vector_load %arg6[%get3A_259, %get3A_260] {strides = array<i32>} : memref<64x256xf32, #tpu.memory_space<vmem>>, vector<1x16xf32>,
        %get3A_262 = vector.shape_cast %get3A_261 : vector<1x16xf32> to vector<16xf32>
        %add3A_263 = arith.addf %scan3A_222, %get3A_262 : vector<16xf32>
        %get3A_264 = arith.index_cast %mul3A_234 : i32 to index
        %get3A_265 = arith.constant 96 : index
        %get3A_266 = tpu.vector_load %arg6[%get3A_264, %get3A_265] {strides = array<i32>} : memref<64x256xf32, #tpu.memory_space<vmem>>, vector<1x16xf32>,
        %get3A_267 = vector.shape_cast %get3A_266 : vector<1x16xf32> to vector<16xf32>
        %add3A_268 = arith.addf %scan3A_223, %get3A_267 : vector<16xf32>
        %get3A_269 = arith.index_cast %mul3A_234 : i32 to index
        %get3A_270 = arith.constant 112 : index
        %get3A_271 = tpu.vector_load %arg6[%get3A_269, %get3A_270] {strides = array<i32>} : memref<64x256xf32, #tpu.memory_space<vmem>>, vector<1x16xf32>,
        %get3A_272 = vector.shape_cast %get3A_271 : vector<1x16xf32> to vector<16xf32>
        %add3A_273 = arith.addf %scan3A_224, %get3A_272 : vector<16xf32>
        %get3A_274 = arith.index_cast %mul3A_234 : i32 to index
        %get3A_275 = arith.constant 128 : index
        %get3A_276 = tpu.vector_load %arg6[%get3A_274, %get3A_275] {strides = array<i32>} : memref<64x256xf32, #tpu.memory_space<vmem>>, vector<1x16xf32>,
        %get3A_277 = vector.shape_cast %get3A_276 : vector<1x16xf32> to vector<16xf32>
        %add3A_278 = arith.addf %scan3A_225, %get3A_277 : vector<16xf32>
        %get3A_279 = arith.index_cast %mul3A_234 : i32 to index
        %get3A_280 = arith.constant 144 : index
        %get3A_281 = tpu.vector_load %arg6[%get3A_279, %get3A_280] {strides = array<i32>} : memref<64x256xf32, #tpu.memory_space<vmem>>, vector<1x16xf32>,
        %get3A_282 = vector.shape_cast %get3A_281 : vector<1x16xf32> to vector<16xf32>
        %add3A_283 = arith.addf %scan3A_226, %get3A_282 : vector<16xf32>
        %get3A_284 = arith.index_cast %mul3A_234 : i32 to index
        %get3A_285 = arith.constant 160 : index
        %get3A_286 = tpu.vector_load %arg6[%get3A_284, %get3A_285] {strides = array<i32>} : memref<64x256xf32, #tpu.memory_space<vmem>>, vector<1x16xf32>,
        %get3A_287 = vector.shape_cast %get3A_286 : vector<1x16xf32> to vector<16xf32>
        %add3A_288 = arith.addf %scan3A_227, %get3A_287 : vector<16xf32>
        %get3A_289 = arith.index_cast %mul3A_234 : i32 to index
        %get3A_290 = arith.constant 176 : index
        %get3A_291 = tpu.vector_load %arg6[%get3A_289, %get3A_290] {strides = array<i32>} : memref<64x256xf32, #tpu.memory_space<vmem>>, vector<1x16xf32>,
        %get3A_292 = vector.shape_cast %get3A_291 : vector<1x16xf32> to vector<16xf32>
        %add3A_293 = arith.addf %scan3A_228, %get3A_292 : vector<16xf32>
        %get3A_294 = arith.index_cast %mul3A_234 : i32 to index
        %get3A_295 = arith.constant 192 : index
        %get3A_296 = tpu.vector_load %arg6[%get3A_294, %get3A_295] {strides = array<i32>} : memref<64x256xf32, #tpu.memory_space<vmem>>, vector<1x16xf32>,
        %get3A_297 = vector.shape_cast %get3A_296 : vector<1x16xf32> to vector<16xf32>
        %add3A_298 = arith.addf %scan3A_229, %get3A_297 : vector<16xf32>
        %get3A_299 = arith.index_cast %mul3A_234 : i32 to index
        %get3A_300 = arith.constant 208 : index
        %get3A_301 = tpu.vector_load %arg6[%get3A_299, %get3A_300] {strides = array<i32>} : memref<64x256xf32, #tpu.memory_space<vmem>>, vector<1x16xf32>,
        %get3A_302 = vector.shape_cast %get3A_301 : vector<1x16xf32> to vector<16xf32>
        %add3A_303 = arith.addf %scan3A_230, %get3A_302 : vector<16xf32>
        %get3A_304 = arith.index_cast %mul3A_234 : i32 to index
        %get3A_305 = arith.constant 224 : index
        %get3A_306 = tpu.vector_load %arg6[%get3A_304, %get3A_305] {strides = array<i32>} : memref<64x256xf32, #tpu.memory_space<vmem>>, vector<1x16xf32>,
        %get3A_307 = vector.shape_cast %get3A_306 : vector<1x16xf32> to vector<16xf32>
        %add3A_308 = arith.addf %scan3A_231, %get3A_307 : vector<16xf32>
        %get3A_309 = arith.index_cast %mul3A_234 : i32 to index
        %get3A_310 = arith.constant 240 : index
        %get3A_311 = tpu.vector_load %arg6[%get3A_309, %get3A_310] {strides = array<i32>} : memref<64x256xf32, #tpu.memory_space<vmem>>, vector<1x16xf32>,
        %get3A_312 = vector.shape_cast %get3A_311 : vector<1x16xf32> to vector<16xf32>
        %add3A_313 = arith.addf %scan3A_232, %get3A_312 : vector<16xf32>
        %add3A_314 = arith.constant 1 : i32
        %add3A_315 = arith.addi %mul3A_234, %add3A_314 : i32
        %get3A_316 = arith.index_cast %add3A_315 : i32 to index
        %get3A_317 = arith.constant 0 : index
        %get3A_318 = tpu.vector_load %arg6[%get3A_316, %get3A_317] {strides = array<i32>} : memref<64x256xf32, #tpu.memory_space<vmem>>, vector<1x16xf32>,
        %get3A_319 = vector.shape_cast %get3A_318 : vector<1x16xf32> to vector<16xf32>
        %add3A_320 = arith.addf %add3A_238, %get3A_319 : vector<16xf32>
        %add3A_321 = arith.constant 1 : i32
        %add3A_322 = arith.addi %mul3A_234, %add3A_321 : i32
        %get3A_323 = arith.index_cast %add3A_322 : i32 to index
        %get3A_324 = arith.constant 16 : index
        %get3A_325 = tpu.vector_load %arg6[%get3A_323, %get3A_324] {strides = array<i32>} : memref<64x256xf32, #tpu.memory_space<vmem>>, vector<1x16xf32>,
        %get3A_326 = vector.shape_cast %get3A_325 : vector<1x16xf32> to vector<16xf32>
        %add3A_327 = arith.addf %add3A_243, %get3A_326 : vector<16xf32>
        %add3A_328 = arith.constant 1 : i32
        %add3A_329 = arith.addi %mul3A_234, %add3A_328 : i32
        %get3A_330 = arith.index_cast %add3A_329 : i32 to index
        %get3A_331 = arith.constant 32 : index
        %get3A_332 = tpu.vector_load %arg6[%get3A_330, %get3A_331] {strides = array<i32>} : memref<64x256xf32, #tpu.memory_space<vmem>>, vector<1x16xf32>,
        %get3A_333 = vector.shape_cast %get3A_332 : vector<1x16xf32> to vector<16xf32>
        %add3A_334 = arith.addf %add3A_248, %get3A_333 : vector<16xf32>
        %add3A_335 = arith.constant 1 : i32
        %add3A_336 = arith.addi %mul3A_234, %add3A_335 : i32
        %get3A_337 = arith.index_cast %add3A_336 : i32 to index
        %get3A_338 = arith.constant 48 : index
        %get3A_339 = tpu.vector_load %arg6[%get3A_337, %get3A_338] {strides = array<i32>} : memref<64x256xf32, #tpu.memory_space<vmem>>, vector<1x16xf32>,
        %get3A_340 = vector.shape_cast %get3A_339 : vector<1x16xf32> to vector<16xf32>
        %add3A_341 = arith.addf %add3A_253, %get3A_340 : vector<16xf32>
        %add3A_342 = arith.constant 1 : i32
        %add3A_343 = arith.addi %mul3A_234, %add3A_342 : i32
        %get3A_344 = arith.index_cast %add3A_343 : i32 to index
        %get3A_345 = arith.constant 64 : index
        %get3A_346 = tpu.vector_load %arg6[%get3A_344, %get3A_345] {strides = array<i32>} : memref<64x256xf32, #tpu.memory_space<vmem>>, vector<1x16xf32>,
        %get3A_347 = vector.shape_cast %get3A_346 : vector<1x16xf32> to vector<16xf32>
        %add3A_348 = arith.addf %add3A_258, %get3A_347 : vector<16xf32>
        %add3A_349 = arith.constant 1 : i32
        %add3A_350 = arith.addi %mul3A_234, %add3A_349 : i32
        %get3A_351 = arith.index_cast %add3A_350 : i32 to index
        %get3A_352 = arith.constant 80 : index
        %get3A_353 = tpu.vector_load %arg6[%get3A_351, %get3A_352] {strides = array<i32>} : memref<64x256xf32, #tpu.memory_space<vmem>>, vector<1x16xf32>,
        %get3A_354 = vector.shape_cast %get3A_353 : vector<1x16xf32> to vector<16xf32>
        %add3A_355 = arith.addf %add3A_263, %get3A_354 : vector<16xf32>
        %add3A_356 = arith.constant 1 : i32
        %add3A_357 = arith.addi %mul3A_234, %add3A_356 : i32
        %get3A_358 = arith.index_cast %add3A_357 : i32 to index
        %get3A_359 = arith.constant 96 : index
        %get3A_360 = tpu.vector_load %arg6[%get3A_358, %get3A_359] {strides = array<i32>} : memref<64x256xf32, #tpu.memory_space<vmem>>, vector<1x16xf32>,
        %get3A_361 = vector.shape_cast %get3A_360 : vector<1x16xf32> to vector<16xf32>
        %add3A_362 = arith.addf %add3A_268, %get3A_361 : vector<16xf32>
        %add3A_363 = arith.constant 1 : i32
        %add3A_364 = arith.addi %mul3A_234, %add3A_363 : i32
        %get3A_365 = arith.index_cast %add3A_364 : i32 to index
        %get3A_366 = arith.constant 112 : index
        %get3A_367 = tpu.vector_load %arg6[%get3A_365, %get3A_366] {strides = array<i32>} : memref<64x256xf32, #tpu.memory_space<vmem>>, vector<1x16xf32>,
        %get3A_368 = vector.shape_cast %get3A_367 : vector<1x16xf32> to vector<16xf32>
        %add3A_369 = arith.addf %add3A_273, %get3A_368 : vector<16xf32>
        %add3A_370 = arith.constant 1 : i32
        %add3A_371 = arith.addi %mul3A_234, %add3A_370 : i32
        %get3A_372 = arith.index_cast %add3A_371 : i32 to index
        %get3A_373 = arith.constant 128 : index
        %get3A_374 = tpu.vector_load %arg6[%get3A_372, %get3A_373] {strides = array<i32>} : memref<64x256xf32, #tpu.memory_space<vmem>>, vector<1x16xf32>,
        %get3A_375 = vector.shape_cast %get3A_374 : vector<1x16xf32> to vector<16xf32>
        %add3A_376 = arith.addf %add3A_278, %get3A_375 : vector<16xf32>
        %add3A_377 = arith.constant 1 : i32
        %add3A_378 = arith.addi %mul3A_234, %add3A_377 : i32
        %get3A_379 = arith.index_cast %add3A_378 : i32 to index
        %get3A_380 = arith.constant 144 : index
        %get3A_381 = tpu.vector_load %arg6[%get3A_379, %get3A_380] {strides = array<i32>} : memref<64x256xf32, #tpu.memory_space<vmem>>, vector<1x16xf32>,
        %get3A_382 = vector.shape_cast %get3A_381 : vector<1x16xf32> to vector<16xf32>
        %add3A_383 = arith.addf %add3A_283, %get3A_382 : vector<16xf32>
        %add3A_384 = arith.constant 1 : i32
        %add3A_385 = arith.addi %mul3A_234, %add3A_384 : i32
        %get3A_386 = arith.index_cast %add3A_385 : i32 to index
        %get3A_387 = arith.constant 160 : index
        %get3A_388 = tpu.vector_load %arg6[%get3A_386, %get3A_387] {strides = array<i32>} : memref<64x256xf32, #tpu.memory_space<vmem>>, vector<1x16xf32>,
        %get3A_389 = vector.shape_cast %get3A_388 : vector<1x16xf32> to vector<16xf32>
        %add3A_390 = arith.addf %add3A_288, %get3A_389 : vector<16xf32>
        %add3A_391 = arith.constant 1 : i32
        %add3A_392 = arith.addi %mul3A_234, %add3A_391 : i32
        %get3A_393 = arith.index_cast %add3A_392 : i32 to index
        %get3A_394 = arith.constant 176 : index
        %get3A_395 = tpu.vector_load %arg6[%get3A_393, %get3A_394] {strides = array<i32>} : memref<64x256xf32, #tpu.memory_space<vmem>>, vector<1x16xf32>,
        %get3A_396 = vector.shape_cast %get3A_395 : vector<1x16xf32> to vector<16xf32>
        %add3A_397 = arith.addf %add3A_293, %get3A_396 : vector<16xf32>
        %add3A_398 = arith.constant 1 : i32
        %add3A_399 = arith.addi %mul3A_234, %add3A_398 : i32
        %get3A_400 = arith.index_cast %add3A_399 : i32 to index
        %get3A_401 = arith.constant 192 : index
        %get3A_402 = tpu.vector_load %arg6[%get3A_400, %get3A_401] {strides = array<i32>} : memref<64x256xf32, #tpu.memory_space<vmem>>, vector<1x16xf32>,
        %get3A_403 = vector.shape_cast %get3A_402 : vector<1x16xf32> to vector<16xf32>
        %add3A_404 = arith.addf %add3A_298, %get3A_403 : vector<16xf32>
        %add3A_405 = arith.constant 1 : i32
        %add3A_406 = arith.addi %mul3A_234, %add3A_405 : i32
        %get3A_407 = arith.index_cast %add3A_406 : i32 to index
        %get3A_408 = arith.constant 208 : index
        %get3A_409 = tpu.vector_load %arg6[%get3A_407, %get3A_408] {strides = array<i32>} : memref<64x256xf32, #tpu.memory_space<vmem>>, vector<1x16xf32>,
        %get3A_410 = vector.shape_cast %get3A_409 : vector<1x16xf32> to vector<16xf32>
        %add3A_411 = arith.addf %add3A_303, %get3A_410 : vector<16xf32>
        %add3A_412 = arith.constant 1 : i32
        %add3A_413 = arith.addi %mul3A_234, %add3A_412 : i32
        %get3A_414 = arith.index_cast %add3A_413 : i32 to index
        %get3A_415 = arith.constant 224 : index
        %get3A_416 = tpu.vector_load %arg6[%get3A_414, %get3A_415] {strides = array<i32>} : memref<64x256xf32, #tpu.memory_space<vmem>>, vector<1x16xf32>,
        %get3A_417 = vector.shape_cast %get3A_416 : vector<1x16xf32> to vector<16xf32>
        %add3A_418 = arith.addf %add3A_308, %get3A_417 : vector<16xf32>
        %add3A_419 = arith.constant 1 : i32
        %add3A_420 = arith.addi %mul3A_234, %add3A_419 : i32
        %get3A_421 = arith.index_cast %add3A_420 : i32 to index
        %get3A_422 = arith.constant 240 : index
        %get3A_423 = tpu.vector_load %arg6[%get3A_421, %get3A_422] {strides = array<i32>} : memref<64x256xf32, #tpu.memory_space<vmem>>, vector<1x16xf32>,
        %get3A_424 = vector.shape_cast %get3A_423 : vector<1x16xf32> to vector<16xf32>
        %add3A_425 = arith.addf %add3A_313, %get3A_424 : vector<16xf32>
        scf.yield %add3A_320, %add3A_327, %add3A_334, %add3A_341, %add3A_348, %add3A_355, %add3A_362, %add3A_369, %add3A_376, %add3A_383, %add3A_390, %add3A_397, %add3A_404, %add3A_411, %add3A_418, %add3A_425 : vector<16xf32>, vector<16xf32>, vector<16xf32>, vector<16xf32>, vector<16xf32>, vector<16xf32>, vector<16xf32>, vector<16xf32>, vector<16xf32>, vector<16xf32>, vector<16xf32>, vector<16xf32>, vector<16xf32>, vector<16xf32>, vector<16xf32>, vector<16xf32>
      }
      %scan3A_187 = arith.constant 32 : i32
      %add3A_188 = arith.constant 4 : i32
      %add3A_189 = arith.addi %mul3A_143, %add3A_188 : i32
      %add3A_190 = arith.constant 2 : i32
      %add3A_191 = arith.addi %add3A_189, %add3A_190 : i32
      %lt3A_192 = arith.constant 64 : i32
      %lt3A_193 = arith.cmpi slt, %add3A_191, %lt3A_192 : i32
      %convert_element_type3A_194 = arith.extui %lt3A_193 : i1 to i32
      %cond3A_195 = arith.constant 0 : i32
      %cond3A_196 = arith.cmpi ne, %convert_element_type3A_194, %cond3A_195 : i32
      scf.if %cond3A_196 {
        %add3A_216 = arith.constant 4 : i32
        %add3A_217 = arith.addi %mul3A_143, %add3A_216 : i32
        %add3A_218 = arith.constant 2 : i32
        %add3A_219 = arith.addi %add3A_217, %add3A_218 : i32
        %mul3A_220 = arith.constant 64 : i32
        %mul3A_221 = arith.muli %add3A_219, %mul3A_220 : i32
        %add3A_222 = arith.addi %mul3A_2, %mul3A_221 : i32
        %dma_start3A_223 = arith.constant 0 : i32
        %dma_start3A_224 = tpu.memref_slice %arg2[%add3A_222, %dma_start3A_223] : memref<131072x256xf32, #tpu.memory_space<hbm>> -> memref<64x256xf32, #tpu.memory_space<hbm>>
        %dma_start3A_225 = arith.constant 0 : i32
        %dma_start3A_226 = tpu.memref_slice %arg2[%add3A_222, %dma_start3A_225] : memref<131072x256xf32, #tpu.memory_space<hbm>> -> memref<64x256xf32, #tpu.memory_space<hbm>>
        tpu.enqueue_dma source(%dma_start3A_226 : memref<64x256xf32, #tpu.memory_space<hbm>>) target(%arg6 : memref<64x256xf32, #tpu.memory_space<vmem>>) target_semaphore(%arg11 : memref<!tpu.dma_semaphore, #tpu.memory_space<semaphore_mem>>)
      } else {
      }
      %dma_wait3A_197 = arith.constant 0 : i32
      %dma_wait3A_198 = tpu.memref_slice %arg2[%mul3A_2, %dma_wait3A_197] : memref<131072x256xf32, #tpu.memory_space<hbm>> -> memref<64x256xf32, #tpu.memory_space<hbm>>
      %dma_wait3A_199 = arith.constant 0 : i32
      %dma_wait3A_200 = tpu.memref_slice %arg2[%mul3A_2, %dma_wait3A_199] : memref<131072x256xf32, #tpu.memory_space<hbm>> -> memref<64x256xf32, #tpu.memory_space<hbm>>
      tpu.wait_dma2 semaphore(%arg12 : memref<!tpu.dma_semaphore, #tpu.memory_space<semaphore_mem>>) src(%dma_wait3A_200 : memref<64x256xf32, #tpu.memory_space<hbm>>) dst(%arg7 : memref<64x256xf32, #tpu.memory_space<vmem>>)
      %scan3A_201 = arith.constant 0 : i32
      %scan3A_202 = arith.constant 32 : i32
      %scan3A_203 = arith.addi %scan3A_201, %scan3A_202 : i32
      %scan3A_204 = arith.constant 1 : i32
      %scan3A_205:16 = scf.for %scan3A_216 = %scan3A_201 to %scan3A_203 step %scan3A_204 iter_args(%scan3A_217 = %scan3A_186#0, %scan3A_218 = %scan3A_186#1, %scan3A_219 = %scan3A_186#2, %scan3A_220 = %scan3A_186#3, %scan3A_221 = %scan3A_186#4, %scan3A_222 = %scan3A_186#5, %scan3A_223 = %scan3A_186#6, %scan3A_224 = %scan3A_186#7, %scan3A_225 = %scan3A_186#8, %scan3A_226 = %scan3A_186#9, %scan3A_227 = %scan3A_186#10, %scan3A_228 = %scan3A_186#11, %scan3A_229 = %scan3A_186#12, %scan3A_230 = %scan3A_186#13, %scan3A_231 = %scan3A_186#14, %scan3A_232 = %scan3A_186#15) -> (vector<16xf32>, vector<16xf32>, vector<16xf32>, vector<16xf32>, vector<16xf32>, vector<16xf32>, vector<16xf32>, vector<16xf32>, vector<16xf32>, vector<16xf32>, vector<16xf32>, vector<16xf32>, vector<16xf32>, vector<16xf32>, vector<16xf32>, vector<16xf32>)  : i32 {
        %mul3A_233 = arith.constant 2 : i32
        %mul3A_234 = arith.muli %scan3A_216, %mul3A_233 : i32
        %get3A = arith.index_cast %mul3A_234 : i32 to index
        %get3A_235 = arith.constant 0 : index
        %get3A_236 = tpu.vector_load %arg7[%get3A, %get3A_235] {strides = array<i32>} : memref<64x256xf32, #tpu.memory_space<vmem>>, vector<1x16xf32>,
        %get3A_237 = vector.shape_cast %get3A_236 : vector<1x16xf32> to vector<16xf32>
        %add3A_238 = arith.addf %scan3A_217, %get3A_237 : vector<16xf32>
        %get3A_239 = arith.index_cast %mul3A_234 : i32 to index
        %get3A_240 = arith.constant 16 : index
        %get3A_241 = tpu.vector_load %arg7[%get3A_239, %get3A_240] {strides = array<i32>} : memref<64x256xf32, #tpu.memory_space<vmem>>, vector<1x16xf32>,
        %get3A_242 = vector.shape_cast %get3A_241 : vector<1x16xf32> to vector<16xf32>
        %add3A_243 = arith.addf %scan3A_218, %get3A_242 : vector<16xf32>
        %get3A_244 = arith.index_cast %mul3A_234 : i32 to index
        %get3A_245 = arith.constant 32 : index
        %get3A_246 = tpu.vector_load %arg7[%get3A_244, %get3A_245] {strides = array<i32>} : memref<64x256xf32, #tpu.memory_space<vmem>>, vector<1x16xf32>,
        %get3A_247 = vector.shape_cast %get3A_246 : vector<1x16xf32> to vector<16xf32>
        %add3A_248 = arith.addf %scan3A_219, %get3A_247 : vector<16xf32>
        %get3A_249 = arith.index_cast %mul3A_234 : i32 to index
        %get3A_250 = arith.constant 48 : index
        %get3A_251 = tpu.vector_load %arg7[%get3A_249, %get3A_250] {strides = array<i32>} : memref<64x256xf32, #tpu.memory_space<vmem>>, vector<1x16xf32>,
        %get3A_252 = vector.shape_cast %get3A_251 : vector<1x16xf32> to vector<16xf32>
        %add3A_253 = arith.addf %scan3A_220, %get3A_252 : vector<16xf32>
        %get3A_254 = arith.index_cast %mul3A_234 : i32 to index
        %get3A_255 = arith.constant 64 : index
        %get3A_256 = tpu.vector_load %arg7[%get3A_254, %get3A_255] {strides = array<i32>} : memref<64x256xf32, #tpu.memory_space<vmem>>, vector<1x16xf32>,
        %get3A_257 = vector.shape_cast %get3A_256 : vector<1x16xf32> to vector<16xf32>
        %add3A_258 = arith.addf %scan3A_221, %get3A_257 : vector<16xf32>
        %get3A_259 = arith.index_cast %mul3A_234 : i32 to index
        %get3A_260 = arith.constant 80 : index
        %get3A_261 = tpu.vector_load %arg7[%get3A_259, %get3A_260] {strides = array<i32>} : memref<64x256xf32, #tpu.memory_space<vmem>>, vector<1x16xf32>,
        %get3A_262 = vector.shape_cast %get3A_261 : vector<1x16xf32> to vector<16xf32>
        %add3A_263 = arith.addf %scan3A_222, %get3A_262 : vector<16xf32>
        %get3A_264 = arith.index_cast %mul3A_234 : i32 to index
        %get3A_265 = arith.constant 96 : index
        %get3A_266 = tpu.vector_load %arg7[%get3A_264, %get3A_265] {strides = array<i32>} : memref<64x256xf32, #tpu.memory_space<vmem>>, vector<1x16xf32>,
        %get3A_267 = vector.shape_cast %get3A_266 : vector<1x16xf32> to vector<16xf32>
        %add3A_268 = arith.addf %scan3A_223, %get3A_267 : vector<16xf32>
        %get3A_269 = arith.index_cast %mul3A_234 : i32 to index
        %get3A_270 = arith.constant 112 : index
        %get3A_271 = tpu.vector_load %arg7[%get3A_269, %get3A_270] {strides = array<i32>} : memref<64x256xf32, #tpu.memory_space<vmem>>, vector<1x16xf32>,
        %get3A_272 = vector.shape_cast %get3A_271 : vector<1x16xf32> to vector<16xf32>
        %add3A_273 = arith.addf %scan3A_224, %get3A_272 : vector<16xf32>
        %get3A_274 = arith.index_cast %mul3A_234 : i32 to index
        %get3A_275 = arith.constant 128 : index
        %get3A_276 = tpu.vector_load %arg7[%get3A_274, %get3A_275] {strides = array<i32>} : memref<64x256xf32, #tpu.memory_space<vmem>>, vector<1x16xf32>,
        %get3A_277 = vector.shape_cast %get3A_276 : vector<1x16xf32> to vector<16xf32>
        %add3A_278 = arith.addf %scan3A_225, %get3A_277 : vector<16xf32>
        %get3A_279 = arith.index_cast %mul3A_234 : i32 to index
        %get3A_280 = arith.constant 144 : index
        %get3A_281 = tpu.vector_load %arg7[%get3A_279, %get3A_280] {strides = array<i32>} : memref<64x256xf32, #tpu.memory_space<vmem>>, vector<1x16xf32>,
        %get3A_282 = vector.shape_cast %get3A_281 : vector<1x16xf32> to vector<16xf32>
        %add3A_283 = arith.addf %scan3A_226, %get3A_282 : vector<16xf32>
        %get3A_284 = arith.index_cast %mul3A_234 : i32 to index
        %get3A_285 = arith.constant 160 : index
        %get3A_286 = tpu.vector_load %arg7[%get3A_284, %get3A_285] {strides = array<i32>} : memref<64x256xf32, #tpu.memory_space<vmem>>, vector<1x16xf32>,
        %get3A_287 = vector.shape_cast %get3A_286 : vector<1x16xf32> to vector<16xf32>
        %add3A_288 = arith.addf %scan3A_227, %get3A_287 : vector<16xf32>
        %get3A_289 = arith.index_cast %mul3A_234 : i32 to index
        %get3A_290 = arith.constant 176 : index
        %get3A_291 = tpu.vector_load %arg7[%get3A_289, %get3A_290] {strides = array<i32>} : memref<64x256xf32, #tpu.memory_space<vmem>>, vector<1x16xf32>,
        %get3A_292 = vector.shape_cast %get3A_291 : vector<1x16xf32> to vector<16xf32>
        %add3A_293 = arith.addf %scan3A_228, %get3A_292 : vector<16xf32>
        %get3A_294 = arith.index_cast %mul3A_234 : i32 to index
        %get3A_295 = arith.constant 192 : index
        %get3A_296 = tpu.vector_load %arg7[%get3A_294, %get3A_295] {strides = array<i32>} : memref<64x256xf32, #tpu.memory_space<vmem>>, vector<1x16xf32>,
        %get3A_297 = vector.shape_cast %get3A_296 : vector<1x16xf32> to vector<16xf32>
        %add3A_298 = arith.addf %scan3A_229, %get3A_297 : vector<16xf32>
        %get3A_299 = arith.index_cast %mul3A_234 : i32 to index
        %get3A_300 = arith.constant 208 : index
        %get3A_301 = tpu.vector_load %arg7[%get3A_299, %get3A_300] {strides = array<i32>} : memref<64x256xf32, #tpu.memory_space<vmem>>, vector<1x16xf32>,
        %get3A_302 = vector.shape_cast %get3A_301 : vector<1x16xf32> to vector<16xf32>
        %add3A_303 = arith.addf %scan3A_230, %get3A_302 : vector<16xf32>
        %get3A_304 = arith.index_cast %mul3A_234 : i32 to index
        %get3A_305 = arith.constant 224 : index
        %get3A_306 = tpu.vector_load %arg7[%get3A_304, %get3A_305] {strides = array<i32>} : memref<64x256xf32, #tpu.memory_space<vmem>>, vector<1x16xf32>,
        %get3A_307 = vector.shape_cast %get3A_306 : vector<1x16xf32> to vector<16xf32>
        %add3A_308 = arith.addf %scan3A_231, %get3A_307 : vector<16xf32>
        %get3A_309 = arith.index_cast %mul3A_234 : i32 to index
        %get3A_310 = arith.constant 240 : index
        %get3A_311 = tpu.vector_load %arg7[%get3A_309, %get3A_310] {strides = array<i32>} : memref<64x256xf32, #tpu.memory_space<vmem>>, vector<1x16xf32>,
        %get3A_312 = vector.shape_cast %get3A_311 : vector<1x16xf32> to vector<16xf32>
        %add3A_313 = arith.addf %scan3A_232, %get3A_312 : vector<16xf32>
        %add3A_314 = arith.constant 1 : i32
        %add3A_315 = arith.addi %mul3A_234, %add3A_314 : i32
        %get3A_316 = arith.index_cast %add3A_315 : i32 to index
        %get3A_317 = arith.constant 0 : index
        %get3A_318 = tpu.vector_load %arg7[%get3A_316, %get3A_317] {strides = array<i32>} : memref<64x256xf32, #tpu.memory_space<vmem>>, vector<1x16xf32>,
        %get3A_319 = vector.shape_cast %get3A_318 : vector<1x16xf32> to vector<16xf32>
        %add3A_320 = arith.addf %add3A_238, %get3A_319 : vector<16xf32>
        %add3A_321 = arith.constant 1 : i32
        %add3A_322 = arith.addi %mul3A_234, %add3A_321 : i32
        %get3A_323 = arith.index_cast %add3A_322 : i32 to index
        %get3A_324 = arith.constant 16 : index
        %get3A_325 = tpu.vector_load %arg7[%get3A_323, %get3A_324] {strides = array<i32>} : memref<64x256xf32, #tpu.memory_space<vmem>>, vector<1x16xf32>,
        %get3A_326 = vector.shape_cast %get3A_325 : vector<1x16xf32> to vector<16xf32>
        %add3A_327 = arith.addf %add3A_243, %get3A_326 : vector<16xf32>
        %add3A_328 = arith.constant 1 : i32
        %add3A_329 = arith.addi %mul3A_234, %add3A_328 : i32
        %get3A_330 = arith.index_cast %add3A_329 : i32 to index
        %get3A_331 = arith.constant 32 : index
        %get3A_332 = tpu.vector_load %arg7[%get3A_330, %get3A_331] {strides = array<i32>} : memref<64x256xf32, #tpu.memory_space<vmem>>, vector<1x16xf32>,
        %get3A_333 = vector.shape_cast %get3A_332 : vector<1x16xf32> to vector<16xf32>
        %add3A_334 = arith.addf %add3A_248, %get3A_333 : vector<16xf32>
        %add3A_335 = arith.constant 1 : i32
        %add3A_336 = arith.addi %mul3A_234, %add3A_335 : i32
        %get3A_337 = arith.index_cast %add3A_336 : i32 to index
        %get3A_338 = arith.constant 48 : index
        %get3A_339 = tpu.vector_load %arg7[%get3A_337, %get3A_338] {strides = array<i32>} : memref<64x256xf32, #tpu.memory_space<vmem>>, vector<1x16xf32>,
        %get3A_340 = vector.shape_cast %get3A_339 : vector<1x16xf32> to vector<16xf32>
        %add3A_341 = arith.addf %add3A_253, %get3A_340 : vector<16xf32>
        %add3A_342 = arith.constant 1 : i32
        %add3A_343 = arith.addi %mul3A_234, %add3A_342 : i32
        %get3A_344 = arith.index_cast %add3A_343 : i32 to index
        %get3A_345 = arith.constant 64 : index
        %get3A_346 = tpu.vector_load %arg7[%get3A_344, %get3A_345] {strides = array<i32>} : memref<64x256xf32, #tpu.memory_space<vmem>>, vector<1x16xf32>,
        %get3A_347 = vector.shape_cast %get3A_346 : vector<1x16xf32> to vector<16xf32>
        %add3A_348 = arith.addf %add3A_258, %get3A_347 : vector<16xf32>
        %add3A_349 = arith.constant 1 : i32
        %add3A_350 = arith.addi %mul3A_234, %add3A_349 : i32
        %get3A_351 = arith.index_cast %add3A_350 : i32 to index
        %get3A_352 = arith.constant 80 : index
        %get3A_353 = tpu.vector_load %arg7[%get3A_351, %get3A_352] {strides = array<i32>} : memref<64x256xf32, #tpu.memory_space<vmem>>, vector<1x16xf32>,
        %get3A_354 = vector.shape_cast %get3A_353 : vector<1x16xf32> to vector<16xf32>
        %add3A_355 = arith.addf %add3A_263, %get3A_354 : vector<16xf32>
        %add3A_356 = arith.constant 1 : i32
        %add3A_357 = arith.addi %mul3A_234, %add3A_356 : i32
        %get3A_358 = arith.index_cast %add3A_357 : i32 to index
        %get3A_359 = arith.constant 96 : index
        %get3A_360 = tpu.vector_load %arg7[%get3A_358, %get3A_359] {strides = array<i32>} : memref<64x256xf32, #tpu.memory_space<vmem>>, vector<1x16xf32>,
        %get3A_361 = vector.shape_cast %get3A_360 : vector<1x16xf32> to vector<16xf32>
        %add3A_362 = arith.addf %add3A_268, %get3A_361 : vector<16xf32>
        %add3A_363 = arith.constant 1 : i32
        %add3A_364 = arith.addi %mul3A_234, %add3A_363 : i32
        %get3A_365 = arith.index_cast %add3A_364 : i32 to index
        %get3A_366 = arith.constant 112 : index
        %get3A_367 = tpu.vector_load %arg7[%get3A_365, %get3A_366] {strides = array<i32>} : memref<64x256xf32, #tpu.memory_space<vmem>>, vector<1x16xf32>,
        %get3A_368 = vector.shape_cast %get3A_367 : vector<1x16xf32> to vector<16xf32>
        %add3A_369 = arith.addf %add3A_273, %get3A_368 : vector<16xf32>
        %add3A_370 = arith.constant 1 : i32
        %add3A_371 = arith.addi %mul3A_234, %add3A_370 : i32
        %get3A_372 = arith.index_cast %add3A_371 : i32 to index
        %get3A_373 = arith.constant 128 : index
        %get3A_374 = tpu.vector_load %arg7[%get3A_372, %get3A_373] {strides = array<i32>} : memref<64x256xf32, #tpu.memory_space<vmem>>, vector<1x16xf32>,
        %get3A_375 = vector.shape_cast %get3A_374 : vector<1x16xf32> to vector<16xf32>
        %add3A_376 = arith.addf %add3A_278, %get3A_375 : vector<16xf32>
        %add3A_377 = arith.constant 1 : i32
        %add3A_378 = arith.addi %mul3A_234, %add3A_377 : i32
        %get3A_379 = arith.index_cast %add3A_378 : i32 to index
        %get3A_380 = arith.constant 144 : index
        %get3A_381 = tpu.vector_load %arg7[%get3A_379, %get3A_380] {strides = array<i32>} : memref<64x256xf32, #tpu.memory_space<vmem>>, vector<1x16xf32>,
        %get3A_382 = vector.shape_cast %get3A_381 : vector<1x16xf32> to vector<16xf32>
        %add3A_383 = arith.addf %add3A_283, %get3A_382 : vector<16xf32>
        %add3A_384 = arith.constant 1 : i32
        %add3A_385 = arith.addi %mul3A_234, %add3A_384 : i32
        %get3A_386 = arith.index_cast %add3A_385 : i32 to index
        %get3A_387 = arith.constant 160 : index
        %get3A_388 = tpu.vector_load %arg7[%get3A_386, %get3A_387] {strides = array<i32>} : memref<64x256xf32, #tpu.memory_space<vmem>>, vector<1x16xf32>,
        %get3A_389 = vector.shape_cast %get3A_388 : vector<1x16xf32> to vector<16xf32>
        %add3A_390 = arith.addf %add3A_288, %get3A_389 : vector<16xf32>
        %add3A_391 = arith.constant 1 : i32
        %add3A_392 = arith.addi %mul3A_234, %add3A_391 : i32
        %get3A_393 = arith.index_cast %add3A_392 : i32 to index
        %get3A_394 = arith.constant 176 : index
        %get3A_395 = tpu.vector_load %arg7[%get3A_393, %get3A_394] {strides = array<i32>} : memref<64x256xf32, #tpu.memory_space<vmem>>, vector<1x16xf32>,
        %get3A_396 = vector.shape_cast %get3A_395 : vector<1x16xf32> to vector<16xf32>
        %add3A_397 = arith.addf %add3A_293, %get3A_396 : vector<16xf32>
        %add3A_398 = arith.constant 1 : i32
        %add3A_399 = arith.addi %mul3A_234, %add3A_398 : i32
        %get3A_400 = arith.index_cast %add3A_399 : i32 to index
        %get3A_401 = arith.constant 192 : index
        %get3A_402 = tpu.vector_load %arg7[%get3A_400, %get3A_401] {strides = array<i32>} : memref<64x256xf32, #tpu.memory_space<vmem>>, vector<1x16xf32>,
        %get3A_403 = vector.shape_cast %get3A_402 : vector<1x16xf32> to vector<16xf32>
        %add3A_404 = arith.addf %add3A_298, %get3A_403 : vector<16xf32>
        %add3A_405 = arith.constant 1 : i32
        %add3A_406 = arith.addi %mul3A_234, %add3A_405 : i32
        %get3A_407 = arith.index_cast %add3A_406 : i32 to index
        %get3A_408 = arith.constant 208 : index
        %get3A_409 = tpu.vector_load %arg7[%get3A_407, %get3A_408] {strides = array<i32>} : memref<64x256xf32, #tpu.memory_space<vmem>>, vector<1x16xf32>,
        %get3A_410 = vector.shape_cast %get3A_409 : vector<1x16xf32> to vector<16xf32>
        %add3A_411 = arith.addf %add3A_303, %get3A_410 : vector<16xf32>
        %add3A_412 = arith.constant 1 : i32
        %add3A_413 = arith.addi %mul3A_234, %add3A_412 : i32
        %get3A_414 = arith.index_cast %add3A_413 : i32 to index
        %get3A_415 = arith.constant 224 : index
        %get3A_416 = tpu.vector_load %arg7[%get3A_414, %get3A_415] {strides = array<i32>} : memref<64x256xf32, #tpu.memory_space<vmem>>, vector<1x16xf32>,
        %get3A_417 = vector.shape_cast %get3A_416 : vector<1x16xf32> to vector<16xf32>
        %add3A_418 = arith.addf %add3A_308, %get3A_417 : vector<16xf32>
        %add3A_419 = arith.constant 1 : i32
        %add3A_420 = arith.addi %mul3A_234, %add3A_419 : i32
        %get3A_421 = arith.index_cast %add3A_420 : i32 to index
        %get3A_422 = arith.constant 240 : index
        %get3A_423 = tpu.vector_load %arg7[%get3A_421, %get3A_422] {strides = array<i32>} : memref<64x256xf32, #tpu.memory_space<vmem>>, vector<1x16xf32>,
        %get3A_424 = vector.shape_cast %get3A_423 : vector<1x16xf32> to vector<16xf32>
        %add3A_425 = arith.addf %add3A_313, %get3A_424 : vector<16xf32>
        scf.yield %add3A_320, %add3A_327, %add3A_334, %add3A_341, %add3A_348, %add3A_355, %add3A_362, %add3A_369, %add3A_376, %add3A_383, %add3A_390, %add3A_397, %add3A_404, %add3A_411, %add3A_418, %add3A_425 : vector<16xf32>, vector<16xf32>, vector<16xf32>, vector<16xf32>, vector<16xf32>, vector<16xf32>, vector<16xf32>, vector<16xf32>, vector<16xf32>, vector<16xf32>, vector<16xf32>, vector<16xf32>, vector<16xf32>, vector<16xf32>, vector<16xf32>, vector<16xf32>
      }
      %scan3A_206 = arith.constant 32 : i32
      %add3A_207 = arith.constant 4 : i32
      %add3A_208 = arith.addi %mul3A_143, %add3A_207 : i32
      %add3A_209 = arith.constant 3 : i32
      %add3A_210 = arith.addi %add3A_208, %add3A_209 : i32
      %lt3A_211 = arith.constant 64 : i32
      %lt3A_212 = arith.cmpi slt, %add3A_210, %lt3A_211 : i32
      %convert_element_type3A_213 = arith.extui %lt3A_212 : i1 to i32
      %cond3A_214 = arith.constant 0 : i32
      %cond3A_215 = arith.cmpi ne, %convert_element_type3A_213, %cond3A_214 : i32
      scf.if %cond3A_215 {
        %add3A_216 = arith.constant 4 : i32
        %add3A_217 = arith.addi %mul3A_143, %add3A_216 : i32
        %add3A_218 = arith.constant 3 : i32
        %add3A_219 = arith.addi %add3A_217, %add3A_218 : i32
        %mul3A_220 = arith.constant 64 : i32
        %mul3A_221 = arith.muli %add3A_219, %mul3A_220 : i32
        %add3A_222 = arith.addi %mul3A_2, %mul3A_221 : i32
        %dma_start3A_223 = arith.constant 0 : i32
        %dma_start3A_224 = tpu.memref_slice %arg2[%add3A_222, %dma_start3A_223] : memref<131072x256xf32, #tpu.memory_space<hbm>> -> memref<64x256xf32, #tpu.memory_space<hbm>>
        %dma_start3A_225 = arith.constant 0 : i32
        %dma_start3A_226 = tpu.memref_slice %arg2[%add3A_222, %dma_start3A_225] : memref<131072x256xf32, #tpu.memory_space<hbm>> -> memref<64x256xf32, #tpu.memory_space<hbm>>
        tpu.enqueue_dma source(%dma_start3A_226 : memref<64x256xf32, #tpu.memory_space<hbm>>) target(%arg7 : memref<64x256xf32, #tpu.memory_space<vmem>>) target_semaphore(%arg12 : memref<!tpu.dma_semaphore, #tpu.memory_space<semaphore_mem>>)
      } else {
      }
      scf.yield %scan3A_205#0, %scan3A_205#1, %scan3A_205#2, %scan3A_205#3, %scan3A_205#4, %scan3A_205#5, %scan3A_205#6, %scan3A_205#7, %scan3A_205#8, %scan3A_205#9, %scan3A_205#10, %scan3A_205#11, %scan3A_205#12, %scan3A_205#13, %scan3A_205#14, %scan3A_205#15 : vector<16xf32>, vector<16xf32>, vector<16xf32>, vector<16xf32>, vector<16xf32>, vector<16xf32>, vector<16xf32>, vector<16xf32>, vector<16xf32>, vector<16xf32>, vector<16xf32>, vector<16xf32>, vector<16xf32>, vector<16xf32>, vector<16xf32>, vector<16xf32>
    }
    %scan3A_61 = arith.constant 16 : i32
    %swap3A = arith.constant 0 : index
    %swap3A_62 = tpu.vector_load %arg8[%swap3A] {strides = array<i32>} : memref<256xf32, #tpu.memory_space<vmem>>, vector<16xf32>,
    %swap3A_63 = vector.shape_cast %swap3A_62 : vector<16xf32> to vector<16xf32>
    %swap3A_64 = vector.shape_cast %scan3A_60#0 : vector<16xf32> to vector<16xf32>
    tpu.vector_store %arg8[%swap3A], %swap3A_64 {strides = array<i32>} : memref<256xf32, #tpu.memory_space<vmem>>, vector<16xf32>,
    %swap3A_65 = arith.constant 16 : index
    %swap3A_66 = tpu.vector_load %arg8[%swap3A_65] {strides = array<i32>} : memref<256xf32, #tpu.memory_space<vmem>>, vector<16xf32>,
    %swap3A_67 = vector.shape_cast %swap3A_66 : vector<16xf32> to vector<16xf32>
    %swap3A_68 = vector.shape_cast %scan3A_60#1 : vector<16xf32> to vector<16xf32>
    tpu.vector_store %arg8[%swap3A_65], %swap3A_68 {strides = array<i32>} : memref<256xf32, #tpu.memory_space<vmem>>, vector<16xf32>,
    %swap3A_69 = arith.constant 32 : index
    %swap3A_70 = tpu.vector_load %arg8[%swap3A_69] {strides = array<i32>} : memref<256xf32, #tpu.memory_space<vmem>>, vector<16xf32>,
    %swap3A_71 = vector.shape_cast %swap3A_70 : vector<16xf32> to vector<16xf32>
    %swap3A_72 = vector.shape_cast %scan3A_60#2 : vector<16xf32> to vector<16xf32>
    tpu.vector_store %arg8[%swap3A_69], %swap3A_72 {strides = array<i32>} : memref<256xf32, #tpu.memory_space<vmem>>, vector<16xf32>,
    %swap3A_73 = arith.constant 48 : index
    %swap3A_74 = tpu.vector_load %arg8[%swap3A_73] {strides = array<i32>} : memref<256xf32, #tpu.memory_space<vmem>>, vector<16xf32>,
    %swap3A_75 = vector.shape_cast %swap3A_74 : vector<16xf32> to vector<16xf32>
    %swap3A_76 = vector.shape_cast %scan3A_60#3 : vector<16xf32> to vector<16xf32>
    tpu.vector_store %arg8[%swap3A_73], %swap3A_76 {strides = array<i32>} : memref<256xf32, #tpu.memory_space<vmem>>, vector<16xf32>,
    %swap3A_77 = arith.constant 64 : index
    %swap3A_78 = tpu.vector_load %arg8[%swap3A_77] {strides = array<i32>} : memref<256xf32, #tpu.memory_space<vmem>>, vector<16xf32>,
    %swap3A_79 = vector.shape_cast %swap3A_78 : vector<16xf32> to vector<16xf32>
    %swap3A_80 = vector.shape_cast %scan3A_60#4 : vector<16xf32> to vector<16xf32>
    tpu.vector_store %arg8[%swap3A_77], %swap3A_80 {strides = array<i32>} : memref<256xf32, #tpu.memory_space<vmem>>, vector<16xf32>,
    %swap3A_81 = arith.constant 80 : index
    %swap3A_82 = tpu.vector_load %arg8[%swap3A_81] {strides = array<i32>} : memref<256xf32, #tpu.memory_space<vmem>>, vector<16xf32>,
    %swap3A_83 = vector.shape_cast %swap3A_82 : vector<16xf32> to vector<16xf32>
    %swap3A_84 = vector.shape_cast %scan3A_60#5 : vector<16xf32> to vector<16xf32>
    tpu.vector_store %arg8[%swap3A_81], %swap3A_84 {strides = array<i32>} : memref<256xf32, #tpu.memory_space<vmem>>, vector<16xf32>,
    %swap3A_85 = arith.constant 96 : index
    %swap3A_86 = tpu.vector_load %arg8[%swap3A_85] {strides = array<i32>} : memref<256xf32, #tpu.memory_space<vmem>>, vector<16xf32>,
    %swap3A_87 = vector.shape_cast %swap3A_86 : vector<16xf32> to vector<16xf32>
    %swap3A_88 = vector.shape_cast %scan3A_60#6 : vector<16xf32> to vector<16xf32>
    tpu.vector_store %arg8[%swap3A_85], %swap3A_88 {strides = array<i32>} : memref<256xf32, #tpu.memory_space<vmem>>, vector<16xf32>,
    %swap3A_89 = arith.constant 112 : index
    %swap3A_90 = tpu.vector_load %arg8[%swap3A_89] {strides = array<i32>} : memref<256xf32, #tpu.memory_space<vmem>>, vector<16xf32>,
    %swap3A_91 = vector.shape_cast %swap3A_90 : vector<16xf32> to vector<16xf32>
    %swap3A_92 = vector.shape_cast %scan3A_60#7 : vector<16xf32> to vector<16xf32>
    tpu.vector_store %arg8[%swap3A_89], %swap3A_92 {strides = array<i32>} : memref<256xf32, #tpu.memory_space<vmem>>, vector<16xf32>,
    %swap3A_93 = arith.constant 128 : index
    %swap3A_94 = tpu.vector_load %arg8[%swap3A_93] {strides = array<i32>} : memref<256xf32, #tpu.memory_space<vmem>>, vector<16xf32>,
    %swap3A_95 = vector.shape_cast %swap3A_94 : vector<16xf32> to vector<16xf32>
    %swap3A_96 = vector.shape_cast %scan3A_60#8 : vector<16xf32> to vector<16xf32>
    tpu.vector_store %arg8[%swap3A_93], %swap3A_96 {strides = array<i32>} : memref<256xf32, #tpu.memory_space<vmem>>, vector<16xf32>,
    %swap3A_97 = arith.constant 144 : index
    %swap3A_98 = tpu.vector_load %arg8[%swap3A_97] {strides = array<i32>} : memref<256xf32, #tpu.memory_space<vmem>>, vector<16xf32>,
    %swap3A_99 = vector.shape_cast %swap3A_98 : vector<16xf32> to vector<16xf32>
    %swap3A_100 = vector.shape_cast %scan3A_60#9 : vector<16xf32> to vector<16xf32>
    tpu.vector_store %arg8[%swap3A_97], %swap3A_100 {strides = array<i32>} : memref<256xf32, #tpu.memory_space<vmem>>, vector<16xf32>,
    %swap3A_101 = arith.constant 160 : index
    %swap3A_102 = tpu.vector_load %arg8[%swap3A_101] {strides = array<i32>} : memref<256xf32, #tpu.memory_space<vmem>>, vector<16xf32>,
    %swap3A_103 = vector.shape_cast %swap3A_102 : vector<16xf32> to vector<16xf32>
    %swap3A_104 = vector.shape_cast %scan3A_60#10 : vector<16xf32> to vector<16xf32>
    tpu.vector_store %arg8[%swap3A_101], %swap3A_104 {strides = array<i32>} : memref<256xf32, #tpu.memory_space<vmem>>, vector<16xf32>,
    %swap3A_105 = arith.constant 176 : index
    %swap3A_106 = tpu.vector_load %arg8[%swap3A_105] {strides = array<i32>} : memref<256xf32, #tpu.memory_space<vmem>>, vector<16xf32>,
    %swap3A_107 = vector.shape_cast %swap3A_106 : vector<16xf32> to vector<16xf32>
    %swap3A_108 = vector.shape_cast %scan3A_60#11 : vector<16xf32> to vector<16xf32>
    tpu.vector_store %arg8[%swap3A_105], %swap3A_108 {strides = array<i32>} : memref<256xf32, #tpu.memory_space<vmem>>, vector<16xf32>,
    %swap3A_109 = arith.constant 192 : index
    %swap3A_110 = tpu.vector_load %arg8[%swap3A_109] {strides = array<i32>} : memref<256xf32, #tpu.memory_space<vmem>>, vector<16xf32>,
    %swap3A_111 = vector.shape_cast %swap3A_110 : vector<16xf32> to vector<16xf32>
    %swap3A_112 = vector.shape_cast %scan3A_60#12 : vector<16xf32> to vector<16xf32>
    tpu.vector_store %arg8[%swap3A_109], %swap3A_112 {strides = array<i32>} : memref<256xf32, #tpu.memory_space<vmem>>, vector<16xf32>,
    %swap3A_113 = arith.constant 208 : index
    %swap3A_114 = tpu.vector_load %arg8[%swap3A_113] {strides = array<i32>} : memref<256xf32, #tpu.memory_space<vmem>>, vector<16xf32>,
    %swap3A_115 = vector.shape_cast %swap3A_114 : vector<16xf32> to vector<16xf32>
    %swap3A_116 = vector.shape_cast %scan3A_60#13 : vector<16xf32> to vector<16xf32>
    tpu.vector_store %arg8[%swap3A_113], %swap3A_116 {strides = array<i32>} : memref<256xf32, #tpu.memory_space<vmem>>, vector<16xf32>,
    %swap3A_117 = arith.constant 224 : index
    %swap3A_118 = tpu.vector_load %arg8[%swap3A_117] {strides = array<i32>} : memref<256xf32, #tpu.memory_space<vmem>>, vector<16xf32>,
    %swap3A_119 = vector.shape_cast %swap3A_118 : vector<16xf32> to vector<16xf32>
    %swap3A_120 = vector.shape_cast %scan3A_60#14 : vector<16xf32> to vector<16xf32>
    tpu.vector_store %arg8[%swap3A_117], %swap3A_120 {strides = array<i32>} : memref<256xf32, #tpu.memory_space<vmem>>, vector<16xf32>,
    %swap3A_121 = arith.constant 240 : index
    %swap3A_122 = tpu.vector_load %arg8[%swap3A_121] {strides = array<i32>} : memref<256xf32, #tpu.memory_space<vmem>>, vector<16xf32>,
    %swap3A_123 = vector.shape_cast %swap3A_122 : vector<16xf32> to vector<16xf32>
    %swap3A_124 = vector.shape_cast %scan3A_60#15 : vector<16xf32> to vector<16xf32>
    tpu.vector_store %arg8[%swap3A_121], %swap3A_124 {strides = array<i32>} : memref<256xf32, #tpu.memory_space<vmem>>, vector<16xf32>,
    "tpu.region"() ({
      %run_scoped3A = tpu.sem_alloc : memref<!tpu.dma_semaphore, #tpu.memory_space<semaphore_mem>>
      %dma_start3A_125 = arith.constant 0 : i32
      %dma_start3A_126 = tpu.memref_slice %arg3[%add3A, %dma_start3A_125] : memref<32x256xf32, #tpu.memory_space<hbm>> -> memref<1x256xf32, #tpu.memory_space<hbm>>
      %dma_start3A_127 = tpu.memref_squeeze %dma_start3A_126 : memref<1x256xf32, #tpu.memory_space<hbm>> -> memref<256xf32, #tpu.memory_space<hbm>>
      %dma_start3A_128 = arith.constant 0 : i32
      %dma_start3A_129 = tpu.memref_slice %arg3[%add3A, %dma_start3A_128] : memref<32x256xf32, #tpu.memory_space<hbm>> -> memref<1x256xf32, #tpu.memory_space<hbm>>
      %dma_start3A_130 = tpu.memref_squeeze %dma_start3A_129 : memref<1x256xf32, #tpu.memory_space<hbm>> -> memref<256xf32, #tpu.memory_space<hbm>>
      tpu.enqueue_dma source(%arg8 : memref<256xf32, #tpu.memory_space<vmem>>) target(%dma_start3A_130 : memref<256xf32, #tpu.memory_space<hbm>>) target_semaphore(%run_scoped3A : memref<!tpu.dma_semaphore, #tpu.memory_space<semaphore_mem>>)
      %dma_wait3A = arith.constant 0 : i32
      %dma_wait3A_131 = tpu.memref_slice %arg3[%add3A, %dma_wait3A] : memref<32x256xf32, #tpu.memory_space<hbm>> -> memref<1x256xf32, #tpu.memory_space<hbm>>
      %dma_wait3A_132 = tpu.memref_squeeze %dma_wait3A_131 : memref<1x256xf32, #tpu.memory_space<hbm>> -> memref<256xf32, #tpu.memory_space<hbm>>
      %dma_wait3A_133 = arith.constant 0 : i32
      %dma_wait3A_134 = tpu.memref_slice %arg3[%add3A, %dma_wait3A_133] : memref<32x256xf32, #tpu.memory_space<hbm>> -> memref<1x256xf32, #tpu.memory_space<hbm>>
      %dma_wait3A_135 = tpu.memref_squeeze %dma_wait3A_134 : memref<1x256xf32, #tpu.memory_space<hbm>> -> memref<256xf32, #tpu.memory_space<hbm>>
      tpu.wait_dma2 semaphore(%run_scoped3A : memref<!tpu.dma_semaphore, #tpu.memory_space<semaphore_mem>>) src(%arg8 : memref<256xf32, #tpu.memory_space<vmem>>) dst(%dma_wait3A_135 : memref<256xf32, #tpu.memory_space<hbm>>)
      tpu.yield
    }) : () -> ()
    return
  }
}

module attributes {stable_mosaic.version = 14 : i64} {
  func.func @body(%arg0: i32, %arg1: memref<1x8x256xf32, #tpu.memory_space<vmem>>, %arg2: memref<1x1x64xi32, #tpu.memory_space<vmem>>) attributes {dimension_semantics = [#tpu.dimension_semantics<arbitrary>], iteration_bounds = array<i64: 4>, scalar_prefetch = 0 : i64, scratch_operands = 0 : i64, tpu.core_type = #tpu.core_type<tc>, window_params = [{transform_indices = @transform_0, window_bounds = array<i64: 1, 8, 256>}, {transform_indices = @transform_1, window_bounds = array<i64: 1, 1, 64>}]} {
    %get3A = arith.constant 0 : index
    %get3A_0 = arith.constant 0 : index
    %get3A_1 = arith.constant 0 : index
    %get3A_2 = vector.load %arg1[%get3A, %get3A_0, %get3A_1] : memref<1x8x256xf32, #tpu.memory_space<vmem>>, vector<1x8x256xf32>
    %reduce_sum3A = arith.constant dense<0.000000e+00> : vector<1x256xf32>
    %reduce_sum3A_3 = vector.multi_reduction <add>, %get3A_2, %reduce_sum3A [1] : vector<1x8x256xf32> to vector<1x256xf32>
    %broadcast_in_dim3A = vector.shape_cast %reduce_sum3A_3 : vector<1x256xf32> to vector<1x1x256xf32>
    %reshape3A = vector.shape_cast %broadcast_in_dim3A : vector<1x1x256xf32> to vector<1x256xf32>
    %broadcast_in_dim3A_4 = vector.shape_cast %reshape3A : vector<1x256xf32> to vector<1x256xf32>
    %broadcast_in_dim3A_5 = vector.broadcast %broadcast_in_dim3A_4 : vector<1x256xf32> to vector<256x256xf32>
    %transpose3A = tpu.transpose %reshape3A, [1, 0] : vector<1x256xf32> -> vector<256x1xf32>
    %broadcast_in_dim3A_6 = vector.shape_cast %transpose3A : vector<256x1xf32> to vector<256x1xf32>
    %broadcast_in_dim3A_7 = vector.broadcast %broadcast_in_dim3A_6 : vector<256x1xf32> to vector<256x256xf32>
    %iota3A = tpu.iota {dimensions = array<i32: 0>} : vector<256x256xi32>
    %iota3A_8 = tpu.iota {dimensions = array<i32: 1>} : vector<256x256xi32>
    %gt3A = arith.cmpf ogt, %broadcast_in_dim3A_7, %broadcast_in_dim3A_5 : vector<256x256xf32>
    %eq3A = arith.cmpf oeq, %broadcast_in_dim3A_7, %broadcast_in_dim3A_5 : vector<256x256xf32>
    %lt3A = arith.cmpi slt, %iota3A, %iota3A_8 : vector<256x256xi32>
    %and3A = arith.andi %eq3A, %lt3A : vector<256x256xi1>
    %or3A = arith.ori %gt3A, %and3A : vector<256x256xi1>
    %convert_element_type3A = arith.extui %or3A : vector<256x256xi1> to vector<256x256xi32>
    %reduce_sum3A_9 = arith.constant dense<0> : vector<256xi32>
    %reduce_sum3A_10 = vector.multi_reduction <add>, %convert_element_type3A, %reduce_sum3A_9 [0] : vector<256x256xi32> to vector<256xi32>
    %broadcast_in_dim3A_11 = vector.shape_cast %reduce_sum3A_10 : vector<256xi32> to vector<1x256xi32>
    %transpose3A_12 = tpu.transpose %broadcast_in_dim3A_11, [1, 0] : vector<1x256xi32> -> vector<256x1xi32>
    %broadcast_in_dim3A_13 = vector.shape_cast %transpose3A_12 : vector<256x1xi32> to vector<256x1xi32>
    %broadcast_in_dim3A_14 = vector.broadcast %broadcast_in_dim3A_13 : vector<256x1xi32> to vector<256x64xi32>
    %iota3A_15 = tpu.iota {dimensions = array<i32: 1>} : vector<256x64xi32>
    %iota3A_16 = tpu.iota {dimensions = array<i32: 0>} : vector<256x64xi32>
    %eq3A_17 = arith.cmpi eq, %broadcast_in_dim3A_14, %iota3A_15 : vector<256x64xi32>
    %jit3A = arith.constant 0 : i32
    %broadcast_in_dim3A_18 = vector.broadcast %jit3A : i32 to vector<256x64xi32>
    %select_n3A = arith.select %eq3A_17, %iota3A_16, %broadcast_in_dim3A_18 : vector<256x64xi1>, vector<256x64xi32>
    %reduce_sum3A_19 = arith.constant dense<0> : vector<64xi32>
    %reduce_sum3A_20 = vector.multi_reduction <add>, %select_n3A, %reduce_sum3A_19 [0] : vector<256x64xi32> to vector<64xi32>
    %broadcast_in_dim3A_21 = vector.shape_cast %reduce_sum3A_20 : vector<64xi32> to vector<1x64xi32>
    %reshape3A_22 = vector.shape_cast %broadcast_in_dim3A_21 : vector<1x64xi32> to vector<1x1x64xi32>
    %swap3A = arith.constant 0 : index
    %swap3A_23 = arith.constant 0 : index
    %swap3A_24 = arith.constant 0 : index
    %swap3A_25 = vector.load %arg2[%swap3A, %swap3A_23, %swap3A_24] : memref<1x1x64xi32, #tpu.memory_space<vmem>>, vector<1x1x64xi32>
    tpu.vector_store %arg2[%swap3A, %swap3A_23, %swap3A_24], %reshape3A_22 {strides = array<i32>} : memref<1x1x64xi32, #tpu.memory_space<vmem>>, vector<1x1x64xi32>,
    return
  }
  func.func @transform_0(%arg0: i32) -> (i32, i32, i32) {
    %c0_i32 = arith.constant 0 : i32
    %c0_i32_0 = arith.constant 0 : i32
    %c0_i32_1 = arith.constant 0 : i32
    return %arg0, %c0_i32, %c0_i32_0 : i32, i32, i32
  }
  func.func @transform_1(%arg0: i32) -> (i32, i32, i32) {
    %c0_i32 = arith.constant 0 : i32
    %c0_i32_0 = arith.constant 0 : i32
    %c0_i32_1 = arith.constant 0 : i32
    return %arg0, %c0_i32, %c0_i32_0 : i32, i32, i32
  }
}

module attributes {stable_mosaic.version = 14 : i64} {
  func.func @body(%arg0: i32, %arg1: i32, %arg2: memref<4x64xi32, #tpu.memory_space<smem>>, %arg3: memref<1x1x4x1x4x256xf32, #tpu.memory_space<vmem>>, %arg4: memref<1x1x4x1x4x256xf32, #tpu.memory_space<vmem>>, %arg5: memref<1x1x4x1x4x256xf32, #tpu.memory_space<vmem>>, %arg6: memref<1x1x4x1x4x256xf32, #tpu.memory_space<vmem>>, %arg7: memref<1x1x4x1x4x256xf32, #tpu.memory_space<vmem>>, %arg8: memref<1x1x4x1x4x256xf32, #tpu.memory_space<vmem>>, %arg9: memref<1x1x4x1x4x256xf32, #tpu.memory_space<vmem>>, %arg10: memref<1x1x4x1x4x256xf32, #tpu.memory_space<vmem>>, %arg11: memref<1x1x4x1x4x256xf32, #tpu.memory_space<vmem>>, %arg12: memref<1x1x4x1x4x256xf32, #tpu.memory_space<vmem>>, %arg13: memref<1x1x4x1x4x256xf32, #tpu.memory_space<vmem>>, %arg14: memref<1x1x4x1x4x256xf32, #tpu.memory_space<vmem>>, %arg15: memref<1x1x4x1x4x256xf32, #tpu.memory_space<vmem>>, %arg16: memref<1x1x4x1x4x256xf32, #tpu.memory_space<vmem>>, %arg17: memref<1x1x4x1x4x256xf32, #tpu.memory_space<vmem>>, %arg18: memref<1x1x4x1x4x256xf32, #tpu.memory_space<vmem>>, %arg19: memref<1x1x4x1x4x256xf32, #tpu.memory_space<vmem>>, %arg20: memref<1x1x4x1x4x256xf32, #tpu.memory_space<vmem>>, %arg21: memref<1x1x4x1x4x256xf32, #tpu.memory_space<vmem>>, %arg22: memref<1x1x4x1x4x256xf32, #tpu.memory_space<vmem>>, %arg23: memref<1x1x4x1x4x256xf32, #tpu.memory_space<vmem>>, %arg24: memref<1x1x4x1x4x256xf32, #tpu.memory_space<vmem>>, %arg25: memref<1x1x4x1x4x256xf32, #tpu.memory_space<vmem>>, %arg26: memref<1x1x4x1x4x256xf32, #tpu.memory_space<vmem>>, %arg27: memref<1x1x4x1x4x256xf32, #tpu.memory_space<vmem>>, %arg28: memref<1x1x4x1x4x256xf32, #tpu.memory_space<vmem>>, %arg29: memref<1x1x4x1x4x256xf32, #tpu.memory_space<vmem>>, %arg30: memref<1x1x4x1x4x256xf32, #tpu.memory_space<vmem>>, %arg31: memref<1x1x4x1x4x256xf32, #tpu.memory_space<vmem>>, %arg32: memref<1x1x4x1x4x256xf32, #tpu.memory_space<vmem>>, %arg33: memref<1x1x4x1x4x256xf32, #tpu.memory_space<vmem>>, %arg34: memref<1x1x4x1x4x256xf32, #tpu.memory_space<vmem>>, %arg35: memref<16x256x16xf32, #tpu.memory_space<vmem>>, %arg36: memref<16x256x16xf32, #tpu.memory_space<vmem>>) attributes {dimension_semantics = [#tpu.dimension_semantics<arbitrary>, #tpu.dimension_semantics<arbitrary>], iteration_bounds = array<i64: 4, 4>, scalar_prefetch = 1 : i64, scratch_operands = 0 : i64, tpu.core_type = #tpu.core_type<tc>, window_params = [{transform_indices = @transform_0, window_bounds = array<i64: 1, 1, 4, 1, 4, 256>}, {transform_indices = @transform_1, window_bounds = array<i64: 1, 1, 4, 1, 4, 256>}, {transform_indices = @transform_2, window_bounds = array<i64: 1, 1, 4, 1, 4, 256>}, {transform_indices = @transform_3, window_bounds = array<i64: 1, 1, 4, 1, 4, 256>}, {transform_indices = @transform_4, window_bounds = array<i64: 1, 1, 4, 1, 4, 256>}, {transform_indices = @transform_5, window_bounds = array<i64: 1, 1, 4, 1, 4, 256>}, {transform_indices = @transform_6, window_bounds = array<i64: 1, 1, 4, 1, 4, 256>}, {transform_indices = @transform_7, window_bounds = array<i64: 1, 1, 4, 1, 4, 256>}, {transform_indices = @transform_8, window_bounds = array<i64: 1, 1, 4, 1, 4, 256>}, {transform_indices = @transform_9, window_bounds = array<i64: 1, 1, 4, 1, 4, 256>}, {transform_indices = @transform_10, window_bounds = array<i64: 1, 1, 4, 1, 4, 256>}, {transform_indices = @transform_11, window_bounds = array<i64: 1, 1, 4, 1, 4, 256>}, {transform_indices = @transform_12, window_bounds = array<i64: 1, 1, 4, 1, 4, 256>}, {transform_indices = @transform_13, window_bounds = array<i64: 1, 1, 4, 1, 4, 256>}, {transform_indices = @transform_14, window_bounds = array<i64: 1, 1, 4, 1, 4, 256>}, {transform_indices = @transform_15, window_bounds = array<i64: 1, 1, 4, 1, 4, 256>}, {transform_indices = @transform_16, window_bounds = array<i64: 1, 1, 4, 1, 4, 256>}, {transform_indices = @transform_17, window_bounds = array<i64: 1, 1, 4, 1, 4, 256>}, {transform_indices = @transform_18, window_bounds = array<i64: 1, 1, 4, 1, 4, 256>}, {transform_indices = @transform_19, window_bounds = array<i64: 1, 1, 4, 1, 4, 256>}, {transform_indices = @transform_20, window_bounds = array<i64: 1, 1, 4, 1, 4, 256>}, {transform_indices = @transform_21, window_bounds = array<i64: 1, 1, 4, 1, 4, 256>}, {transform_indices = @transform_22, window_bounds = array<i64: 1, 1, 4, 1, 4, 256>}, {transform_indices = @transform_23, window_bounds = array<i64: 1, 1, 4, 1, 4, 256>}, {transform_indices = @transform_24, window_bounds = array<i64: 1, 1, 4, 1, 4, 256>}, {transform_indices = @transform_25, window_bounds = array<i64: 1, 1, 4, 1, 4, 256>}, {transform_indices = @transform_26, window_bounds = array<i64: 1, 1, 4, 1, 4, 256>}, {transform_indices = @transform_27, window_bounds = array<i64: 1, 1, 4, 1, 4, 256>}, {transform_indices = @transform_28, window_bounds = array<i64: 1, 1, 4, 1, 4, 256>}, {transform_indices = @transform_29, window_bounds = array<i64: 1, 1, 4, 1, 4, 256>}, {transform_indices = @transform_30, window_bounds = array<i64: 1, 1, 4, 1, 4, 256>}, {transform_indices = @transform_31, window_bounds = array<i64: 1, 1, 4, 1, 4, 256>}, {transform_indices = @transform_32, window_bounds = array<i64: 16, 256, 16>}, {transform_indices = @transform_33, window_bounds = array<i64: 16, 256, 16>}]} {
    %get3A = arith.constant 0 : index
    %get3A_0 = arith.constant 0 : index
    %get3A_1 = arith.constant 0 : index
    %get3A_2 = arith.constant 0 : index
    %get3A_3 = arith.constant 0 : index
    %get3A_4 = arith.constant 0 : index
    %get3A_5 = vector.load %arg3[%get3A, %get3A_0, %get3A_1, %get3A_2, %get3A_3, %get3A_4] : memref<1x1x4x1x4x256xf32, #tpu.memory_space<vmem>>, vector<1x1x4x1x4x256xf32>
    %get3A_6 = vector.shape_cast %get3A_5 : vector<1x1x4x1x4x256xf32> to vector<4x4x256xf32>
    %reshape3A = vector.shape_cast %get3A_6 : vector<4x4x256xf32> to vector<16x256xf32>
    %transpose3A = tpu.transpose %reshape3A, [1, 0] : vector<16x256xf32> -> vector<256x16xf32>
    %swap3A = arith.constant 0 : index
    %swap3A_7 = arith.constant 0 : index
    %swap3A_8 = arith.constant 0 : index
    %swap3A_9 = vector.load %arg35[%swap3A, %swap3A_7, %swap3A_8] : memref<16x256x16xf32, #tpu.memory_space<vmem>>, vector<1x256x16xf32>
    %swap3A_10 = vector.shape_cast %swap3A_9 : vector<1x256x16xf32> to vector<256x16xf32>
    %swap3A_11 = vector.shape_cast %transpose3A : vector<256x16xf32> to vector<1x256x16xf32>
    tpu.vector_store %arg35[%swap3A, %swap3A_7, %swap3A_8], %swap3A_11 {strides = array<i32>} : memref<16x256x16xf32, #tpu.memory_space<vmem>>, vector<1x256x16xf32>,
    %get3A_12 = arith.constant 0 : index
    %get3A_13 = arith.constant 0 : index
    %get3A_14 = arith.constant 0 : index
    %get3A_15 = arith.constant 0 : index
    %get3A_16 = arith.constant 0 : index
    %get3A_17 = arith.constant 0 : index
    %get3A_18 = vector.load %arg19[%get3A_12, %get3A_13, %get3A_14, %get3A_15, %get3A_16, %get3A_17] : memref<1x1x4x1x4x256xf32, #tpu.memory_space<vmem>>, vector<1x1x4x1x4x256xf32>
    %get3A_19 = vector.shape_cast %get3A_18 : vector<1x1x4x1x4x256xf32> to vector<4x4x256xf32>
    %reshape3A_20 = vector.shape_cast %get3A_19 : vector<4x4x256xf32> to vector<16x256xf32>
    %transpose3A_21 = tpu.transpose %reshape3A_20, [1, 0] : vector<16x256xf32> -> vector<256x16xf32>
    %swap3A_22 = arith.constant 0 : index
    %swap3A_23 = arith.constant 0 : index
    %swap3A_24 = arith.constant 0 : index
    %swap3A_25 = vector.load %arg36[%swap3A_22, %swap3A_23, %swap3A_24] : memref<16x256x16xf32, #tpu.memory_space<vmem>>, vector<1x256x16xf32>
    %swap3A_26 = vector.shape_cast %swap3A_25 : vector<1x256x16xf32> to vector<256x16xf32>
    %swap3A_27 = vector.shape_cast %transpose3A_21 : vector<256x16xf32> to vector<1x256x16xf32>
    tpu.vector_store %arg36[%swap3A_22, %swap3A_23, %swap3A_24], %swap3A_27 {strides = array<i32>} : memref<16x256x16xf32, #tpu.memory_space<vmem>>, vector<1x256x16xf32>,
    %get3A_28 = arith.constant 0 : index
    %get3A_29 = arith.constant 0 : index
    %get3A_30 = arith.constant 0 : index
    %get3A_31 = arith.constant 0 : index
    %get3A_32 = arith.constant 0 : index
    %get3A_33 = arith.constant 0 : index
    %get3A_34 = vector.load %arg4[%get3A_28, %get3A_29, %get3A_30, %get3A_31, %get3A_32, %get3A_33] : memref<1x1x4x1x4x256xf32, #tpu.memory_space<vmem>>, vector<1x1x4x1x4x256xf32>
    %get3A_35 = vector.shape_cast %get3A_34 : vector<1x1x4x1x4x256xf32> to vector<4x4x256xf32>
    %reshape3A_36 = vector.shape_cast %get3A_35 : vector<4x4x256xf32> to vector<16x256xf32>
    %transpose3A_37 = tpu.transpose %reshape3A_36, [1, 0] : vector<16x256xf32> -> vector<256x16xf32>
    %swap3A_38 = arith.constant 1 : index
    %swap3A_39 = arith.constant 0 : index
    %swap3A_40 = arith.constant 0 : index
    %swap3A_41 = vector.load %arg35[%swap3A_38, %swap3A_39, %swap3A_40] : memref<16x256x16xf32, #tpu.memory_space<vmem>>, vector<1x256x16xf32>
    %swap3A_42 = vector.shape_cast %swap3A_41 : vector<1x256x16xf32> to vector<256x16xf32>
    %swap3A_43 = vector.shape_cast %transpose3A_37 : vector<256x16xf32> to vector<1x256x16xf32>
    tpu.vector_store %arg35[%swap3A_38, %swap3A_39, %swap3A_40], %swap3A_43 {strides = array<i32>} : memref<16x256x16xf32, #tpu.memory_space<vmem>>, vector<1x256x16xf32>,
    %get3A_44 = arith.constant 0 : index
    %get3A_45 = arith.constant 0 : index
    %get3A_46 = arith.constant 0 : index
    %get3A_47 = arith.constant 0 : index
    %get3A_48 = arith.constant 0 : index
    %get3A_49 = arith.constant 0 : index
    %get3A_50 = vector.load %arg20[%get3A_44, %get3A_45, %get3A_46, %get3A_47, %get3A_48, %get3A_49] : memref<1x1x4x1x4x256xf32, #tpu.memory_space<vmem>>, vector<1x1x4x1x4x256xf32>
    %get3A_51 = vector.shape_cast %get3A_50 : vector<1x1x4x1x4x256xf32> to vector<4x4x256xf32>
    %reshape3A_52 = vector.shape_cast %get3A_51 : vector<4x4x256xf32> to vector<16x256xf32>
    %transpose3A_53 = tpu.transpose %reshape3A_52, [1, 0] : vector<16x256xf32> -> vector<256x16xf32>
    %swap3A_54 = arith.constant 1 : index
    %swap3A_55 = arith.constant 0 : index
    %swap3A_56 = arith.constant 0 : index
    %swap3A_57 = vector.load %arg36[%swap3A_54, %swap3A_55, %swap3A_56] : memref<16x256x16xf32, #tpu.memory_space<vmem>>, vector<1x256x16xf32>
    %swap3A_58 = vector.shape_cast %swap3A_57 : vector<1x256x16xf32> to vector<256x16xf32>
    %swap3A_59 = vector.shape_cast %transpose3A_53 : vector<256x16xf32> to vector<1x256x16xf32>
    tpu.vector_store %arg36[%swap3A_54, %swap3A_55, %swap3A_56], %swap3A_59 {strides = array<i32>} : memref<16x256x16xf32, #tpu.memory_space<vmem>>, vector<1x256x16xf32>,
    %get3A_60 = arith.constant 0 : index
    %get3A_61 = arith.constant 0 : index
    %get3A_62 = arith.constant 0 : index
    %get3A_63 = arith.constant 0 : index
    %get3A_64 = arith.constant 0 : index
    %get3A_65 = arith.constant 0 : index
    %get3A_66 = vector.load %arg5[%get3A_60, %get3A_61, %get3A_62, %get3A_63, %get3A_64, %get3A_65] : memref<1x1x4x1x4x256xf32, #tpu.memory_space<vmem>>, vector<1x1x4x1x4x256xf32>
    %get3A_67 = vector.shape_cast %get3A_66 : vector<1x1x4x1x4x256xf32> to vector<4x4x256xf32>
    %reshape3A_68 = vector.shape_cast %get3A_67 : vector<4x4x256xf32> to vector<16x256xf32>
    %transpose3A_69 = tpu.transpose %reshape3A_68, [1, 0] : vector<16x256xf32> -> vector<256x16xf32>
    %swap3A_70 = arith.constant 2 : index
    %swap3A_71 = arith.constant 0 : index
    %swap3A_72 = arith.constant 0 : index
    %swap3A_73 = vector.load %arg35[%swap3A_70, %swap3A_71, %swap3A_72] : memref<16x256x16xf32, #tpu.memory_space<vmem>>, vector<1x256x16xf32>
    %swap3A_74 = vector.shape_cast %swap3A_73 : vector<1x256x16xf32> to vector<256x16xf32>
    %swap3A_75 = vector.shape_cast %transpose3A_69 : vector<256x16xf32> to vector<1x256x16xf32>
    tpu.vector_store %arg35[%swap3A_70, %swap3A_71, %swap3A_72], %swap3A_75 {strides = array<i32>} : memref<16x256x16xf32, #tpu.memory_space<vmem>>, vector<1x256x16xf32>,
    %get3A_76 = arith.constant 0 : index
    %get3A_77 = arith.constant 0 : index
    %get3A_78 = arith.constant 0 : index
    %get3A_79 = arith.constant 0 : index
    %get3A_80 = arith.constant 0 : index
    %get3A_81 = arith.constant 0 : index
    %get3A_82 = vector.load %arg21[%get3A_76, %get3A_77, %get3A_78, %get3A_79, %get3A_80, %get3A_81] : memref<1x1x4x1x4x256xf32, #tpu.memory_space<vmem>>, vector<1x1x4x1x4x256xf32>
    %get3A_83 = vector.shape_cast %get3A_82 : vector<1x1x4x1x4x256xf32> to vector<4x4x256xf32>
    %reshape3A_84 = vector.shape_cast %get3A_83 : vector<4x4x256xf32> to vector<16x256xf32>
    %transpose3A_85 = tpu.transpose %reshape3A_84, [1, 0] : vector<16x256xf32> -> vector<256x16xf32>
    %swap3A_86 = arith.constant 2 : index
    %swap3A_87 = arith.constant 0 : index
    %swap3A_88 = arith.constant 0 : index
    %swap3A_89 = vector.load %arg36[%swap3A_86, %swap3A_87, %swap3A_88] : memref<16x256x16xf32, #tpu.memory_space<vmem>>, vector<1x256x16xf32>
    %swap3A_90 = vector.shape_cast %swap3A_89 : vector<1x256x16xf32> to vector<256x16xf32>
    %swap3A_91 = vector.shape_cast %transpose3A_85 : vector<256x16xf32> to vector<1x256x16xf32>
    tpu.vector_store %arg36[%swap3A_86, %swap3A_87, %swap3A_88], %swap3A_91 {strides = array<i32>} : memref<16x256x16xf32, #tpu.memory_space<vmem>>, vector<1x256x16xf32>,
    %get3A_92 = arith.constant 0 : index
    %get3A_93 = arith.constant 0 : index
    %get3A_94 = arith.constant 0 : index
    %get3A_95 = arith.constant 0 : index
    %get3A_96 = arith.constant 0 : index
    %get3A_97 = arith.constant 0 : index
    %get3A_98 = vector.load %arg6[%get3A_92, %get3A_93, %get3A_94, %get3A_95, %get3A_96, %get3A_97] : memref<1x1x4x1x4x256xf32, #tpu.memory_space<vmem>>, vector<1x1x4x1x4x256xf32>
    %get3A_99 = vector.shape_cast %get3A_98 : vector<1x1x4x1x4x256xf32> to vector<4x4x256xf32>
    %reshape3A_100 = vector.shape_cast %get3A_99 : vector<4x4x256xf32> to vector<16x256xf32>
    %transpose3A_101 = tpu.transpose %reshape3A_100, [1, 0] : vector<16x256xf32> -> vector<256x16xf32>
    %swap3A_102 = arith.constant 3 : index
    %swap3A_103 = arith.constant 0 : index
    %swap3A_104 = arith.constant 0 : index
    %swap3A_105 = vector.load %arg35[%swap3A_102, %swap3A_103, %swap3A_104] : memref<16x256x16xf32, #tpu.memory_space<vmem>>, vector<1x256x16xf32>
    %swap3A_106 = vector.shape_cast %swap3A_105 : vector<1x256x16xf32> to vector<256x16xf32>
    %swap3A_107 = vector.shape_cast %transpose3A_101 : vector<256x16xf32> to vector<1x256x16xf32>
    tpu.vector_store %arg35[%swap3A_102, %swap3A_103, %swap3A_104], %swap3A_107 {strides = array<i32>} : memref<16x256x16xf32, #tpu.memory_space<vmem>>, vector<1x256x16xf32>,
    %get3A_108 = arith.constant 0 : index
    %get3A_109 = arith.constant 0 : index
    %get3A_110 = arith.constant 0 : index
    %get3A_111 = arith.constant 0 : index
    %get3A_112 = arith.constant 0 : index
    %get3A_113 = arith.constant 0 : index
    %get3A_114 = vector.load %arg22[%get3A_108, %get3A_109, %get3A_110, %get3A_111, %get3A_112, %get3A_113] : memref<1x1x4x1x4x256xf32, #tpu.memory_space<vmem>>, vector<1x1x4x1x4x256xf32>
    %get3A_115 = vector.shape_cast %get3A_114 : vector<1x1x4x1x4x256xf32> to vector<4x4x256xf32>
    %reshape3A_116 = vector.shape_cast %get3A_115 : vector<4x4x256xf32> to vector<16x256xf32>
    %transpose3A_117 = tpu.transpose %reshape3A_116, [1, 0] : vector<16x256xf32> -> vector<256x16xf32>
    %swap3A_118 = arith.constant 3 : index
    %swap3A_119 = arith.constant 0 : index
    %swap3A_120 = arith.constant 0 : index
    %swap3A_121 = vector.load %arg36[%swap3A_118, %swap3A_119, %swap3A_120] : memref<16x256x16xf32, #tpu.memory_space<vmem>>, vector<1x256x16xf32>
    %swap3A_122 = vector.shape_cast %swap3A_121 : vector<1x256x16xf32> to vector<256x16xf32>
    %swap3A_123 = vector.shape_cast %transpose3A_117 : vector<256x16xf32> to vector<1x256x16xf32>
    tpu.vector_store %arg36[%swap3A_118, %swap3A_119, %swap3A_120], %swap3A_123 {strides = array<i32>} : memref<16x256x16xf32, #tpu.memory_space<vmem>>, vector<1x256x16xf32>,
    %get3A_124 = arith.constant 0 : index
    %get3A_125 = arith.constant 0 : index
    %get3A_126 = arith.constant 0 : index
    %get3A_127 = arith.constant 0 : index
    %get3A_128 = arith.constant 0 : index
    %get3A_129 = arith.constant 0 : index
    %get3A_130 = vector.load %arg7[%get3A_124, %get3A_125, %get3A_126, %get3A_127, %get3A_128, %get3A_129] : memref<1x1x4x1x4x256xf32, #tpu.memory_space<vmem>>, vector<1x1x4x1x4x256xf32>
    %get3A_131 = vector.shape_cast %get3A_130 : vector<1x1x4x1x4x256xf32> to vector<4x4x256xf32>
    %reshape3A_132 = vector.shape_cast %get3A_131 : vector<4x4x256xf32> to vector<16x256xf32>
    %transpose3A_133 = tpu.transpose %reshape3A_132, [1, 0] : vector<16x256xf32> -> vector<256x16xf32>
    %swap3A_134 = arith.constant 4 : index
    %swap3A_135 = arith.constant 0 : index
    %swap3A_136 = arith.constant 0 : index
    %swap3A_137 = vector.load %arg35[%swap3A_134, %swap3A_135, %swap3A_136] : memref<16x256x16xf32, #tpu.memory_space<vmem>>, vector<1x256x16xf32>
    %swap3A_138 = vector.shape_cast %swap3A_137 : vector<1x256x16xf32> to vector<256x16xf32>
    %swap3A_139 = vector.shape_cast %transpose3A_133 : vector<256x16xf32> to vector<1x256x16xf32>
    tpu.vector_store %arg35[%swap3A_134, %swap3A_135, %swap3A_136], %swap3A_139 {strides = array<i32>} : memref<16x256x16xf32, #tpu.memory_space<vmem>>, vector<1x256x16xf32>,
    %get3A_140 = arith.constant 0 : index
    %get3A_141 = arith.constant 0 : index
    %get3A_142 = arith.constant 0 : index
    %get3A_143 = arith.constant 0 : index
    %get3A_144 = arith.constant 0 : index
    %get3A_145 = arith.constant 0 : index
    %get3A_146 = vector.load %arg23[%get3A_140, %get3A_141, %get3A_142, %get3A_143, %get3A_144, %get3A_145] : memref<1x1x4x1x4x256xf32, #tpu.memory_space<vmem>>, vector<1x1x4x1x4x256xf32>
    %get3A_147 = vector.shape_cast %get3A_146 : vector<1x1x4x1x4x256xf32> to vector<4x4x256xf32>
    %reshape3A_148 = vector.shape_cast %get3A_147 : vector<4x4x256xf32> to vector<16x256xf32>
    %transpose3A_149 = tpu.transpose %reshape3A_148, [1, 0] : vector<16x256xf32> -> vector<256x16xf32>
    %swap3A_150 = arith.constant 4 : index
    %swap3A_151 = arith.constant 0 : index
    %swap3A_152 = arith.constant 0 : index
    %swap3A_153 = vector.load %arg36[%swap3A_150, %swap3A_151, %swap3A_152] : memref<16x256x16xf32, #tpu.memory_space<vmem>>, vector<1x256x16xf32>
    %swap3A_154 = vector.shape_cast %swap3A_153 : vector<1x256x16xf32> to vector<256x16xf32>
    %swap3A_155 = vector.shape_cast %transpose3A_149 : vector<256x16xf32> to vector<1x256x16xf32>
    tpu.vector_store %arg36[%swap3A_150, %swap3A_151, %swap3A_152], %swap3A_155 {strides = array<i32>} : memref<16x256x16xf32, #tpu.memory_space<vmem>>, vector<1x256x16xf32>,
    %get3A_156 = arith.constant 0 : index
    %get3A_157 = arith.constant 0 : index
    %get3A_158 = arith.constant 0 : index
    %get3A_159 = arith.constant 0 : index
    %get3A_160 = arith.constant 0 : index
    %get3A_161 = arith.constant 0 : index
    %get3A_162 = vector.load %arg8[%get3A_156, %get3A_157, %get3A_158, %get3A_159, %get3A_160, %get3A_161] : memref<1x1x4x1x4x256xf32, #tpu.memory_space<vmem>>, vector<1x1x4x1x4x256xf32>
    %get3A_163 = vector.shape_cast %get3A_162 : vector<1x1x4x1x4x256xf32> to vector<4x4x256xf32>
    %reshape3A_164 = vector.shape_cast %get3A_163 : vector<4x4x256xf32> to vector<16x256xf32>
    %transpose3A_165 = tpu.transpose %reshape3A_164, [1, 0] : vector<16x256xf32> -> vector<256x16xf32>
    %swap3A_166 = arith.constant 5 : index
    %swap3A_167 = arith.constant 0 : index
    %swap3A_168 = arith.constant 0 : index
    %swap3A_169 = vector.load %arg35[%swap3A_166, %swap3A_167, %swap3A_168] : memref<16x256x16xf32, #tpu.memory_space<vmem>>, vector<1x256x16xf32>
    %swap3A_170 = vector.shape_cast %swap3A_169 : vector<1x256x16xf32> to vector<256x16xf32>
    %swap3A_171 = vector.shape_cast %transpose3A_165 : vector<256x16xf32> to vector<1x256x16xf32>
    tpu.vector_store %arg35[%swap3A_166, %swap3A_167, %swap3A_168], %swap3A_171 {strides = array<i32>} : memref<16x256x16xf32, #tpu.memory_space<vmem>>, vector<1x256x16xf32>,
    %get3A_172 = arith.constant 0 : index
    %get3A_173 = arith.constant 0 : index
    %get3A_174 = arith.constant 0 : index
    %get3A_175 = arith.constant 0 : index
    %get3A_176 = arith.constant 0 : index
    %get3A_177 = arith.constant 0 : index
    %get3A_178 = vector.load %arg24[%get3A_172, %get3A_173, %get3A_174, %get3A_175, %get3A_176, %get3A_177] : memref<1x1x4x1x4x256xf32, #tpu.memory_space<vmem>>, vector<1x1x4x1x4x256xf32>
    %get3A_179 = vector.shape_cast %get3A_178 : vector<1x1x4x1x4x256xf32> to vector<4x4x256xf32>
    %reshape3A_180 = vector.shape_cast %get3A_179 : vector<4x4x256xf32> to vector<16x256xf32>
    %transpose3A_181 = tpu.transpose %reshape3A_180, [1, 0] : vector<16x256xf32> -> vector<256x16xf32>
    %swap3A_182 = arith.constant 5 : index
    %swap3A_183 = arith.constant 0 : index
    %swap3A_184 = arith.constant 0 : index
    %swap3A_185 = vector.load %arg36[%swap3A_182, %swap3A_183, %swap3A_184] : memref<16x256x16xf32, #tpu.memory_space<vmem>>, vector<1x256x16xf32>
    %swap3A_186 = vector.shape_cast %swap3A_185 : vector<1x256x16xf32> to vector<256x16xf32>
    %swap3A_187 = vector.shape_cast %transpose3A_181 : vector<256x16xf32> to vector<1x256x16xf32>
    tpu.vector_store %arg36[%swap3A_182, %swap3A_183, %swap3A_184], %swap3A_187 {strides = array<i32>} : memref<16x256x16xf32, #tpu.memory_space<vmem>>, vector<1x256x16xf32>,
    %get3A_188 = arith.constant 0 : index
    %get3A_189 = arith.constant 0 : index
    %get3A_190 = arith.constant 0 : index
    %get3A_191 = arith.constant 0 : index
    %get3A_192 = arith.constant 0 : index
    %get3A_193 = arith.constant 0 : index
    %get3A_194 = vector.load %arg9[%get3A_188, %get3A_189, %get3A_190, %get3A_191, %get3A_192, %get3A_193] : memref<1x1x4x1x4x256xf32, #tpu.memory_space<vmem>>, vector<1x1x4x1x4x256xf32>
    %get3A_195 = vector.shape_cast %get3A_194 : vector<1x1x4x1x4x256xf32> to vector<4x4x256xf32>
    %reshape3A_196 = vector.shape_cast %get3A_195 : vector<4x4x256xf32> to vector<16x256xf32>
    %transpose3A_197 = tpu.transpose %reshape3A_196, [1, 0] : vector<16x256xf32> -> vector<256x16xf32>
    %swap3A_198 = arith.constant 6 : index
    %swap3A_199 = arith.constant 0 : index
    %swap3A_200 = arith.constant 0 : index
    %swap3A_201 = vector.load %arg35[%swap3A_198, %swap3A_199, %swap3A_200] : memref<16x256x16xf32, #tpu.memory_space<vmem>>, vector<1x256x16xf32>
    %swap3A_202 = vector.shape_cast %swap3A_201 : vector<1x256x16xf32> to vector<256x16xf32>
    %swap3A_203 = vector.shape_cast %transpose3A_197 : vector<256x16xf32> to vector<1x256x16xf32>
    tpu.vector_store %arg35[%swap3A_198, %swap3A_199, %swap3A_200], %swap3A_203 {strides = array<i32>} : memref<16x256x16xf32, #tpu.memory_space<vmem>>, vector<1x256x16xf32>,
    %get3A_204 = arith.constant 0 : index
    %get3A_205 = arith.constant 0 : index
    %get3A_206 = arith.constant 0 : index
    %get3A_207 = arith.constant 0 : index
    %get3A_208 = arith.constant 0 : index
    %get3A_209 = arith.constant 0 : index
    %get3A_210 = vector.load %arg25[%get3A_204, %get3A_205, %get3A_206, %get3A_207, %get3A_208, %get3A_209] : memref<1x1x4x1x4x256xf32, #tpu.memory_space<vmem>>, vector<1x1x4x1x4x256xf32>
    %get3A_211 = vector.shape_cast %get3A_210 : vector<1x1x4x1x4x256xf32> to vector<4x4x256xf32>
    %reshape3A_212 = vector.shape_cast %get3A_211 : vector<4x4x256xf32> to vector<16x256xf32>
    %transpose3A_213 = tpu.transpose %reshape3A_212, [1, 0] : vector<16x256xf32> -> vector<256x16xf32>
    %swap3A_214 = arith.constant 6 : index
    %swap3A_215 = arith.constant 0 : index
    %swap3A_216 = arith.constant 0 : index
    %swap3A_217 = vector.load %arg36[%swap3A_214, %swap3A_215, %swap3A_216] : memref<16x256x16xf32, #tpu.memory_space<vmem>>, vector<1x256x16xf32>
    %swap3A_218 = vector.shape_cast %swap3A_217 : vector<1x256x16xf32> to vector<256x16xf32>
    %swap3A_219 = vector.shape_cast %transpose3A_213 : vector<256x16xf32> to vector<1x256x16xf32>
    tpu.vector_store %arg36[%swap3A_214, %swap3A_215, %swap3A_216], %swap3A_219 {strides = array<i32>} : memref<16x256x16xf32, #tpu.memory_space<vmem>>, vector<1x256x16xf32>,
    %get3A_220 = arith.constant 0 : index
    %get3A_221 = arith.constant 0 : index
    %get3A_222 = arith.constant 0 : index
    %get3A_223 = arith.constant 0 : index
    %get3A_224 = arith.constant 0 : index
    %get3A_225 = arith.constant 0 : index
    %get3A_226 = vector.load %arg10[%get3A_220, %get3A_221, %get3A_222, %get3A_223, %get3A_224, %get3A_225] : memref<1x1x4x1x4x256xf32, #tpu.memory_space<vmem>>, vector<1x1x4x1x4x256xf32>
    %get3A_227 = vector.shape_cast %get3A_226 : vector<1x1x4x1x4x256xf32> to vector<4x4x256xf32>
    %reshape3A_228 = vector.shape_cast %get3A_227 : vector<4x4x256xf32> to vector<16x256xf32>
    %transpose3A_229 = tpu.transpose %reshape3A_228, [1, 0] : vector<16x256xf32> -> vector<256x16xf32>
    %swap3A_230 = arith.constant 7 : index
    %swap3A_231 = arith.constant 0 : index
    %swap3A_232 = arith.constant 0 : index
    %swap3A_233 = vector.load %arg35[%swap3A_230, %swap3A_231, %swap3A_232] : memref<16x256x16xf32, #tpu.memory_space<vmem>>, vector<1x256x16xf32>
    %swap3A_234 = vector.shape_cast %swap3A_233 : vector<1x256x16xf32> to vector<256x16xf32>
    %swap3A_235 = vector.shape_cast %transpose3A_229 : vector<256x16xf32> to vector<1x256x16xf32>
    tpu.vector_store %arg35[%swap3A_230, %swap3A_231, %swap3A_232], %swap3A_235 {strides = array<i32>} : memref<16x256x16xf32, #tpu.memory_space<vmem>>, vector<1x256x16xf32>,
    %get3A_236 = arith.constant 0 : index
    %get3A_237 = arith.constant 0 : index
    %get3A_238 = arith.constant 0 : index
    %get3A_239 = arith.constant 0 : index
    %get3A_240 = arith.constant 0 : index
    %get3A_241 = arith.constant 0 : index
    %get3A_242 = vector.load %arg26[%get3A_236, %get3A_237, %get3A_238, %get3A_239, %get3A_240, %get3A_241] : memref<1x1x4x1x4x256xf32, #tpu.memory_space<vmem>>, vector<1x1x4x1x4x256xf32>
    %get3A_243 = vector.shape_cast %get3A_242 : vector<1x1x4x1x4x256xf32> to vector<4x4x256xf32>
    %reshape3A_244 = vector.shape_cast %get3A_243 : vector<4x4x256xf32> to vector<16x256xf32>
    %transpose3A_245 = tpu.transpose %reshape3A_244, [1, 0] : vector<16x256xf32> -> vector<256x16xf32>
    %swap3A_246 = arith.constant 7 : index
    %swap3A_247 = arith.constant 0 : index
    %swap3A_248 = arith.constant 0 : index
    %swap3A_249 = vector.load %arg36[%swap3A_246, %swap3A_247, %swap3A_248] : memref<16x256x16xf32, #tpu.memory_space<vmem>>, vector<1x256x16xf32>
    %swap3A_250 = vector.shape_cast %swap3A_249 : vector<1x256x16xf32> to vector<256x16xf32>
    %swap3A_251 = vector.shape_cast %transpose3A_245 : vector<256x16xf32> to vector<1x256x16xf32>
    tpu.vector_store %arg36[%swap3A_246, %swap3A_247, %swap3A_248], %swap3A_251 {strides = array<i32>} : memref<16x256x16xf32, #tpu.memory_space<vmem>>, vector<1x256x16xf32>,
    %get3A_252 = arith.constant 0 : index
    %get3A_253 = arith.constant 0 : index
    %get3A_254 = arith.constant 0 : index
    %get3A_255 = arith.constant 0 : index
    %get3A_256 = arith.constant 0 : index
    %get3A_257 = arith.constant 0 : index
    %get3A_258 = vector.load %arg11[%get3A_252, %get3A_253, %get3A_254, %get3A_255, %get3A_256, %get3A_257] : memref<1x1x4x1x4x256xf32, #tpu.memory_space<vmem>>, vector<1x1x4x1x4x256xf32>
    %get3A_259 = vector.shape_cast %get3A_258 : vector<1x1x4x1x4x256xf32> to vector<4x4x256xf32>
    %reshape3A_260 = vector.shape_cast %get3A_259 : vector<4x4x256xf32> to vector<16x256xf32>
    %transpose3A_261 = tpu.transpose %reshape3A_260, [1, 0] : vector<16x256xf32> -> vector<256x16xf32>
    %swap3A_262 = arith.constant 8 : index
    %swap3A_263 = arith.constant 0 : index
    %swap3A_264 = arith.constant 0 : index
    %swap3A_265 = vector.load %arg35[%swap3A_262, %swap3A_263, %swap3A_264] : memref<16x256x16xf32, #tpu.memory_space<vmem>>, vector<1x256x16xf32>
    %swap3A_266 = vector.shape_cast %swap3A_265 : vector<1x256x16xf32> to vector<256x16xf32>
    %swap3A_267 = vector.shape_cast %transpose3A_261 : vector<256x16xf32> to vector<1x256x16xf32>
    tpu.vector_store %arg35[%swap3A_262, %swap3A_263, %swap3A_264], %swap3A_267 {strides = array<i32>} : memref<16x256x16xf32, #tpu.memory_space<vmem>>, vector<1x256x16xf32>,
    %get3A_268 = arith.constant 0 : index
    %get3A_269 = arith.constant 0 : index
    %get3A_270 = arith.constant 0 : index
    %get3A_271 = arith.constant 0 : index
    %get3A_272 = arith.constant 0 : index
    %get3A_273 = arith.constant 0 : index
    %get3A_274 = vector.load %arg27[%get3A_268, %get3A_269, %get3A_270, %get3A_271, %get3A_272, %get3A_273] : memref<1x1x4x1x4x256xf32, #tpu.memory_space<vmem>>, vector<1x1x4x1x4x256xf32>
    %get3A_275 = vector.shape_cast %get3A_274 : vector<1x1x4x1x4x256xf32> to vector<4x4x256xf32>
    %reshape3A_276 = vector.shape_cast %get3A_275 : vector<4x4x256xf32> to vector<16x256xf32>
    %transpose3A_277 = tpu.transpose %reshape3A_276, [1, 0] : vector<16x256xf32> -> vector<256x16xf32>
    %swap3A_278 = arith.constant 8 : index
    %swap3A_279 = arith.constant 0 : index
    %swap3A_280 = arith.constant 0 : index
    %swap3A_281 = vector.load %arg36[%swap3A_278, %swap3A_279, %swap3A_280] : memref<16x256x16xf32, #tpu.memory_space<vmem>>, vector<1x256x16xf32>
    %swap3A_282 = vector.shape_cast %swap3A_281 : vector<1x256x16xf32> to vector<256x16xf32>
    %swap3A_283 = vector.shape_cast %transpose3A_277 : vector<256x16xf32> to vector<1x256x16xf32>
    tpu.vector_store %arg36[%swap3A_278, %swap3A_279, %swap3A_280], %swap3A_283 {strides = array<i32>} : memref<16x256x16xf32, #tpu.memory_space<vmem>>, vector<1x256x16xf32>,
    %get3A_284 = arith.constant 0 : index
    %get3A_285 = arith.constant 0 : index
    %get3A_286 = arith.constant 0 : index
    %get3A_287 = arith.constant 0 : index
    %get3A_288 = arith.constant 0 : index
    %get3A_289 = arith.constant 0 : index
    %get3A_290 = vector.load %arg12[%get3A_284, %get3A_285, %get3A_286, %get3A_287, %get3A_288, %get3A_289] : memref<1x1x4x1x4x256xf32, #tpu.memory_space<vmem>>, vector<1x1x4x1x4x256xf32>
    %get3A_291 = vector.shape_cast %get3A_290 : vector<1x1x4x1x4x256xf32> to vector<4x4x256xf32>
    %reshape3A_292 = vector.shape_cast %get3A_291 : vector<4x4x256xf32> to vector<16x256xf32>
    %transpose3A_293 = tpu.transpose %reshape3A_292, [1, 0] : vector<16x256xf32> -> vector<256x16xf32>
    %swap3A_294 = arith.constant 9 : index
    %swap3A_295 = arith.constant 0 : index
    %swap3A_296 = arith.constant 0 : index
    %swap3A_297 = vector.load %arg35[%swap3A_294, %swap3A_295, %swap3A_296] : memref<16x256x16xf32, #tpu.memory_space<vmem>>, vector<1x256x16xf32>
    %swap3A_298 = vector.shape_cast %swap3A_297 : vector<1x256x16xf32> to vector<256x16xf32>
    %swap3A_299 = vector.shape_cast %transpose3A_293 : vector<256x16xf32> to vector<1x256x16xf32>
    tpu.vector_store %arg35[%swap3A_294, %swap3A_295, %swap3A_296], %swap3A_299 {strides = array<i32>} : memref<16x256x16xf32, #tpu.memory_space<vmem>>, vector<1x256x16xf32>,
    %get3A_300 = arith.constant 0 : index
    %get3A_301 = arith.constant 0 : index
    %get3A_302 = arith.constant 0 : index
    %get3A_303 = arith.constant 0 : index
    %get3A_304 = arith.constant 0 : index
    %get3A_305 = arith.constant 0 : index
    %get3A_306 = vector.load %arg28[%get3A_300, %get3A_301, %get3A_302, %get3A_303, %get3A_304, %get3A_305] : memref<1x1x4x1x4x256xf32, #tpu.memory_space<vmem>>, vector<1x1x4x1x4x256xf32>
    %get3A_307 = vector.shape_cast %get3A_306 : vector<1x1x4x1x4x256xf32> to vector<4x4x256xf32>
    %reshape3A_308 = vector.shape_cast %get3A_307 : vector<4x4x256xf32> to vector<16x256xf32>
    %transpose3A_309 = tpu.transpose %reshape3A_308, [1, 0] : vector<16x256xf32> -> vector<256x16xf32>
    %swap3A_310 = arith.constant 9 : index
    %swap3A_311 = arith.constant 0 : index
    %swap3A_312 = arith.constant 0 : index
    %swap3A_313 = vector.load %arg36[%swap3A_310, %swap3A_311, %swap3A_312] : memref<16x256x16xf32, #tpu.memory_space<vmem>>, vector<1x256x16xf32>
    %swap3A_314 = vector.shape_cast %swap3A_313 : vector<1x256x16xf32> to vector<256x16xf32>
    %swap3A_315 = vector.shape_cast %transpose3A_309 : vector<256x16xf32> to vector<1x256x16xf32>
    tpu.vector_store %arg36[%swap3A_310, %swap3A_311, %swap3A_312], %swap3A_315 {strides = array<i32>} : memref<16x256x16xf32, #tpu.memory_space<vmem>>, vector<1x256x16xf32>,
    %get3A_316 = arith.constant 0 : index
    %get3A_317 = arith.constant 0 : index
    %get3A_318 = arith.constant 0 : index
    %get3A_319 = arith.constant 0 : index
    %get3A_320 = arith.constant 0 : index
    %get3A_321 = arith.constant 0 : index
    %get3A_322 = vector.load %arg13[%get3A_316, %get3A_317, %get3A_318, %get3A_319, %get3A_320, %get3A_321] : memref<1x1x4x1x4x256xf32, #tpu.memory_space<vmem>>, vector<1x1x4x1x4x256xf32>
    %get3A_323 = vector.shape_cast %get3A_322 : vector<1x1x4x1x4x256xf32> to vector<4x4x256xf32>
    %reshape3A_324 = vector.shape_cast %get3A_323 : vector<4x4x256xf32> to vector<16x256xf32>
    %transpose3A_325 = tpu.transpose %reshape3A_324, [1, 0] : vector<16x256xf32> -> vector<256x16xf32>
    %swap3A_326 = arith.constant 10 : index
    %swap3A_327 = arith.constant 0 : index
    %swap3A_328 = arith.constant 0 : index
    %swap3A_329 = vector.load %arg35[%swap3A_326, %swap3A_327, %swap3A_328] : memref<16x256x16xf32, #tpu.memory_space<vmem>>, vector<1x256x16xf32>
    %swap3A_330 = vector.shape_cast %swap3A_329 : vector<1x256x16xf32> to vector<256x16xf32>
    %swap3A_331 = vector.shape_cast %transpose3A_325 : vector<256x16xf32> to vector<1x256x16xf32>
    tpu.vector_store %arg35[%swap3A_326, %swap3A_327, %swap3A_328], %swap3A_331 {strides = array<i32>} : memref<16x256x16xf32, #tpu.memory_space<vmem>>, vector<1x256x16xf32>,
    %get3A_332 = arith.constant 0 : index
    %get3A_333 = arith.constant 0 : index
    %get3A_334 = arith.constant 0 : index
    %get3A_335 = arith.constant 0 : index
    %get3A_336 = arith.constant 0 : index
    %get3A_337 = arith.constant 0 : index
    %get3A_338 = vector.load %arg29[%get3A_332, %get3A_333, %get3A_334, %get3A_335, %get3A_336, %get3A_337] : memref<1x1x4x1x4x256xf32, #tpu.memory_space<vmem>>, vector<1x1x4x1x4x256xf32>
    %get3A_339 = vector.shape_cast %get3A_338 : vector<1x1x4x1x4x256xf32> to vector<4x4x256xf32>
    %reshape3A_340 = vector.shape_cast %get3A_339 : vector<4x4x256xf32> to vector<16x256xf32>
    %transpose3A_341 = tpu.transpose %reshape3A_340, [1, 0] : vector<16x256xf32> -> vector<256x16xf32>
    %swap3A_342 = arith.constant 10 : index
    %swap3A_343 = arith.constant 0 : index
    %swap3A_344 = arith.constant 0 : index
    %swap3A_345 = vector.load %arg36[%swap3A_342, %swap3A_343, %swap3A_344] : memref<16x256x16xf32, #tpu.memory_space<vmem>>, vector<1x256x16xf32>
    %swap3A_346 = vector.shape_cast %swap3A_345 : vector<1x256x16xf32> to vector<256x16xf32>
    %swap3A_347 = vector.shape_cast %transpose3A_341 : vector<256x16xf32> to vector<1x256x16xf32>
    tpu.vector_store %arg36[%swap3A_342, %swap3A_343, %swap3A_344], %swap3A_347 {strides = array<i32>} : memref<16x256x16xf32, #tpu.memory_space<vmem>>, vector<1x256x16xf32>,
    %get3A_348 = arith.constant 0 : index
    %get3A_349 = arith.constant 0 : index
    %get3A_350 = arith.constant 0 : index
    %get3A_351 = arith.constant 0 : index
    %get3A_352 = arith.constant 0 : index
    %get3A_353 = arith.constant 0 : index
    %get3A_354 = vector.load %arg14[%get3A_348, %get3A_349, %get3A_350, %get3A_351, %get3A_352, %get3A_353] : memref<1x1x4x1x4x256xf32, #tpu.memory_space<vmem>>, vector<1x1x4x1x4x256xf32>
    %get3A_355 = vector.shape_cast %get3A_354 : vector<1x1x4x1x4x256xf32> to vector<4x4x256xf32>
    %reshape3A_356 = vector.shape_cast %get3A_355 : vector<4x4x256xf32> to vector<16x256xf32>
    %transpose3A_357 = tpu.transpose %reshape3A_356, [1, 0] : vector<16x256xf32> -> vector<256x16xf32>
    %swap3A_358 = arith.constant 11 : index
    %swap3A_359 = arith.constant 0 : index
    %swap3A_360 = arith.constant 0 : index
    %swap3A_361 = vector.load %arg35[%swap3A_358, %swap3A_359, %swap3A_360] : memref<16x256x16xf32, #tpu.memory_space<vmem>>, vector<1x256x16xf32>
    %swap3A_362 = vector.shape_cast %swap3A_361 : vector<1x256x16xf32> to vector<256x16xf32>
    %swap3A_363 = vector.shape_cast %transpose3A_357 : vector<256x16xf32> to vector<1x256x16xf32>
    tpu.vector_store %arg35[%swap3A_358, %swap3A_359, %swap3A_360], %swap3A_363 {strides = array<i32>} : memref<16x256x16xf32, #tpu.memory_space<vmem>>, vector<1x256x16xf32>,
    %get3A_364 = arith.constant 0 : index
    %get3A_365 = arith.constant 0 : index
    %get3A_366 = arith.constant 0 : index
    %get3A_367 = arith.constant 0 : index
    %get3A_368 = arith.constant 0 : index
    %get3A_369 = arith.constant 0 : index
    %get3A_370 = vector.load %arg30[%get3A_364, %get3A_365, %get3A_366, %get3A_367, %get3A_368, %get3A_369] : memref<1x1x4x1x4x256xf32, #tpu.memory_space<vmem>>, vector<1x1x4x1x4x256xf32>
    %get3A_371 = vector.shape_cast %get3A_370 : vector<1x1x4x1x4x256xf32> to vector<4x4x256xf32>
    %reshape3A_372 = vector.shape_cast %get3A_371 : vector<4x4x256xf32> to vector<16x256xf32>
    %transpose3A_373 = tpu.transpose %reshape3A_372, [1, 0] : vector<16x256xf32> -> vector<256x16xf32>
    %swap3A_374 = arith.constant 11 : index
    %swap3A_375 = arith.constant 0 : index
    %swap3A_376 = arith.constant 0 : index
    %swap3A_377 = vector.load %arg36[%swap3A_374, %swap3A_375, %swap3A_376] : memref<16x256x16xf32, #tpu.memory_space<vmem>>, vector<1x256x16xf32>
    %swap3A_378 = vector.shape_cast %swap3A_377 : vector<1x256x16xf32> to vector<256x16xf32>
    %swap3A_379 = vector.shape_cast %transpose3A_373 : vector<256x16xf32> to vector<1x256x16xf32>
    tpu.vector_store %arg36[%swap3A_374, %swap3A_375, %swap3A_376], %swap3A_379 {strides = array<i32>} : memref<16x256x16xf32, #tpu.memory_space<vmem>>, vector<1x256x16xf32>,
    %get3A_380 = arith.constant 0 : index
    %get3A_381 = arith.constant 0 : index
    %get3A_382 = arith.constant 0 : index
    %get3A_383 = arith.constant 0 : index
    %get3A_384 = arith.constant 0 : index
    %get3A_385 = arith.constant 0 : index
    %get3A_386 = vector.load %arg15[%get3A_380, %get3A_381, %get3A_382, %get3A_383, %get3A_384, %get3A_385] : memref<1x1x4x1x4x256xf32, #tpu.memory_space<vmem>>, vector<1x1x4x1x4x256xf32>
    %get3A_387 = vector.shape_cast %get3A_386 : vector<1x1x4x1x4x256xf32> to vector<4x4x256xf32>
    %reshape3A_388 = vector.shape_cast %get3A_387 : vector<4x4x256xf32> to vector<16x256xf32>
    %transpose3A_389 = tpu.transpose %reshape3A_388, [1, 0] : vector<16x256xf32> -> vector<256x16xf32>
    %swap3A_390 = arith.constant 12 : index
    %swap3A_391 = arith.constant 0 : index
    %swap3A_392 = arith.constant 0 : index
    %swap3A_393 = vector.load %arg35[%swap3A_390, %swap3A_391, %swap3A_392] : memref<16x256x16xf32, #tpu.memory_space<vmem>>, vector<1x256x16xf32>
    %swap3A_394 = vector.shape_cast %swap3A_393 : vector<1x256x16xf32> to vector<256x16xf32>
    %swap3A_395 = vector.shape_cast %transpose3A_389 : vector<256x16xf32> to vector<1x256x16xf32>
    tpu.vector_store %arg35[%swap3A_390, %swap3A_391, %swap3A_392], %swap3A_395 {strides = array<i32>} : memref<16x256x16xf32, #tpu.memory_space<vmem>>, vector<1x256x16xf32>,
    %get3A_396 = arith.constant 0 : index
    %get3A_397 = arith.constant 0 : index
    %get3A_398 = arith.constant 0 : index
    %get3A_399 = arith.constant 0 : index
    %get3A_400 = arith.constant 0 : index
    %get3A_401 = arith.constant 0 : index
    %get3A_402 = vector.load %arg31[%get3A_396, %get3A_397, %get3A_398, %get3A_399, %get3A_400, %get3A_401] : memref<1x1x4x1x4x256xf32, #tpu.memory_space<vmem>>, vector<1x1x4x1x4x256xf32>
    %get3A_403 = vector.shape_cast %get3A_402 : vector<1x1x4x1x4x256xf32> to vector<4x4x256xf32>
    %reshape3A_404 = vector.shape_cast %get3A_403 : vector<4x4x256xf32> to vector<16x256xf32>
    %transpose3A_405 = tpu.transpose %reshape3A_404, [1, 0] : vector<16x256xf32> -> vector<256x16xf32>
    %swap3A_406 = arith.constant 12 : index
    %swap3A_407 = arith.constant 0 : index
    %swap3A_408 = arith.constant 0 : index
    %swap3A_409 = vector.load %arg36[%swap3A_406, %swap3A_407, %swap3A_408] : memref<16x256x16xf32, #tpu.memory_space<vmem>>, vector<1x256x16xf32>
    %swap3A_410 = vector.shape_cast %swap3A_409 : vector<1x256x16xf32> to vector<256x16xf32>
    %swap3A_411 = vector.shape_cast %transpose3A_405 : vector<256x16xf32> to vector<1x256x16xf32>
    tpu.vector_store %arg36[%swap3A_406, %swap3A_407, %swap3A_408], %swap3A_411 {strides = array<i32>} : memref<16x256x16xf32, #tpu.memory_space<vmem>>, vector<1x256x16xf32>,
    %get3A_412 = arith.constant 0 : index
    %get3A_413 = arith.constant 0 : index
    %get3A_414 = arith.constant 0 : index
    %get3A_415 = arith.constant 0 : index
    %get3A_416 = arith.constant 0 : index
    %get3A_417 = arith.constant 0 : index
    %get3A_418 = vector.load %arg16[%get3A_412, %get3A_413, %get3A_414, %get3A_415, %get3A_416, %get3A_417] : memref<1x1x4x1x4x256xf32, #tpu.memory_space<vmem>>, vector<1x1x4x1x4x256xf32>
    %get3A_419 = vector.shape_cast %get3A_418 : vector<1x1x4x1x4x256xf32> to vector<4x4x256xf32>
    %reshape3A_420 = vector.shape_cast %get3A_419 : vector<4x4x256xf32> to vector<16x256xf32>
    %transpose3A_421 = tpu.transpose %reshape3A_420, [1, 0] : vector<16x256xf32> -> vector<256x16xf32>
    %swap3A_422 = arith.constant 13 : index
    %swap3A_423 = arith.constant 0 : index
    %swap3A_424 = arith.constant 0 : index
    %swap3A_425 = vector.load %arg35[%swap3A_422, %swap3A_423, %swap3A_424] : memref<16x256x16xf32, #tpu.memory_space<vmem>>, vector<1x256x16xf32>
    %swap3A_426 = vector.shape_cast %swap3A_425 : vector<1x256x16xf32> to vector<256x16xf32>
    %swap3A_427 = vector.shape_cast %transpose3A_421 : vector<256x16xf32> to vector<1x256x16xf32>
    tpu.vector_store %arg35[%swap3A_422, %swap3A_423, %swap3A_424], %swap3A_427 {strides = array<i32>} : memref<16x256x16xf32, #tpu.memory_space<vmem>>, vector<1x256x16xf32>,
    %get3A_428 = arith.constant 0 : index
    %get3A_429 = arith.constant 0 : index
    %get3A_430 = arith.constant 0 : index
    %get3A_431 = arith.constant 0 : index
    %get3A_432 = arith.constant 0 : index
    %get3A_433 = arith.constant 0 : index
    %get3A_434 = vector.load %arg32[%get3A_428, %get3A_429, %get3A_430, %get3A_431, %get3A_432, %get3A_433] : memref<1x1x4x1x4x256xf32, #tpu.memory_space<vmem>>, vector<1x1x4x1x4x256xf32>
    %get3A_435 = vector.shape_cast %get3A_434 : vector<1x1x4x1x4x256xf32> to vector<4x4x256xf32>
    %reshape3A_436 = vector.shape_cast %get3A_435 : vector<4x4x256xf32> to vector<16x256xf32>
    %transpose3A_437 = tpu.transpose %reshape3A_436, [1, 0] : vector<16x256xf32> -> vector<256x16xf32>
    %swap3A_438 = arith.constant 13 : index
    %swap3A_439 = arith.constant 0 : index
    %swap3A_440 = arith.constant 0 : index
    %swap3A_441 = vector.load %arg36[%swap3A_438, %swap3A_439, %swap3A_440] : memref<16x256x16xf32, #tpu.memory_space<vmem>>, vector<1x256x16xf32>
    %swap3A_442 = vector.shape_cast %swap3A_441 : vector<1x256x16xf32> to vector<256x16xf32>
    %swap3A_443 = vector.shape_cast %transpose3A_437 : vector<256x16xf32> to vector<1x256x16xf32>
    tpu.vector_store %arg36[%swap3A_438, %swap3A_439, %swap3A_440], %swap3A_443 {strides = array<i32>} : memref<16x256x16xf32, #tpu.memory_space<vmem>>, vector<1x256x16xf32>,
    %get3A_444 = arith.constant 0 : index
    %get3A_445 = arith.constant 0 : index
    %get3A_446 = arith.constant 0 : index
    %get3A_447 = arith.constant 0 : index
    %get3A_448 = arith.constant 0 : index
    %get3A_449 = arith.constant 0 : index
    %get3A_450 = vector.load %arg17[%get3A_444, %get3A_445, %get3A_446, %get3A_447, %get3A_448, %get3A_449] : memref<1x1x4x1x4x256xf32, #tpu.memory_space<vmem>>, vector<1x1x4x1x4x256xf32>
    %get3A_451 = vector.shape_cast %get3A_450 : vector<1x1x4x1x4x256xf32> to vector<4x4x256xf32>
    %reshape3A_452 = vector.shape_cast %get3A_451 : vector<4x4x256xf32> to vector<16x256xf32>
    %transpose3A_453 = tpu.transpose %reshape3A_452, [1, 0] : vector<16x256xf32> -> vector<256x16xf32>
    %swap3A_454 = arith.constant 14 : index
    %swap3A_455 = arith.constant 0 : index
    %swap3A_456 = arith.constant 0 : index
    %swap3A_457 = vector.load %arg35[%swap3A_454, %swap3A_455, %swap3A_456] : memref<16x256x16xf32, #tpu.memory_space<vmem>>, vector<1x256x16xf32>
    %swap3A_458 = vector.shape_cast %swap3A_457 : vector<1x256x16xf32> to vector<256x16xf32>
    %swap3A_459 = vector.shape_cast %transpose3A_453 : vector<256x16xf32> to vector<1x256x16xf32>
    tpu.vector_store %arg35[%swap3A_454, %swap3A_455, %swap3A_456], %swap3A_459 {strides = array<i32>} : memref<16x256x16xf32, #tpu.memory_space<vmem>>, vector<1x256x16xf32>,
    %get3A_460 = arith.constant 0 : index
    %get3A_461 = arith.constant 0 : index
    %get3A_462 = arith.constant 0 : index
    %get3A_463 = arith.constant 0 : index
    %get3A_464 = arith.constant 0 : index
    %get3A_465 = arith.constant 0 : index
    %get3A_466 = vector.load %arg33[%get3A_460, %get3A_461, %get3A_462, %get3A_463, %get3A_464, %get3A_465] : memref<1x1x4x1x4x256xf32, #tpu.memory_space<vmem>>, vector<1x1x4x1x4x256xf32>
    %get3A_467 = vector.shape_cast %get3A_466 : vector<1x1x4x1x4x256xf32> to vector<4x4x256xf32>
    %reshape3A_468 = vector.shape_cast %get3A_467 : vector<4x4x256xf32> to vector<16x256xf32>
    %transpose3A_469 = tpu.transpose %reshape3A_468, [1, 0] : vector<16x256xf32> -> vector<256x16xf32>
    %swap3A_470 = arith.constant 14 : index
    %swap3A_471 = arith.constant 0 : index
    %swap3A_472 = arith.constant 0 : index
    %swap3A_473 = vector.load %arg36[%swap3A_470, %swap3A_471, %swap3A_472] : memref<16x256x16xf32, #tpu.memory_space<vmem>>, vector<1x256x16xf32>
    %swap3A_474 = vector.shape_cast %swap3A_473 : vector<1x256x16xf32> to vector<256x16xf32>
    %swap3A_475 = vector.shape_cast %transpose3A_469 : vector<256x16xf32> to vector<1x256x16xf32>
    tpu.vector_store %arg36[%swap3A_470, %swap3A_471, %swap3A_472], %swap3A_475 {strides = array<i32>} : memref<16x256x16xf32, #tpu.memory_space<vmem>>, vector<1x256x16xf32>,
    %get3A_476 = arith.constant 0 : index
    %get3A_477 = arith.constant 0 : index
    %get3A_478 = arith.constant 0 : index
    %get3A_479 = arith.constant 0 : index
    %get3A_480 = arith.constant 0 : index
    %get3A_481 = arith.constant 0 : index
    %get3A_482 = vector.load %arg18[%get3A_476, %get3A_477, %get3A_478, %get3A_479, %get3A_480, %get3A_481] : memref<1x1x4x1x4x256xf32, #tpu.memory_space<vmem>>, vector<1x1x4x1x4x256xf32>
    %get3A_483 = vector.shape_cast %get3A_482 : vector<1x1x4x1x4x256xf32> to vector<4x4x256xf32>
    %reshape3A_484 = vector.shape_cast %get3A_483 : vector<4x4x256xf32> to vector<16x256xf32>
    %transpose3A_485 = tpu.transpose %reshape3A_484, [1, 0] : vector<16x256xf32> -> vector<256x16xf32>
    %swap3A_486 = arith.constant 15 : index
    %swap3A_487 = arith.constant 0 : index
    %swap3A_488 = arith.constant 0 : index
    %swap3A_489 = vector.load %arg35[%swap3A_486, %swap3A_487, %swap3A_488] : memref<16x256x16xf32, #tpu.memory_space<vmem>>, vector<1x256x16xf32>
    %swap3A_490 = vector.shape_cast %swap3A_489 : vector<1x256x16xf32> to vector<256x16xf32>
    %swap3A_491 = vector.shape_cast %transpose3A_485 : vector<256x16xf32> to vector<1x256x16xf32>
    tpu.vector_store %arg35[%swap3A_486, %swap3A_487, %swap3A_488], %swap3A_491 {strides = array<i32>} : memref<16x256x16xf32, #tpu.memory_space<vmem>>, vector<1x256x16xf32>,
    %get3A_492 = arith.constant 0 : index
    %get3A_493 = arith.constant 0 : index
    %get3A_494 = arith.constant 0 : index
    %get3A_495 = arith.constant 0 : index
    %get3A_496 = arith.constant 0 : index
    %get3A_497 = arith.constant 0 : index
    %get3A_498 = vector.load %arg34[%get3A_492, %get3A_493, %get3A_494, %get3A_495, %get3A_496, %get3A_497] : memref<1x1x4x1x4x256xf32, #tpu.memory_space<vmem>>, vector<1x1x4x1x4x256xf32>
    %get3A_499 = vector.shape_cast %get3A_498 : vector<1x1x4x1x4x256xf32> to vector<4x4x256xf32>
    %reshape3A_500 = vector.shape_cast %get3A_499 : vector<4x4x256xf32> to vector<16x256xf32>
    %transpose3A_501 = tpu.transpose %reshape3A_500, [1, 0] : vector<16x256xf32> -> vector<256x16xf32>
    %swap3A_502 = arith.constant 15 : index
    %swap3A_503 = arith.constant 0 : index
    %swap3A_504 = arith.constant 0 : index
    %swap3A_505 = vector.load %arg36[%swap3A_502, %swap3A_503, %swap3A_504] : memref<16x256x16xf32, #tpu.memory_space<vmem>>, vector<1x256x16xf32>
    %swap3A_506 = vector.shape_cast %swap3A_505 : vector<1x256x16xf32> to vector<256x16xf32>
    %swap3A_507 = vector.shape_cast %transpose3A_501 : vector<256x16xf32> to vector<1x256x16xf32>
    tpu.vector_store %arg36[%swap3A_502, %swap3A_503, %swap3A_504], %swap3A_507 {strides = array<i32>} : memref<16x256x16xf32, #tpu.memory_space<vmem>>, vector<1x256x16xf32>,
    return
  }
  func.func @transform_0(%arg0: i32, %arg1: i32, %arg2: memref<4x64xi32, #tpu.memory_space<smem>>) -> (i32, i32, i32, i32, i32, i32) {
    %mul3A = arith.constant 16 : i32
    %mul3A_0 = arith.muli %arg1, %mul3A : i32
    %add3A = arith.constant 0 : i32
    %add3A_1 = arith.addi %mul3A_0, %add3A : i32
    %get3A = arith.index_cast %arg0 : i32 to index
    %get3A_2 = arith.index_cast %add3A_1 : i32 to index
    %get3A_3 = memref.load %arg2[%get3A, %get3A_2] : memref<4x64xi32, #tpu.memory_space<smem>>
    %div3A = arith.constant 16 : i32
    %div3A_4 = arith.divsi %get3A_3, %div3A : i32
    %rem3A = arith.constant 16 : i32
    %rem3A_5 = arith.remsi %get3A_3, %rem3A : i32
    %c0_i32 = arith.constant 0 : i32
    %c0_i32_6 = arith.constant 0 : i32
    %c0_i32_7 = arith.constant 0 : i32
    %c0_i32_8 = arith.constant 0 : i32
    return %arg0, %div3A_4, %c0_i32, %rem3A_5, %c0_i32_6, %c0_i32_7 : i32, i32, i32, i32, i32, i32
  }
  func.func @transform_1(%arg0: i32, %arg1: i32, %arg2: memref<4x64xi32, #tpu.memory_space<smem>>) -> (i32, i32, i32, i32, i32, i32) {
    %mul3A = arith.constant 16 : i32
    %mul3A_0 = arith.muli %arg1, %mul3A : i32
    %add3A = arith.constant 1 : i32
    %add3A_1 = arith.addi %mul3A_0, %add3A : i32
    %get3A = arith.index_cast %arg0 : i32 to index
    %get3A_2 = arith.index_cast %add3A_1 : i32 to index
    %get3A_3 = memref.load %arg2[%get3A, %get3A_2] : memref<4x64xi32, #tpu.memory_space<smem>>
    %div3A = arith.constant 16 : i32
    %div3A_4 = arith.divsi %get3A_3, %div3A : i32
    %rem3A = arith.constant 16 : i32
    %rem3A_5 = arith.remsi %get3A_3, %rem3A : i32
    %c0_i32 = arith.constant 0 : i32
    %c0_i32_6 = arith.constant 0 : i32
    %c0_i32_7 = arith.constant 0 : i32
    %c0_i32_8 = arith.constant 0 : i32
    return %arg0, %div3A_4, %c0_i32, %rem3A_5, %c0_i32_6, %c0_i32_7 : i32, i32, i32, i32, i32, i32
  }
  func.func @transform_2(%arg0: i32, %arg1: i32, %arg2: memref<4x64xi32, #tpu.memory_space<smem>>) -> (i32, i32, i32, i32, i32, i32) {
    %mul3A = arith.constant 16 : i32
    %mul3A_0 = arith.muli %arg1, %mul3A : i32
    %add3A = arith.constant 2 : i32
    %add3A_1 = arith.addi %mul3A_0, %add3A : i32
    %get3A = arith.index_cast %arg0 : i32 to index
    %get3A_2 = arith.index_cast %add3A_1 : i32 to index
    %get3A_3 = memref.load %arg2[%get3A, %get3A_2] : memref<4x64xi32, #tpu.memory_space<smem>>
    %div3A = arith.constant 16 : i32
    %div3A_4 = arith.divsi %get3A_3, %div3A : i32
    %rem3A = arith.constant 16 : i32
    %rem3A_5 = arith.remsi %get3A_3, %rem3A : i32
    %c0_i32 = arith.constant 0 : i32
    %c0_i32_6 = arith.constant 0 : i32
    %c0_i32_7 = arith.constant 0 : i32
    %c0_i32_8 = arith.constant 0 : i32
    return %arg0, %div3A_4, %c0_i32, %rem3A_5, %c0_i32_6, %c0_i32_7 : i32, i32, i32, i32, i32, i32
  }
  func.func @transform_3(%arg0: i32, %arg1: i32, %arg2: memref<4x64xi32, #tpu.memory_space<smem>>) -> (i32, i32, i32, i32, i32, i32) {
    %mul3A = arith.constant 16 : i32
    %mul3A_0 = arith.muli %arg1, %mul3A : i32
    %add3A = arith.constant 3 : i32
    %add3A_1 = arith.addi %mul3A_0, %add3A : i32
    %get3A = arith.index_cast %arg0 : i32 to index
    %get3A_2 = arith.index_cast %add3A_1 : i32 to index
    %get3A_3 = memref.load %arg2[%get3A, %get3A_2] : memref<4x64xi32, #tpu.memory_space<smem>>
    %div3A = arith.constant 16 : i32
    %div3A_4 = arith.divsi %get3A_3, %div3A : i32
    %rem3A = arith.constant 16 : i32
    %rem3A_5 = arith.remsi %get3A_3, %rem3A : i32
    %c0_i32 = arith.constant 0 : i32
    %c0_i32_6 = arith.constant 0 : i32
    %c0_i32_7 = arith.constant 0 : i32
    %c0_i32_8 = arith.constant 0 : i32
    return %arg0, %div3A_4, %c0_i32, %rem3A_5, %c0_i32_6, %c0_i32_7 : i32, i32, i32, i32, i32, i32
  }
  func.func @transform_4(%arg0: i32, %arg1: i32, %arg2: memref<4x64xi32, #tpu.memory_space<smem>>) -> (i32, i32, i32, i32, i32, i32) {
    %mul3A = arith.constant 16 : i32
    %mul3A_0 = arith.muli %arg1, %mul3A : i32
    %add3A = arith.constant 4 : i32
    %add3A_1 = arith.addi %mul3A_0, %add3A : i32
    %get3A = arith.index_cast %arg0 : i32 to index
    %get3A_2 = arith.index_cast %add3A_1 : i32 to index
    %get3A_3 = memref.load %arg2[%get3A, %get3A_2] : memref<4x64xi32, #tpu.memory_space<smem>>
    %div3A = arith.constant 16 : i32
    %div3A_4 = arith.divsi %get3A_3, %div3A : i32
    %rem3A = arith.constant 16 : i32
    %rem3A_5 = arith.remsi %get3A_3, %rem3A : i32
    %c0_i32 = arith.constant 0 : i32
    %c0_i32_6 = arith.constant 0 : i32
    %c0_i32_7 = arith.constant 0 : i32
    %c0_i32_8 = arith.constant 0 : i32
    return %arg0, %div3A_4, %c0_i32, %rem3A_5, %c0_i32_6, %c0_i32_7 : i32, i32, i32, i32, i32, i32
  }
  func.func @transform_5(%arg0: i32, %arg1: i32, %arg2: memref<4x64xi32, #tpu.memory_space<smem>>) -> (i32, i32, i32, i32, i32, i32) {
    %mul3A = arith.constant 16 : i32
    %mul3A_0 = arith.muli %arg1, %mul3A : i32
    %add3A = arith.constant 5 : i32
    %add3A_1 = arith.addi %mul3A_0, %add3A : i32
    %get3A = arith.index_cast %arg0 : i32 to index
    %get3A_2 = arith.index_cast %add3A_1 : i32 to index
    %get3A_3 = memref.load %arg2[%get3A, %get3A_2] : memref<4x64xi32, #tpu.memory_space<smem>>
    %div3A = arith.constant 16 : i32
    %div3A_4 = arith.divsi %get3A_3, %div3A : i32
    %rem3A = arith.constant 16 : i32
    %rem3A_5 = arith.remsi %get3A_3, %rem3A : i32
    %c0_i32 = arith.constant 0 : i32
    %c0_i32_6 = arith.constant 0 : i32
    %c0_i32_7 = arith.constant 0 : i32
    %c0_i32_8 = arith.constant 0 : i32
    return %arg0, %div3A_4, %c0_i32, %rem3A_5, %c0_i32_6, %c0_i32_7 : i32, i32, i32, i32, i32, i32
  }
  func.func @transform_6(%arg0: i32, %arg1: i32, %arg2: memref<4x64xi32, #tpu.memory_space<smem>>) -> (i32, i32, i32, i32, i32, i32) {
    %mul3A = arith.constant 16 : i32
    %mul3A_0 = arith.muli %arg1, %mul3A : i32
    %add3A = arith.constant 6 : i32
    %add3A_1 = arith.addi %mul3A_0, %add3A : i32
    %get3A = arith.index_cast %arg0 : i32 to index
    %get3A_2 = arith.index_cast %add3A_1 : i32 to index
    %get3A_3 = memref.load %arg2[%get3A, %get3A_2] : memref<4x64xi32, #tpu.memory_space<smem>>
    %div3A = arith.constant 16 : i32
    %div3A_4 = arith.divsi %get3A_3, %div3A : i32
    %rem3A = arith.constant 16 : i32
    %rem3A_5 = arith.remsi %get3A_3, %rem3A : i32
    %c0_i32 = arith.constant 0 : i32
    %c0_i32_6 = arith.constant 0 : i32
    %c0_i32_7 = arith.constant 0 : i32
    %c0_i32_8 = arith.constant 0 : i32
    return %arg0, %div3A_4, %c0_i32, %rem3A_5, %c0_i32_6, %c0_i32_7 : i32, i32, i32, i32, i32, i32
  }
  func.func @transform_7(%arg0: i32, %arg1: i32, %arg2: memref<4x64xi32, #tpu.memory_space<smem>>) -> (i32, i32, i32, i32, i32, i32) {
    %mul3A = arith.constant 16 : i32
    %mul3A_0 = arith.muli %arg1, %mul3A : i32
    %add3A = arith.constant 7 : i32
    %add3A_1 = arith.addi %mul3A_0, %add3A : i32
    %get3A = arith.index_cast %arg0 : i32 to index
    %get3A_2 = arith.index_cast %add3A_1 : i32 to index
    %get3A_3 = memref.load %arg2[%get3A, %get3A_2] : memref<4x64xi32, #tpu.memory_space<smem>>
    %div3A = arith.constant 16 : i32
    %div3A_4 = arith.divsi %get3A_3, %div3A : i32
    %rem3A = arith.constant 16 : i32
    %rem3A_5 = arith.remsi %get3A_3, %rem3A : i32
    %c0_i32 = arith.constant 0 : i32
    %c0_i32_6 = arith.constant 0 : i32
    %c0_i32_7 = arith.constant 0 : i32
    %c0_i32_8 = arith.constant 0 : i32
    return %arg0, %div3A_4, %c0_i32, %rem3A_5, %c0_i32_6, %c0_i32_7 : i32, i32, i32, i32, i32, i32
  }
  func.func @transform_8(%arg0: i32, %arg1: i32, %arg2: memref<4x64xi32, #tpu.memory_space<smem>>) -> (i32, i32, i32, i32, i32, i32) {
    %mul3A = arith.constant 16 : i32
    %mul3A_0 = arith.muli %arg1, %mul3A : i32
    %add3A = arith.constant 8 : i32
    %add3A_1 = arith.addi %mul3A_0, %add3A : i32
    %get3A = arith.index_cast %arg0 : i32 to index
    %get3A_2 = arith.index_cast %add3A_1 : i32 to index
    %get3A_3 = memref.load %arg2[%get3A, %get3A_2] : memref<4x64xi32, #tpu.memory_space<smem>>
    %div3A = arith.constant 16 : i32
    %div3A_4 = arith.divsi %get3A_3, %div3A : i32
    %rem3A = arith.constant 16 : i32
    %rem3A_5 = arith.remsi %get3A_3, %rem3A : i32
    %c0_i32 = arith.constant 0 : i32
    %c0_i32_6 = arith.constant 0 : i32
    %c0_i32_7 = arith.constant 0 : i32
    %c0_i32_8 = arith.constant 0 : i32
    return %arg0, %div3A_4, %c0_i32, %rem3A_5, %c0_i32_6, %c0_i32_7 : i32, i32, i32, i32, i32, i32
  }
  func.func @transform_9(%arg0: i32, %arg1: i32, %arg2: memref<4x64xi32, #tpu.memory_space<smem>>) -> (i32, i32, i32, i32, i32, i32) {
    %mul3A = arith.constant 16 : i32
    %mul3A_0 = arith.muli %arg1, %mul3A : i32
    %add3A = arith.constant 9 : i32
    %add3A_1 = arith.addi %mul3A_0, %add3A : i32
    %get3A = arith.index_cast %arg0 : i32 to index
    %get3A_2 = arith.index_cast %add3A_1 : i32 to index
    %get3A_3 = memref.load %arg2[%get3A, %get3A_2] : memref<4x64xi32, #tpu.memory_space<smem>>
    %div3A = arith.constant 16 : i32
    %div3A_4 = arith.divsi %get3A_3, %div3A : i32
    %rem3A = arith.constant 16 : i32
    %rem3A_5 = arith.remsi %get3A_3, %rem3A : i32
    %c0_i32 = arith.constant 0 : i32
    %c0_i32_6 = arith.constant 0 : i32
    %c0_i32_7 = arith.constant 0 : i32
    %c0_i32_8 = arith.constant 0 : i32
    return %arg0, %div3A_4, %c0_i32, %rem3A_5, %c0_i32_6, %c0_i32_7 : i32, i32, i32, i32, i32, i32
  }
  func.func @transform_10(%arg0: i32, %arg1: i32, %arg2: memref<4x64xi32, #tpu.memory_space<smem>>) -> (i32, i32, i32, i32, i32, i32) {
    %mul3A = arith.constant 16 : i32
    %mul3A_0 = arith.muli %arg1, %mul3A : i32
    %add3A = arith.constant 10 : i32
    %add3A_1 = arith.addi %mul3A_0, %add3A : i32
    %get3A = arith.index_cast %arg0 : i32 to index
    %get3A_2 = arith.index_cast %add3A_1 : i32 to index
    %get3A_3 = memref.load %arg2[%get3A, %get3A_2] : memref<4x64xi32, #tpu.memory_space<smem>>
    %div3A = arith.constant 16 : i32
    %div3A_4 = arith.divsi %get3A_3, %div3A : i32
    %rem3A = arith.constant 16 : i32
    %rem3A_5 = arith.remsi %get3A_3, %rem3A : i32
    %c0_i32 = arith.constant 0 : i32
    %c0_i32_6 = arith.constant 0 : i32
    %c0_i32_7 = arith.constant 0 : i32
    %c0_i32_8 = arith.constant 0 : i32
    return %arg0, %div3A_4, %c0_i32, %rem3A_5, %c0_i32_6, %c0_i32_7 : i32, i32, i32, i32, i32, i32
  }
  func.func @transform_11(%arg0: i32, %arg1: i32, %arg2: memref<4x64xi32, #tpu.memory_space<smem>>) -> (i32, i32, i32, i32, i32, i32) {
    %mul3A = arith.constant 16 : i32
    %mul3A_0 = arith.muli %arg1, %mul3A : i32
    %add3A = arith.constant 11 : i32
    %add3A_1 = arith.addi %mul3A_0, %add3A : i32
    %get3A = arith.index_cast %arg0 : i32 to index
    %get3A_2 = arith.index_cast %add3A_1 : i32 to index
    %get3A_3 = memref.load %arg2[%get3A, %get3A_2] : memref<4x64xi32, #tpu.memory_space<smem>>
    %div3A = arith.constant 16 : i32
    %div3A_4 = arith.divsi %get3A_3, %div3A : i32
    %rem3A = arith.constant 16 : i32
    %rem3A_5 = arith.remsi %get3A_3, %rem3A : i32
    %c0_i32 = arith.constant 0 : i32
    %c0_i32_6 = arith.constant 0 : i32
    %c0_i32_7 = arith.constant 0 : i32
    %c0_i32_8 = arith.constant 0 : i32
    return %arg0, %div3A_4, %c0_i32, %rem3A_5, %c0_i32_6, %c0_i32_7 : i32, i32, i32, i32, i32, i32
  }
  func.func @transform_12(%arg0: i32, %arg1: i32, %arg2: memref<4x64xi32, #tpu.memory_space<smem>>) -> (i32, i32, i32, i32, i32, i32) {
    %mul3A = arith.constant 16 : i32
    %mul3A_0 = arith.muli %arg1, %mul3A : i32
    %add3A = arith.constant 12 : i32
    %add3A_1 = arith.addi %mul3A_0, %add3A : i32
    %get3A = arith.index_cast %arg0 : i32 to index
    %get3A_2 = arith.index_cast %add3A_1 : i32 to index
    %get3A_3 = memref.load %arg2[%get3A, %get3A_2] : memref<4x64xi32, #tpu.memory_space<smem>>
    %div3A = arith.constant 16 : i32
    %div3A_4 = arith.divsi %get3A_3, %div3A : i32
    %rem3A = arith.constant 16 : i32
    %rem3A_5 = arith.remsi %get3A_3, %rem3A : i32
    %c0_i32 = arith.constant 0 : i32
    %c0_i32_6 = arith.constant 0 : i32
    %c0_i32_7 = arith.constant 0 : i32
    %c0_i32_8 = arith.constant 0 : i32
    return %arg0, %div3A_4, %c0_i32, %rem3A_5, %c0_i32_6, %c0_i32_7 : i32, i32, i32, i32, i32, i32
  }
  func.func @transform_13(%arg0: i32, %arg1: i32, %arg2: memref<4x64xi32, #tpu.memory_space<smem>>) -> (i32, i32, i32, i32, i32, i32) {
    %mul3A = arith.constant 16 : i32
    %mul3A_0 = arith.muli %arg1, %mul3A : i32
    %add3A = arith.constant 13 : i32
    %add3A_1 = arith.addi %mul3A_0, %add3A : i32
    %get3A = arith.index_cast %arg0 : i32 to index
    %get3A_2 = arith.index_cast %add3A_1 : i32 to index
    %get3A_3 = memref.load %arg2[%get3A, %get3A_2] : memref<4x64xi32, #tpu.memory_space<smem>>
    %div3A = arith.constant 16 : i32
    %div3A_4 = arith.divsi %get3A_3, %div3A : i32
    %rem3A = arith.constant 16 : i32
    %rem3A_5 = arith.remsi %get3A_3, %rem3A : i32
    %c0_i32 = arith.constant 0 : i32
    %c0_i32_6 = arith.constant 0 : i32
    %c0_i32_7 = arith.constant 0 : i32
    %c0_i32_8 = arith.constant 0 : i32
    return %arg0, %div3A_4, %c0_i32, %rem3A_5, %c0_i32_6, %c0_i32_7 : i32, i32, i32, i32, i32, i32
  }
  func.func @transform_14(%arg0: i32, %arg1: i32, %arg2: memref<4x64xi32, #tpu.memory_space<smem>>) -> (i32, i32, i32, i32, i32, i32) {
    %mul3A = arith.constant 16 : i32
    %mul3A_0 = arith.muli %arg1, %mul3A : i32
    %add3A = arith.constant 14 : i32
    %add3A_1 = arith.addi %mul3A_0, %add3A : i32
    %get3A = arith.index_cast %arg0 : i32 to index
    %get3A_2 = arith.index_cast %add3A_1 : i32 to index
    %get3A_3 = memref.load %arg2[%get3A, %get3A_2] : memref<4x64xi32, #tpu.memory_space<smem>>
    %div3A = arith.constant 16 : i32
    %div3A_4 = arith.divsi %get3A_3, %div3A : i32
    %rem3A = arith.constant 16 : i32
    %rem3A_5 = arith.remsi %get3A_3, %rem3A : i32
    %c0_i32 = arith.constant 0 : i32
    %c0_i32_6 = arith.constant 0 : i32
    %c0_i32_7 = arith.constant 0 : i32
    %c0_i32_8 = arith.constant 0 : i32
    return %arg0, %div3A_4, %c0_i32, %rem3A_5, %c0_i32_6, %c0_i32_7 : i32, i32, i32, i32, i32, i32
  }
  func.func @transform_15(%arg0: i32, %arg1: i32, %arg2: memref<4x64xi32, #tpu.memory_space<smem>>) -> (i32, i32, i32, i32, i32, i32) {
    %mul3A = arith.constant 16 : i32
    %mul3A_0 = arith.muli %arg1, %mul3A : i32
    %add3A = arith.constant 15 : i32
    %add3A_1 = arith.addi %mul3A_0, %add3A : i32
    %get3A = arith.index_cast %arg0 : i32 to index
    %get3A_2 = arith.index_cast %add3A_1 : i32 to index
    %get3A_3 = memref.load %arg2[%get3A, %get3A_2] : memref<4x64xi32, #tpu.memory_space<smem>>
    %div3A = arith.constant 16 : i32
    %div3A_4 = arith.divsi %get3A_3, %div3A : i32
    %rem3A = arith.constant 16 : i32
    %rem3A_5 = arith.remsi %get3A_3, %rem3A : i32
    %c0_i32 = arith.constant 0 : i32
    %c0_i32_6 = arith.constant 0 : i32
    %c0_i32_7 = arith.constant 0 : i32
    %c0_i32_8 = arith.constant 0 : i32
    return %arg0, %div3A_4, %c0_i32, %rem3A_5, %c0_i32_6, %c0_i32_7 : i32, i32, i32, i32, i32, i32
  }
  func.func @transform_16(%arg0: i32, %arg1: i32, %arg2: memref<4x64xi32, #tpu.memory_space<smem>>) -> (i32, i32, i32, i32, i32, i32) {
    %mul3A = arith.constant 16 : i32
    %mul3A_0 = arith.muli %arg1, %mul3A : i32
    %add3A = arith.constant 0 : i32
    %add3A_1 = arith.addi %mul3A_0, %add3A : i32
    %get3A = arith.index_cast %arg0 : i32 to index
    %get3A_2 = arith.index_cast %add3A_1 : i32 to index
    %get3A_3 = memref.load %arg2[%get3A, %get3A_2] : memref<4x64xi32, #tpu.memory_space<smem>>
    %div3A = arith.constant 16 : i32
    %div3A_4 = arith.divsi %get3A_3, %div3A : i32
    %rem3A = arith.constant 16 : i32
    %rem3A_5 = arith.remsi %get3A_3, %rem3A : i32
    %c0_i32 = arith.constant 0 : i32
    %c0_i32_6 = arith.constant 0 : i32
    %c0_i32_7 = arith.constant 0 : i32
    %c0_i32_8 = arith.constant 0 : i32
    return %arg0, %div3A_4, %c0_i32, %rem3A_5, %c0_i32_6, %c0_i32_7 : i32, i32, i32, i32, i32, i32
  }
  func.func @transform_17(%arg0: i32, %arg1: i32, %arg2: memref<4x64xi32, #tpu.memory_space<smem>>) -> (i32, i32, i32, i32, i32, i32) {
    %mul3A = arith.constant 16 : i32
    %mul3A_0 = arith.muli %arg1, %mul3A : i32
    %add3A = arith.constant 1 : i32
    %add3A_1 = arith.addi %mul3A_0, %add3A : i32
    %get3A = arith.index_cast %arg0 : i32 to index
    %get3A_2 = arith.index_cast %add3A_1 : i32 to index
    %get3A_3 = memref.load %arg2[%get3A, %get3A_2] : memref<4x64xi32, #tpu.memory_space<smem>>
    %div3A = arith.constant 16 : i32
    %div3A_4 = arith.divsi %get3A_3, %div3A : i32
    %rem3A = arith.constant 16 : i32
    %rem3A_5 = arith.remsi %get3A_3, %rem3A : i32
    %c0_i32 = arith.constant 0 : i32
    %c0_i32_6 = arith.constant 0 : i32
    %c0_i32_7 = arith.constant 0 : i32
    %c0_i32_8 = arith.constant 0 : i32
    return %arg0, %div3A_4, %c0_i32, %rem3A_5, %c0_i32_6, %c0_i32_7 : i32, i32, i32, i32, i32, i32
  }
  func.func @transform_18(%arg0: i32, %arg1: i32, %arg2: memref<4x64xi32, #tpu.memory_space<smem>>) -> (i32, i32, i32, i32, i32, i32) {
    %mul3A = arith.constant 16 : i32
    %mul3A_0 = arith.muli %arg1, %mul3A : i32
    %add3A = arith.constant 2 : i32
    %add3A_1 = arith.addi %mul3A_0, %add3A : i32
    %get3A = arith.index_cast %arg0 : i32 to index
    %get3A_2 = arith.index_cast %add3A_1 : i32 to index
    %get3A_3 = memref.load %arg2[%get3A, %get3A_2] : memref<4x64xi32, #tpu.memory_space<smem>>
    %div3A = arith.constant 16 : i32
    %div3A_4 = arith.divsi %get3A_3, %div3A : i32
    %rem3A = arith.constant 16 : i32
    %rem3A_5 = arith.remsi %get3A_3, %rem3A : i32
    %c0_i32 = arith.constant 0 : i32
    %c0_i32_6 = arith.constant 0 : i32
    %c0_i32_7 = arith.constant 0 : i32
    %c0_i32_8 = arith.constant 0 : i32
    return %arg0, %div3A_4, %c0_i32, %rem3A_5, %c0_i32_6, %c0_i32_7 : i32, i32, i32, i32, i32, i32
  }
  func.func @transform_19(%arg0: i32, %arg1: i32, %arg2: memref<4x64xi32, #tpu.memory_space<smem>>) -> (i32, i32, i32, i32, i32, i32) {
    %mul3A = arith.constant 16 : i32
    %mul3A_0 = arith.muli %arg1, %mul3A : i32
    %add3A = arith.constant 3 : i32
    %add3A_1 = arith.addi %mul3A_0, %add3A : i32
    %get3A = arith.index_cast %arg0 : i32 to index
    %get3A_2 = arith.index_cast %add3A_1 : i32 to index
    %get3A_3 = memref.load %arg2[%get3A, %get3A_2] : memref<4x64xi32, #tpu.memory_space<smem>>
    %div3A = arith.constant 16 : i32
    %div3A_4 = arith.divsi %get3A_3, %div3A : i32
    %rem3A = arith.constant 16 : i32
    %rem3A_5 = arith.remsi %get3A_3, %rem3A : i32
    %c0_i32 = arith.constant 0 : i32
    %c0_i32_6 = arith.constant 0 : i32
    %c0_i32_7 = arith.constant 0 : i32
    %c0_i32_8 = arith.constant 0 : i32
    return %arg0, %div3A_4, %c0_i32, %rem3A_5, %c0_i32_6, %c0_i32_7 : i32, i32, i32, i32, i32, i32
  }
  func.func @transform_20(%arg0: i32, %arg1: i32, %arg2: memref<4x64xi32, #tpu.memory_space<smem>>) -> (i32, i32, i32, i32, i32, i32) {
    %mul3A = arith.constant 16 : i32
    %mul3A_0 = arith.muli %arg1, %mul3A : i32
    %add3A = arith.constant 4 : i32
    %add3A_1 = arith.addi %mul3A_0, %add3A : i32
    %get3A = arith.index_cast %arg0 : i32 to index
    %get3A_2 = arith.index_cast %add3A_1 : i32 to index
    %get3A_3 = memref.load %arg2[%get3A, %get3A_2] : memref<4x64xi32, #tpu.memory_space<smem>>
    %div3A = arith.constant 16 : i32
    %div3A_4 = arith.divsi %get3A_3, %div3A : i32
    %rem3A = arith.constant 16 : i32
    %rem3A_5 = arith.remsi %get3A_3, %rem3A : i32
    %c0_i32 = arith.constant 0 : i32
    %c0_i32_6 = arith.constant 0 : i32
    %c0_i32_7 = arith.constant 0 : i32
    %c0_i32_8 = arith.constant 0 : i32
    return %arg0, %div3A_4, %c0_i32, %rem3A_5, %c0_i32_6, %c0_i32_7 : i32, i32, i32, i32, i32, i32
  }
  func.func @transform_21(%arg0: i32, %arg1: i32, %arg2: memref<4x64xi32, #tpu.memory_space<smem>>) -> (i32, i32, i32, i32, i32, i32) {
    %mul3A = arith.constant 16 : i32
    %mul3A_0 = arith.muli %arg1, %mul3A : i32
    %add3A = arith.constant 5 : i32
    %add3A_1 = arith.addi %mul3A_0, %add3A : i32
    %get3A = arith.index_cast %arg0 : i32 to index
    %get3A_2 = arith.index_cast %add3A_1 : i32 to index
    %get3A_3 = memref.load %arg2[%get3A, %get3A_2] : memref<4x64xi32, #tpu.memory_space<smem>>
    %div3A = arith.constant 16 : i32
    %div3A_4 = arith.divsi %get3A_3, %div3A : i32
    %rem3A = arith.constant 16 : i32
    %rem3A_5 = arith.remsi %get3A_3, %rem3A : i32
    %c0_i32 = arith.constant 0 : i32
    %c0_i32_6 = arith.constant 0 : i32
    %c0_i32_7 = arith.constant 0 : i32
    %c0_i32_8 = arith.constant 0 : i32
    return %arg0, %div3A_4, %c0_i32, %rem3A_5, %c0_i32_6, %c0_i32_7 : i32, i32, i32, i32, i32, i32
  }
  func.func @transform_22(%arg0: i32, %arg1: i32, %arg2: memref<4x64xi32, #tpu.memory_space<smem>>) -> (i32, i32, i32, i32, i32, i32) {
    %mul3A = arith.constant 16 : i32
    %mul3A_0 = arith.muli %arg1, %mul3A : i32
    %add3A = arith.constant 6 : i32
    %add3A_1 = arith.addi %mul3A_0, %add3A : i32
    %get3A = arith.index_cast %arg0 : i32 to index
    %get3A_2 = arith.index_cast %add3A_1 : i32 to index
    %get3A_3 = memref.load %arg2[%get3A, %get3A_2] : memref<4x64xi32, #tpu.memory_space<smem>>
    %div3A = arith.constant 16 : i32
    %div3A_4 = arith.divsi %get3A_3, %div3A : i32
    %rem3A = arith.constant 16 : i32
    %rem3A_5 = arith.remsi %get3A_3, %rem3A : i32
    %c0_i32 = arith.constant 0 : i32
    %c0_i32_6 = arith.constant 0 : i32
    %c0_i32_7 = arith.constant 0 : i32
    %c0_i32_8 = arith.constant 0 : i32
    return %arg0, %div3A_4, %c0_i32, %rem3A_5, %c0_i32_6, %c0_i32_7 : i32, i32, i32, i32, i32, i32
  }
  func.func @transform_23(%arg0: i32, %arg1: i32, %arg2: memref<4x64xi32, #tpu.memory_space<smem>>) -> (i32, i32, i32, i32, i32, i32) {
    %mul3A = arith.constant 16 : i32
    %mul3A_0 = arith.muli %arg1, %mul3A : i32
    %add3A = arith.constant 7 : i32
    %add3A_1 = arith.addi %mul3A_0, %add3A : i32
    %get3A = arith.index_cast %arg0 : i32 to index
    %get3A_2 = arith.index_cast %add3A_1 : i32 to index
    %get3A_3 = memref.load %arg2[%get3A, %get3A_2] : memref<4x64xi32, #tpu.memory_space<smem>>
    %div3A = arith.constant 16 : i32
    %div3A_4 = arith.divsi %get3A_3, %div3A : i32
    %rem3A = arith.constant 16 : i32
    %rem3A_5 = arith.remsi %get3A_3, %rem3A : i32
    %c0_i32 = arith.constant 0 : i32
    %c0_i32_6 = arith.constant 0 : i32
    %c0_i32_7 = arith.constant 0 : i32
    %c0_i32_8 = arith.constant 0 : i32
    return %arg0, %div3A_4, %c0_i32, %rem3A_5, %c0_i32_6, %c0_i32_7 : i32, i32, i32, i32, i32, i32
  }
  func.func @transform_24(%arg0: i32, %arg1: i32, %arg2: memref<4x64xi32, #tpu.memory_space<smem>>) -> (i32, i32, i32, i32, i32, i32) {
    %mul3A = arith.constant 16 : i32
    %mul3A_0 = arith.muli %arg1, %mul3A : i32
    %add3A = arith.constant 8 : i32
    %add3A_1 = arith.addi %mul3A_0, %add3A : i32
    %get3A = arith.index_cast %arg0 : i32 to index
    %get3A_2 = arith.index_cast %add3A_1 : i32 to index
    %get3A_3 = memref.load %arg2[%get3A, %get3A_2] : memref<4x64xi32, #tpu.memory_space<smem>>
    %div3A = arith.constant 16 : i32
    %div3A_4 = arith.divsi %get3A_3, %div3A : i32
    %rem3A = arith.constant 16 : i32
    %rem3A_5 = arith.remsi %get3A_3, %rem3A : i32
    %c0_i32 = arith.constant 0 : i32
    %c0_i32_6 = arith.constant 0 : i32
    %c0_i32_7 = arith.constant 0 : i32
    %c0_i32_8 = arith.constant 0 : i32
    return %arg0, %div3A_4, %c0_i32, %rem3A_5, %c0_i32_6, %c0_i32_7 : i32, i32, i32, i32, i32, i32
  }
  func.func @transform_25(%arg0: i32, %arg1: i32, %arg2: memref<4x64xi32, #tpu.memory_space<smem>>) -> (i32, i32, i32, i32, i32, i32) {
    %mul3A = arith.constant 16 : i32
    %mul3A_0 = arith.muli %arg1, %mul3A : i32
    %add3A = arith.constant 9 : i32
    %add3A_1 = arith.addi %mul3A_0, %add3A : i32
    %get3A = arith.index_cast %arg0 : i32 to index
    %get3A_2 = arith.index_cast %add3A_1 : i32 to index
    %get3A_3 = memref.load %arg2[%get3A, %get3A_2] : memref<4x64xi32, #tpu.memory_space<smem>>
    %div3A = arith.constant 16 : i32
    %div3A_4 = arith.divsi %get3A_3, %div3A : i32
    %rem3A = arith.constant 16 : i32
    %rem3A_5 = arith.remsi %get3A_3, %rem3A : i32
    %c0_i32 = arith.constant 0 : i32
    %c0_i32_6 = arith.constant 0 : i32
    %c0_i32_7 = arith.constant 0 : i32
    %c0_i32_8 = arith.constant 0 : i32
    return %arg0, %div3A_4, %c0_i32, %rem3A_5, %c0_i32_6, %c0_i32_7 : i32, i32, i32, i32, i32, i32
  }
  func.func @transform_26(%arg0: i32, %arg1: i32, %arg2: memref<4x64xi32, #tpu.memory_space<smem>>) -> (i32, i32, i32, i32, i32, i32) {
    %mul3A = arith.constant 16 : i32
    %mul3A_0 = arith.muli %arg1, %mul3A : i32
    %add3A = arith.constant 10 : i32
    %add3A_1 = arith.addi %mul3A_0, %add3A : i32
    %get3A = arith.index_cast %arg0 : i32 to index
    %get3A_2 = arith.index_cast %add3A_1 : i32 to index
    %get3A_3 = memref.load %arg2[%get3A, %get3A_2] : memref<4x64xi32, #tpu.memory_space<smem>>
    %div3A = arith.constant 16 : i32
    %div3A_4 = arith.divsi %get3A_3, %div3A : i32
    %rem3A = arith.constant 16 : i32
    %rem3A_5 = arith.remsi %get3A_3, %rem3A : i32
    %c0_i32 = arith.constant 0 : i32
    %c0_i32_6 = arith.constant 0 : i32
    %c0_i32_7 = arith.constant 0 : i32
    %c0_i32_8 = arith.constant 0 : i32
    return %arg0, %div3A_4, %c0_i32, %rem3A_5, %c0_i32_6, %c0_i32_7 : i32, i32, i32, i32, i32, i32
  }
  func.func @transform_27(%arg0: i32, %arg1: i32, %arg2: memref<4x64xi32, #tpu.memory_space<smem>>) -> (i32, i32, i32, i32, i32, i32) {
    %mul3A = arith.constant 16 : i32
    %mul3A_0 = arith.muli %arg1, %mul3A : i32
    %add3A = arith.constant 11 : i32
    %add3A_1 = arith.addi %mul3A_0, %add3A : i32
    %get3A = arith.index_cast %arg0 : i32 to index
    %get3A_2 = arith.index_cast %add3A_1 : i32 to index
    %get3A_3 = memref.load %arg2[%get3A, %get3A_2] : memref<4x64xi32, #tpu.memory_space<smem>>
    %div3A = arith.constant 16 : i32
    %div3A_4 = arith.divsi %get3A_3, %div3A : i32
    %rem3A = arith.constant 16 : i32
    %rem3A_5 = arith.remsi %get3A_3, %rem3A : i32
    %c0_i32 = arith.constant 0 : i32
    %c0_i32_6 = arith.constant 0 : i32
    %c0_i32_7 = arith.constant 0 : i32
    %c0_i32_8 = arith.constant 0 : i32
    return %arg0, %div3A_4, %c0_i32, %rem3A_5, %c0_i32_6, %c0_i32_7 : i32, i32, i32, i32, i32, i32
  }
  func.func @transform_28(%arg0: i32, %arg1: i32, %arg2: memref<4x64xi32, #tpu.memory_space<smem>>) -> (i32, i32, i32, i32, i32, i32) {
    %mul3A = arith.constant 16 : i32
    %mul3A_0 = arith.muli %arg1, %mul3A : i32
    %add3A = arith.constant 12 : i32
    %add3A_1 = arith.addi %mul3A_0, %add3A : i32
    %get3A = arith.index_cast %arg0 : i32 to index
    %get3A_2 = arith.index_cast %add3A_1 : i32 to index
    %get3A_3 = memref.load %arg2[%get3A, %get3A_2] : memref<4x64xi32, #tpu.memory_space<smem>>
    %div3A = arith.constant 16 : i32
    %div3A_4 = arith.divsi %get3A_3, %div3A : i32
    %rem3A = arith.constant 16 : i32
    %rem3A_5 = arith.remsi %get3A_3, %rem3A : i32
    %c0_i32 = arith.constant 0 : i32
    %c0_i32_6 = arith.constant 0 : i32
    %c0_i32_7 = arith.constant 0 : i32
    %c0_i32_8 = arith.constant 0 : i32
    return %arg0, %div3A_4, %c0_i32, %rem3A_5, %c0_i32_6, %c0_i32_7 : i32, i32, i32, i32, i32, i32
  }
  func.func @transform_29(%arg0: i32, %arg1: i32, %arg2: memref<4x64xi32, #tpu.memory_space<smem>>) -> (i32, i32, i32, i32, i32, i32) {
    %mul3A = arith.constant 16 : i32
    %mul3A_0 = arith.muli %arg1, %mul3A : i32
    %add3A = arith.constant 13 : i32
    %add3A_1 = arith.addi %mul3A_0, %add3A : i32
    %get3A = arith.index_cast %arg0 : i32 to index
    %get3A_2 = arith.index_cast %add3A_1 : i32 to index
    %get3A_3 = memref.load %arg2[%get3A, %get3A_2] : memref<4x64xi32, #tpu.memory_space<smem>>
    %div3A = arith.constant 16 : i32
    %div3A_4 = arith.divsi %get3A_3, %div3A : i32
    %rem3A = arith.constant 16 : i32
    %rem3A_5 = arith.remsi %get3A_3, %rem3A : i32
    %c0_i32 = arith.constant 0 : i32
    %c0_i32_6 = arith.constant 0 : i32
    %c0_i32_7 = arith.constant 0 : i32
    %c0_i32_8 = arith.constant 0 : i32
    return %arg0, %div3A_4, %c0_i32, %rem3A_5, %c0_i32_6, %c0_i32_7 : i32, i32, i32, i32, i32, i32
  }
  func.func @transform_30(%arg0: i32, %arg1: i32, %arg2: memref<4x64xi32, #tpu.memory_space<smem>>) -> (i32, i32, i32, i32, i32, i32) {
    %mul3A = arith.constant 16 : i32
    %mul3A_0 = arith.muli %arg1, %mul3A : i32
    %add3A = arith.constant 14 : i32
    %add3A_1 = arith.addi %mul3A_0, %add3A : i32
    %get3A = arith.index_cast %arg0 : i32 to index
    %get3A_2 = arith.index_cast %add3A_1 : i32 to index
    %get3A_3 = memref.load %arg2[%get3A, %get3A_2] : memref<4x64xi32, #tpu.memory_space<smem>>
    %div3A = arith.constant 16 : i32
    %div3A_4 = arith.divsi %get3A_3, %div3A : i32
    %rem3A = arith.constant 16 : i32
    %rem3A_5 = arith.remsi %get3A_3, %rem3A : i32
    %c0_i32 = arith.constant 0 : i32
    %c0_i32_6 = arith.constant 0 : i32
    %c0_i32_7 = arith.constant 0 : i32
    %c0_i32_8 = arith.constant 0 : i32
    return %arg0, %div3A_4, %c0_i32, %rem3A_5, %c0_i32_6, %c0_i32_7 : i32, i32, i32, i32, i32, i32
  }
  func.func @transform_31(%arg0: i32, %arg1: i32, %arg2: memref<4x64xi32, #tpu.memory_space<smem>>) -> (i32, i32, i32, i32, i32, i32) {
    %mul3A = arith.constant 16 : i32
    %mul3A_0 = arith.muli %arg1, %mul3A : i32
    %add3A = arith.constant 15 : i32
    %add3A_1 = arith.addi %mul3A_0, %add3A : i32
    %get3A = arith.index_cast %arg0 : i32 to index
    %get3A_2 = arith.index_cast %add3A_1 : i32 to index
    %get3A_3 = memref.load %arg2[%get3A, %get3A_2] : memref<4x64xi32, #tpu.memory_space<smem>>
    %div3A = arith.constant 16 : i32
    %div3A_4 = arith.divsi %get3A_3, %div3A : i32
    %rem3A = arith.constant 16 : i32
    %rem3A_5 = arith.remsi %get3A_3, %rem3A : i32
    %c0_i32 = arith.constant 0 : i32
    %c0_i32_6 = arith.constant 0 : i32
    %c0_i32_7 = arith.constant 0 : i32
    %c0_i32_8 = arith.constant 0 : i32
    return %arg0, %div3A_4, %c0_i32, %rem3A_5, %c0_i32_6, %c0_i32_7 : i32, i32, i32, i32, i32, i32
  }
  func.func @transform_32(%arg0: i32, %arg1: i32, %arg2: memref<4x64xi32, #tpu.memory_space<smem>>) -> (i32, i32, i32) {
    %mul3A = arith.constant 4 : i32
    %mul3A_0 = arith.muli %arg0, %mul3A : i32
    %add3A = arith.addi %mul3A_0, %arg1 : i32
    %c0_i32 = arith.constant 0 : i32
    %c0_i32_1 = arith.constant 0 : i32
    %c0_i32_2 = arith.constant 0 : i32
    return %add3A, %c0_i32, %c0_i32_1 : i32, i32, i32
  }
  func.func @transform_33(%arg0: i32, %arg1: i32, %arg2: memref<4x64xi32, #tpu.memory_space<smem>>) -> (i32, i32, i32) {
    %mul3A = arith.constant 4 : i32
    %mul3A_0 = arith.muli %arg0, %mul3A : i32
    %add3A = arith.addi %mul3A_0, %arg1 : i32
    %c0_i32 = arith.constant 0 : i32
    %c0_i32_1 = arith.constant 0 : i32
    %c0_i32_2 = arith.constant 0 : i32
    return %add3A, %c0_i32, %c0_i32_1 : i32, i32, i32
  }
}

</mosaic_0001>

<sc_bundles>
// kernel: kernel.5.cloned.1.call-start
scs
__scs_entry_jumppad:
0x0: {  	(pc) =	sbr.rel $0x88, $3  }
0x1: {  	(tag) =	ssettag $0x0;
	lr =	simm.s32 $0x1  }
0x2: {  	[smem:$0x3F9E] =	sst lr;
	_ =	strace $0xD0000000  }
0x3: {  	_ = 	snop  }
0x4: {  	_ = 	snop  }
0x5: {  	_ = 	snop  }
0x6: {  	_ = 	snop  }
0x7: {  	_ = 	snop  }
__scs_overlays_trampoline_lowered:
0x8: {  	[smem:$0x3FAD] =	sst s0  }
0x9: {  	[smem:$0x3FAE] =	sst s1  }
0xa: {  	[smem:$0x3FAF] =	sst s2  }
0xb: {  	[smem:$0x3FB0] =	sst s3  }
0xc: {  	[smem:$0x3FB1] =	sst s4  }
0xd: {  	[smem:$0x3FB2] =	sst s5  }
0xe: {  	[smem:$0x3FB3] =	sst s6  }
0xf: {  	[smem:$0x3FB4] =	sst s7  }
0x10: {  	[smem:$0x3FB5] =	sst s8  }
0x11: {  	[smem:$0x3FB6] =	sst s9;
	s0 =	simm.s32 @!p0 $0x0  }
0x12: {  	s1 =	sld [smem:$0x3F9C];
	s0 =	simm.s32 @p0 $0x1  }
0x13: {  	[smem:$0x3FB7] =	sst s0;
	s0 =	simm.s32 @!p1 $0x0  }
0x14: {  	s2 =	sld [smem:$0x3F9B];
	s0 =	simm.s32 @p1 $0x1  }
0x15: {  	[smem:$0x3FB8] =	sst s0;
	s0 =	simm.s32 @!p2 $0x0  }
0x16: {  	s3 =	sld [smem:$0x3FDB];
	s0 =	simm.s32 @p2 $0x1  }
0x17: {  	s4 =	simm.s32 $0x1BF5;
	[smem:$0x3FBA] =	sst s0  }
0x18: {  	s0 =	sld [smem:$0x3F9D];
	_ =	swait.ge [sflag:s4], $0x0  }
0x19: {  	s7 =	sld [smem:$0x3F9E]  }
0x1a: {  	s8 =	sadd.s32 $0xFFFFE003, lr  }
0x1b: {  	s9 =	sadd.s32 $0xFFFFFEF7, lr;
	s5 =	simm.s32 $0xFFFFFFFF;
	p2 =	slt.u32 s8, $0xFFFFF086  }
0x1c: {  	p1 =	slt.u32 s9, $0xF7A;
	s5 =	simm.s32 @!p2 $0x0  }
0x1d: {  	s5 =	simm.s32 @p1 $0x1;
	p0 =	seq.s32 s7, s2  }
0x1e: {  	s7 =	smul.u32 @!p0 $0xF7A, s2;
	p2 =	seq.s32 @!p0 s5, $0x0  }
0x1f: {  	s9 =	smul.u32 $0xF7A, s1;
	s8 =	simm.s32 @!p0 $0x1BF5;
	p2 =	por !p2, p0  }
0x20: {  	[sflag:s8] =	ssyncset.s32 @!p0 $0xFFFFF086;
	s6 =	sadd.s32 @!p0 s3, s7;
	s7 =	simm.s32 @!p0 $0x108  }
0x21: {  	s3 =	sadd.s32 s3, s9;
	s6 =	sadd.s32 @!p0 $0x88, s6;
	s7 =	simm.s32 @p2 $0x1082  }
0x22: {  	[simem:s7], [sflag:s8] =	dma.local @!p0 [hbm:s6], $0xF7A  }
0x23: {  	s9 =	sor.u32 $0xD0000000, s2;
	s6 =	simm.s32 $0x108;
	_ =	swait.ge @!p0 [sflag:s8], $0x0  }
0x24: {  	s3 =	sadd.s32 $0x88, s3;
	s6 =	simm.s32 @!p1 $0x1082;
	[sflag:s4] =	ssyncset.s32 $0xFFFFF086  }
0x25: {  	[simem:s6], [sflag:s4] =	dma.local [hbm:s3], $0xF7A  }
0x26: {  	[smem:$0x3F9E] =	sst s1;
	(tag) =	ssettag s2;
	_ =	strace s9  }
0x27: {  	s1 =	sld [smem:$0x3FAE]  }
0x28: {  	s2 =	sld [smem:$0x3FAF]  }
0x29: {  	s4 =	sld [smem:$0x3FB1]  }
0x2a: {  	p0 =	seq.s32 s5, $0x0;
	s5 =	sld [smem:$0x3FB2]  }
0x2b: {  	s6 =	sld [smem:$0x3FB3]  }
0x2c: {  	s7 =	sld [smem:$0x3FB4]  }
0x2d: {  	s3 =	simm.s32 $0x108;
	s8 =	sld [smem:$0x3FB5]  }
0x2e: {  	s3 =	simm.s32 @!p0 $0x1082;
	s9 =	sld [smem:$0x3FB6]  }
0x2f: {  	lr =	sadd.s32 s0, s3;
	s0 =	sld [smem:$0x3FAD]  }
0x30: {  	s3 =	sld [smem:$0x3FB0]  }
0x31: {  	[smem:$0x3FB9] =	sst s10  }
0x32: {  	s10 =	sld [smem:$0x3FB7];
	_ =	sdelay $0x3  }
0x33: {  	p0 =	seq.s32 s10, $0x1;
	s10 =	sld [smem:$0x3FB9];
	_ =	sdelay $0x3  }
0x34: {  	[smem:$0x3FB9] =	sst s10  }
0x35: {  	s10 =	sld [smem:$0x3FB8];
	_ =	sdelay $0x3  }
0x36: {  	p1 =	seq.s32 s10, $0x1;
	s10 =	sld [smem:$0x3FB9];
	_ =	sdelay $0x3  }
0x37: {  	[smem:$0x3FB9] =	sst s10  }
0x38: {  	s10 =	sld [smem:$0x3FBA]  }
0x39: {  	_ = 	snop;
	(pc) =	sbr.ind lr, $3  }
0x3a: {  	_ = 	snop  }
0x3b: {  	_ = 	snop  }
0x3c: {  	p2 =	seq.s32 s10, $0x1;
	s10 =	sld [smem:$0x3FB9]  }
0x3d: {  	_ =	shalt  }
0x3e: {  	_ =	shalt  }
0x3f: {  	_ =	shalt  }
0x40: {  	_ =	shalt  }
0x41: {  	_ =	shalt  }
0x42: {  	_ =	shalt  }
0x43: {  	_ =	shalt  }
0x44: {  	_ =	shalt  }
0x45: {  	_ =	shalt  }
0x46: {  	_ =	shalt  }
0x47: {  	_ =	shalt  }
0x48: {  	_ =	shalt  }
0x49: {  	_ =	shalt  }
0x4a: {  	_ =	shalt  }
0x4b: {  	_ =	shalt  }
0x4c: {  	_ =	shalt  }
0x4d: {  	_ =	shalt  }
0x4e: {  	_ =	shalt  }
0x4f: {  	_ =	shalt  }
0x50: {  	_ =	shalt  }
0x51: {  	_ =	shalt  }
0x52: {  	_ =	shalt  }
0x53: {  	_ =	shalt  }
0x54: {  	_ =	shalt  }
0x55: {  	_ =	shalt  }
0x56: {  	_ =	shalt  }
0x57: {  	_ =	shalt  }
0x58: {  	_ =	shalt  }
0x59: {  	_ =	shalt  }
0x5a: {  	_ =	shalt  }
0x5b: {  	_ =	shalt  }
0x5c: {  	_ =	shalt  }
0x5d: {  	_ =	shalt  }
0x5e: {  	_ =	shalt  }
0x5f: {  	_ =	shalt  }
0x60: {  	_ =	shalt  }
0x61: {  	_ =	shalt  }
0x62: {  	_ =	shalt  }
0x63: {  	_ =	shalt  }
0x64: {  	_ =	shalt  }
0x65: {  	_ =	shalt  }
0x66: {  	_ =	shalt  }
0x67: {  	_ =	shalt  }
0x68: {  	_ =	shalt  }
0x69: {  	_ =	shalt  }
0x6a: {  	_ =	shalt  }
0x6b: {  	_ =	shalt  }
0x6c: {  	_ =	shalt  }
0x6d: {  	_ =	shalt  }
0x6e: {  	_ =	shalt  }
0x6f: {  	_ =	shalt  }
0x70: {  	_ =	shalt  }
0x71: {  	_ =	shalt  }
0x72: {  	_ =	shalt  }
0x73: {  	_ =	shalt  }
0x74: {  	_ =	shalt  }
0x75: {  	_ =	shalt  }
0x76: {  	_ =	shalt  }
0x77: {  	_ =	shalt  }
0x78: {  	_ =	shalt  }
0x79: {  	_ =	shalt  }
0x7a: {  	_ =	shalt  }
0x7b: {  	_ =	shalt  }
0x7c: {  	_ =	shalt  }
0x7d: {  	_ =	shalt  }
0x7e: {  	_ =	shalt  }
0x7f: {  	_ =	shalt  }
0x80: {  	_ =	shalt  }
0x81: {  	_ =	shalt  }
0x82: {  	_ =	shalt  }
0x83: {  	_ =	shalt  }
0x84: {  	_ =	shalt  }
0x85: {  	_ =	shalt  }
0x86: {  	_ =	shalt  }
0x87: {  	_ =	shalt  }
.Lfunc_end0:
.L_simem_size_0:
called_computation_lowered:
.L_overlay_start_0:
0x88: {  	s2 =	sld [smem:$0x3FD9]  }
0x89: {  	s3 =	sld [smem:$0x3FFE];
	_ =	sdelay $0x1  }
0x8a: {  	s1 =	srdreg.scid  }
0x8b: {  	s0 =	sand.u32 $0x1, s1  }
0x8c: {  	s15 =	sshll.u32 s0, $0xA;
	s2 =	sadd.s32 s3, s2  }
0x8d: {  	s2 =	sadd.s32 s2, s15  }
0x8e: {  	[smem:$0x3FC5] =	sst s2  }
0x8f: {  	_ = 	snop  }
0x90: {  	s2 =	sld [smem:$0x3FD0];
	_ =	sdelay $0x2  }
0x91: {  	s4 =	simm.s32 $0xA;
	s5 =	simm.s32 $0x10;
	s16 =	sld [smem:$0x3FC7]  }
0x92: {  	[smem:s5], [sflag:s4] =	dma.local [hbm:s2], $0x1  }
0x93: {  	_ =	swait.eq [sflag:s4], $0x1  }
0x94: {  	[sflag:s4] =	ssyncset.done $0x0  }
0x95: {  	[sflag:s4] =	ssyncadd.s32 $0xFFFFFFFF  }
0x96: {  	s17 =	sld [smem:$0x11];
	(tm) =	ssettm $0x1  }
0x97: {  	s18 =	sld [smem:$0x3FFB];
	_ =	sdelay $0x3  }
0x98: {  	_ =	strace s18  }
0x99: {  	s4 =	sld [smem:$0x3FFC];
	_ =	sdelay $0x3  }
0x9a: {  	_ =	strace s4  }
0x9b: {  	s4 =	sld [smem:$0x3FFD];
	_ =	sdelay $0x3  }
0x9c: {  	_ =	strace s4  }
0x9d: {  	_ =	strace $0x8FFFFFFF  }
0x9e: {  	s19 =	sld [smem:$0x3FDB];
	_ =	sdelay $0x1  }
0x9f: {  	s20 =	simm.s32 $_scs_section_size  }
0xa0: {  	s6 =	simm.s32 $_size__tile_overlayer_lowered;
	s7 =	simm.s32 $_tile_overlayer_lowered  }
0xa1: {  	s23 =	simm.s32 $0x1BFF;
	s22 =	sshll.u32 s7, $0x1;
	s4 =	sadd.s32 s20, s19  }
0xa2: {  	s8 =	simm.s32 $0x0;
	s21 =	sshll.u32 s6, $0x1;
	s6 =	sadd.s32 s22, s4  }
0xa3: {  	[timem:s8], [sflag:s23] =	dma.local [hbm:s6], s21  }
0xa4: {  	_ =	swait.ge [sflag:s23], s21  }
0xa5: {  	s5 =	ssub.s32 $0x0, s21;
	[sflag:s23] =	ssyncset.done $0x0  }
0xa6: {  	[sflag:s23] =	ssyncadd.s32 s5;
	_ =	sdelay $0x1  }
0xa7: {  	s24 =	simm.s32 $0x1B8B  }
0xa8: {  	_ =	swait.ge [sflag:s24], $0x1  }
0xa9: {  	[sflag:s24] =	ssyncset.done $0x0  }
0xaa: {  	s25 =	simm.s32 $0x1B8E;
	[sflag:s24] =	ssyncadd.s32 $0xFFFFFFFF  }
0xab: {  	s26 =	simm.s32 $execute0_lowered;
	[smem:$0x3FD2] =	sst s25  }
0xac: {  	s5 =	sshll.u32 s26, $0x1;
	_ =	strace $0x80000046;
	[dreg:$0x1] =	wrdreg $0xFFFFFFFF  }
0xad: {  	s28 =	simm.s32 $_size_execute0_lowered;
	s4 =	sadd.s32 s4, s5;
	[dreg:$0x0] =	wrdreg $0x0  }
0xae: {  	s5 =	sshll.u32 s28, $0x1;
	[dreg:$0x2] =	wrdreg s4  }
0xaf: {  	[dreg:$0x3] =	wrdreg s5  }
0xb0: {  	[dreg:$0x4] =	wrdreg $0xC0  }
0xb1: {  	_ =	task [dreg:s8], $0x5FFFF  }
0xb2: {  	[dreg:$0x1] =	wrdreg $0xFFFFFFFF  }
0xb3: {  	[dreg:$0x0] =	wrdreg $0x60  }
0xb4: {  	[dreg:$0x2] =	wrdreg s16  }
0xb5: {  	[dreg:$0x3] =	wrdreg s17  }
0xb6: {  	[dreg:$0x4] =	wrdreg $0x9  }
0xb7: {  	_ =	task.clear_ibuf [dreg:s8], $0x5FFFF;
	_ =	strace $0x90000046  }
0xb8: {  	s29 =	simm.s32 $0x9;
	_ =	strace $0x80000048  }
0xb9: {  	_ =	swait.ge [sflag:s29], $0x1  }
0xba: {  	[sflag:s29] =	ssyncadd.s32 $0xFFFFFFFF  }
0xbb: {  	_ =	strace $0x90000048  }
0xbc: {  	_ =	sfence  }
0xbd: {  	s30 =	sld [smem:$0x0];
	_ =	sdelay $0x2  }
0xbe: {  	s31 =	sshll.u32 s1, $0xD;
	s1 =	sshrl.u32 s1, $0x2  }
0xbf: {  	s3 =	sand.u32 $0x4000, s31;
	s1 =	sadd.s32 s1, s30  }
0xc0: {  	s0 =	sor.u32 s3, s0;
	s1 =	sshll.u32 s1, $0x11  }
0xc1: {  	s0 =	sor.u32 s1, s0  }
0xc2: {  	s0 =	sadd.s32 $0x8F2B, s0  }
0xc3: {  	[sflag:s0] =	ssyncadd.remote.s32 $0x1  }
0xc4: {  	_ =	sfence.sel $0xFFFF  }
0xc5: {  	[dreg:$0x0] =	wrdreg $0xFFFFFFFF;
	(pc) =	sbr.abs _section_cstart, $3  }
0xc6: {  	[dreg:$0x1] =	wrdreg $0xFFFFFFFF  }
0xc7: {  	_ =	task.clear_ibuf [dreg:s8], $0x2FFFF;
	_ =	strace $0x9FFFFFFF  }
0xc8: {  	(tm) =	ssettm $0x7FFFFFFF  }
0xc9: {  	_ =	shalt  }
tec
execute0_lowered:
.L_overlay_start_1:
0x0: {  	(tag) =	ssettag $0x1  }
0x1: {  	s3 =	rddreg [dreg:$0x0]  }
0x2: {  	s1 =	srdreg.scid;
	s0 =	stileid.u32  }
0x3: {  	s10 =	rddreg [dreg:$0x1];
	s2 =	simm.s32 $0x0;
	s14 =	simm.s32 $0x8000  }
0x4: {  	s15 =	simm.s32 $0xC000;
	s16 =	simm.s32 $0x1;
	s17 =	simm.s32 $0x2  }
0x5: {  	s18 =	simm.s32 $0x3;
	s19 =	simm.s32 $0x4;
	s20 =	simm.s32 $0x80  }
0x6: {  	s21 =	simm.s32 $0x400;
	s22 =	simm.s32 $0x10000;
	s23 =	simm.s32 $0x5  }
0x7: {  	s24 =	simm.s32 $0x0;
	s4 =	sand.u32 $0x1, s1;
	s5 =	sshll.u32 s0, $0x1  }
0x8: {  	[smem:$0x7FF] =	sst s2;
	s11 =	sshll.u32 s0, $0x6;
	s9 =	sor.u32 s4, s5  }
0x9: {  	s4 =	ssub.s32 $0x2, s4;
	_ =	strace $0x80000047;
	s11 =	sand.u32 $0x300, s11  }
0xa: {  	s5 =	sshll.u32 s9, $0x11;
	s6 =	sshrl.u32 s4, $0x1;
	s13 =	sshll.u32 s9, $0x4  }
.Ltmp0:
0xb: {  	s11 =	sadd.s32 s10, s11;
	s3 =	sadd.s32 s3, s5;
	(pc) =	sbr.rel .LBB2_1-.Ltmp0, $4  }
0xc: {  	s12 =	ssub.s32 s4, s6;
	s13 =	sand.u32 $0x70, s13;
	s4 =	sadd.s32 $0x800, s3  }
0xd: {  	s5 =	sadd.s32 $0x1000, s3;
	s6 =	sadd.s32 $0x1800, s3;
	s7 =	sadd.s32 $0x2000, s3  }
0xe: {  	s8 =	sadd.s32 $0x2800, s3;
	s9 =	sadd.s32 $0x3000, s3;
	s10 =	sadd.s32 $0x3800, s3  }
0xf: {  	s11 =	sadd.s32 s13, s11;
	s12 =	smax.u32 s12, $0x1;
	s13 =	simm.s32 $0x4000  }
.LBB2_12:
0x10: {  	[tilespmem:$0x10000] =	vst v13  }
0x11: {  	[tilespmem:$0x10010] =	vst v12  }
0x12: {  	[tilespmem:$0x10020] =	vst v11  }
0x13: {  	[tilespmem:$0x10030] =	vst v10  }
0x14: {  	[tilespmem:$0x10060] =	vst v28  }
0x15: {  	[tilespmem:$0x10070] =	vst v14  }
0x16: {  	[tilespmem:$0x10080] =	vst v7  }
0x17: {  	[tilespmem:$0x10090] =	vst v6  }
0x18: {  	[tilespmem:$0x100A0] =	vst v5  }
0x19: {  	[tilespmem:$0x100B0] =	vst v4  }
0x1a: {  	[tilespmem:$0x100C0] =	vst v3  }
0x1b: {  	[tilespmem:$0x100D0] =	vst v2  }
0x1c: {  	[tilespmem:$0x100E0] =	vst v1  }
0x1d: {  	[tilespmem:$0x100F0] =	vst v0;
	s24 =	sadd.s32 $0x1, s24  }
0x1e: {  	[tilespmem:$0x10040] =	vst v9;
	p0 =	sne.s32 s24, s12  }
.Ltmp1:
0x1f: {  	[tilespmem:$0x10050] =	vst v8;
	(pc) =	sbr.rel @!p0 .LBB2_13-.Ltmp1, $4  }
0x20: {  	[hbm4b:s11+s20] =	stream.strided.scatter [tilespmem:s22], [sflag:$0x5], $0x100, s21, s20, $0x38;
	[tilespmem:$0x10100] =	vst v63  }
0x21: {  	_ =	swait.ge [sflag:s23], $0x100  }
0x22: {  	[sflag:s23] =	ssyncset.done $0x0  }
0x23: {  	[sflag:s23] =	ssyncadd.s32 $0xFFFFFF00  }
.LBB2_1:
0x24: {  	[tilespmem:s2], [sflag:$0x1] =	stream.linear.gather [hbm4b:s3+s2], $0x4000, $0x38;
	[tilespmem:$0x10100] =	vst v63  }
0x25: {  	v0 =	vimm.f32 $0.0e+00  }
0x26: {  	v1 =	vimm.f32 $0.0e+00;
	v2 =	vimm.f32 $0.0e+00;
	v3 =	vimm.f32 $0.0e+00;
	[tilespmem:s13], [sflag:$0x2] =	stream.linear.gather [hbm4b:s4+s2], $0x4000, $0x38;
	[tilespmem:$0x10100] =	vst v63  }
0x27: {  	v4 =	vimm.f32 $0.0e+00;
	v5 =	vimm.f32 $0.0e+00;
	v6 =	vimm.f32 $0.0e+00  }
0x28: {  	v7 =	vimm.f32 $0.0e+00;
	v14 =	vimm.f32 $0.0e+00;
	v28 =	vimm.f32 $0.0e+00;
	[tilespmem:s14], [sflag:$0x3] =	stream.linear.gather [hbm4b:s5+s2], $0x4000, $0x38;
	[tilespmem:$0x10100] =	vst v63  }
0x29: {  	v8 =	vimm.f32 $0.0e+00;
	v9 =	vimm.f32 $0.0e+00;
	v10 =	vimm.f32 $0.0e+00;
	s25 =	simm.s32 $0x0  }
0x2a: {  	v11 =	vimm.f32 $0.0e+00;
	v12 =	vimm.f32 $0.0e+00;
	v13 =	vimm.f32 $0.0e+00;
	[tilespmem:s15], [sflag:$0x4] =	stream.linear.gather [hbm4b:s6+s2], $0x4000, $0x38;
	[tilespmem:$0x10100] =	vst v63  }
.LBB2_2:
0x2b: {  	_ =	swait.ge [sflag:s16], $0x4000;
	s26 =	simm.s32 $0x0  }
0x2c: {  	[sflag:s16] =	ssyncset.done $0x0;
	s28 =	sand.u32 $0x3800, s26;
	s29 =	sand.u32 $0x300, s26  }
0x2d: {  	[sflag:s16] =	ssyncadd.s32 $0xFFFFC000;
	s28 =	sor.u32 s29, s28  }
0x2e: {  	v15 =	vld [tilespmem:s28+$0x80]  }
0x2f: {  	v18 =	vld [tilespmem:s28+$0x90]  }
0x30: {  	v23 =	vld [tilespmem:s28+$0xA0]  }
0x31: {  	v24 =	vld [tilespmem:s28+$0xB0]  }
0x32: {  	v26 =	vld [tilespmem:s28+$0xC0]  }
0x33: {  	v36 =	vld [tilespmem:s28+$0xD0]  }
0x34: {  	v25 =	vld [tilespmem:s28+$0xE0]  }
0x35: {  	v27 =	vld [tilespmem:s28+$0xF0]  }
0x36: {  	v20 =	vld [tilespmem:s28+$0x480]  }
0x37: {  	v21 =	vld [tilespmem:s28+$0x490]  }
0x38: {  	v16 =	vld [tilespmem:s28+$0x4A0]  }
0x39: {  	v17 =	vld [tilespmem:s28+$0x4B0]  }
0x3a: {  	v19 =	vld [tilespmem:s28+$0x4C0]  }
0x3b: {  	v22 =	vld [tilespmem:s28+$0x4D0]  }
0x3c: {  	v29 =	vld [tilespmem:s28+$0x0]  }
0x3d: {  	v30 =	vld [tilespmem:s28+$0x10]  }
0x3e: {  	v31 =	vld [tilespmem:s28+$0x20]  }
0x3f: {  	v32 =	vld [tilespmem:s28+$0x30]  }
0x40: {  	v34 =	vld [tilespmem:s28+$0x40]  }
0x41: {  	v35 =	vld [tilespmem:s28+$0x50]  }
0x42: {  	v37 =	vld [tilespmem:s28+$0x60]  }
0x43: {  	v13 =	vadd.f32 v29, v13;
	v12 =	vadd.f32 v30, v12;
	v29 =	vld [tilespmem:s28+$0x70]  }
0x44: {  	v33 =	vld [tilespmem:s28+$0x410];
	v30 =	vadd.f32 v31, v11;
	v38 =	vadd.f32 v32, v10  }
0x45: {  	v31 =	vld [tilespmem:s28+$0x400];
	v9 =	vadd.f32 v34, v9;
	v10 =	vadd.f32 v15, v13  }
0x46: {  	v32 =	vld [tilespmem:s28+$0x420];
	v11 =	vadd.f32 v18, v12;
	v12 =	vadd.f32 v23, v30  }
0x47: {  	v34 =	vld [tilespmem:s28+$0x430];
	v13 =	vadd.f32 v24, v38;
	v15 =	vadd.f32 v35, v8  }
0x48: {  	v8 =	vadd.f32 v37, v28;
	v30 =	vld [tilespmem:s28+$0x450];
	v35 =	vadd.f32 v29, v14  }
0x49: {  	s29 =	simm.s32 $0x100;
	v9 =	vadd.f32 v26, v9;
	v29 =	vld [tilespmem:s28+$0x440];
	v14 =	vadd.f32 v36, v15  }
.LBB2_3:
0x4a: {  	p0 =	sne.s32 s29, $0x1F00;
	v15 =	vld [tilespmem:s28+$0x460];
	v8 =	vadd.f32 v25, v8;
	v18 =	vadd.f32 v27, v35  }
0x4b: {  	v7 =	vadd.f32 v31, v7;
	v6 =	vadd.f32 v33, v6;
	s26 =	sadd.s32 $0x200, s26;
	v23 =	vld [tilespmem:s28+$0x470]  }
0x4c: {  	s31 =	sand.u32 $0x300, s29;
	s30 =	sand.u32 $0x3800, s26;
	v5 =	vadd.f32 v32, v5;
	v4 =	vadd.f32 v34, v4;
	v24 =	vld [tilespmem:s28+$0x4E0]  }
0x4d: {  	v7 =	vadd.f32 v20, v7;
	v6 =	vadd.f32 v21, v6;
	v20 =	vld [tilespmem:s28+$0x4F0];
	s28 =	sor.u32 s31, s30  }
0x4e: {  	v5 =	vadd.f32 v16, v5;
	v26 =	vld [tilespmem:s28+$0x80];
	v4 =	vadd.f32 v17, v4  }
0x4f: {  	v3 =	vadd.f32 v29, v3;
	v2 =	vadd.f32 v30, v2;
	v28 =	vld [tilespmem:s28+$0x90]  }
0x50: {  	v1 =	vadd.f32 v15, v1;
	v29 =	vld [tilespmem:s28+$0xA0];
	v0 =	vadd.f32 v23, v0  }
0x51: {  	v3 =	vadd.f32 v19, v3;
	v2 =	vadd.f32 v22, v2;
	v15 =	vld [tilespmem:s28+$0xB0]  }
0x52: {  	v1 =	vadd.f32 v24, v1;
	v23 =	vld [tilespmem:s28+$0xC0];
	v0 =	vadd.f32 v20, v0  }
0x53: {  	v24 =	vld [tilespmem:s28+$0xD0]  }
0x54: {  	v25 =	vld [tilespmem:s28+$0xE0]  }
0x55: {  	v27 =	vld [tilespmem:s28+$0xF0]  }
0x56: {  	v20 =	vld [tilespmem:s28+$0x480]  }
0x57: {  	v21 =	vld [tilespmem:s28+$0x490]  }
0x58: {  	v16 =	vld [tilespmem:s28+$0x4A0]  }
0x59: {  	v17 =	vld [tilespmem:s28+$0x4B0]  }
0x5a: {  	v19 =	vld [tilespmem:s28+$0x4C0]  }
0x5b: {  	v22 =	vld [tilespmem:s28+$0x4D0]  }
0x5c: {  	v30 =	vld [tilespmem:s28+$0x0]  }
0x5d: {  	v31 =	vld [tilespmem:s28+$0x10]  }
0x5e: {  	v32 =	vld [tilespmem:s28+$0x20]  }
0x5f: {  	v33 =	vld [tilespmem:s28+$0x30]  }
0x60: {  	v34 =	vld [tilespmem:s28+$0x40]  }
0x61: {  	v35 =	vld [tilespmem:s28+$0x50]  }
0x62: {  	v36 =	vld [tilespmem:s28+$0x60]  }
0x63: {  	v10 =	vadd.f32 v30, v10;
	v11 =	vadd.f32 v31, v11;
	v30 =	vld [tilespmem:s28+$0x70]  }
0x64: {  	v12 =	vadd.f32 v32, v12;
	v13 =	vadd.f32 v33, v13;
	v31 =	vld [tilespmem:s28+$0x400]  }
.Ltmp2:
0x65: {  	v10 =	vadd.f32 v26, v10;
	v11 =	vadd.f32 v28, v11;
	v33 =	vld [tilespmem:s28+$0x410];
	(pc) =	sbr.rel @p0 .LBB2_3-.Ltmp2, $4  }
0x66: {  	v12 =	vadd.f32 v29, v12;
	v32 =	vld [tilespmem:s28+$0x420];
	v13 =	vadd.f32 v15, v13  }
0x67: {  	v9 =	vadd.f32 v34, v9;
	v14 =	vadd.f32 v35, v14;
	v34 =	vld [tilespmem:s28+$0x430]  }
0x68: {  	v8 =	vadd.f32 v36, v8;
	v35 =	vadd.f32 v30, v18;
	v29 =	vld [tilespmem:s28+$0x440]  }
0x69: {  	s29 =	sadd.s32 $0x100, s29;
	v9 =	vadd.f32 v23, v9;
	v14 =	vadd.f32 v24, v14;
	v30 =	vld [tilespmem:s28+$0x450]  }
0x6a: {  	v36 =	vld [tilespmem:s28+$0x460]  }
0x6b: {  	v37 =	vld [tilespmem:s28+$0x470]  }
0x6c: {  	v38 =	vld [tilespmem:s28+$0x4E0];
	s26 =	sshll.u32 s25, $0xD;
	p0 =	seq.s32 s25, $0xF  }
0x6d: {  	v39 =	vld [tilespmem:s28+$0x4F0];
	s28 =	sadd.s32 @!p0 s26, s7;
	s29 =	simm.s32 @!p0 $0x0  }
0x6e: {  	[tilespmem:s29], [sflag:$0x1] =	stream.linear.gather @!p0 [hbm4b:s28+s29], $0x4000, $0x38;
	[tilespmem:$0x10100] =	vst v63  }
0x6f: {  	s28 =	simm.s32 $0x0;
	_ =	swait.ge [sflag:s17], $0x4000  }
0x70: {  	s29 =	sand.u32 $0x3800, s28;
	s30 =	sand.u32 $0x300, s28;
	[sflag:s17] =	ssyncset.done $0x0  }
0x71: {  	s29 =	sor.u32 s30, s29;
	[sflag:s17] =	ssyncadd.s32 $0xFFFFC000  }
0x72: {  	v40 =	vld [tilespmem:s29+$0x4080]  }
0x73: {  	v41 =	vld [tilespmem:s29+$0x4090]  }
0x74: {  	v42 =	vld [tilespmem:s29+$0x40A0]  }
0x75: {  	v43 =	vld [tilespmem:s29+$0x40B0]  }
0x76: {  	v44 =	vld [tilespmem:s29+$0x40C0]  }
0x77: {  	v45 =	vld [tilespmem:s29+$0x40D0]  }
0x78: {  	v26 =	vld [tilespmem:s29+$0x40E0]  }
0x79: {  	v28 =	vld [tilespmem:s29+$0x40F0]  }
0x7a: {  	v23 =	vld [tilespmem:s29+$0x4480]  }
0x7b: {  	v24 =	vld [tilespmem:s29+$0x4490]  }
0x7c: {  	v15 =	vld [tilespmem:s29+$0x44A0]  }
0x7d: {  	v18 =	vld [tilespmem:s29+$0x44B0]  }
0x7e: {  	v25 =	vadd.f32 v25, v8;
	v7 =	vadd.f32 v31, v7;
	v8 =	vld [tilespmem:s29+$0x44C0]  }
0x7f: {  	v31 =	vadd.f32 v33, v6;
	v5 =	vadd.f32 v32, v5;
	v63 =	vld [tilespmem:s29+$0x4000]  }
0x80: {  	v4 =	vadd.f32 v34, v4;
	v20 =	vadd.f32 v20, v7;
	v7 =	vld [tilespmem:s29+$0x4010]  }
0x81: {  	v21 =	vadd.f32 v21, v31;
	v3 =	vadd.f32 v29, v3;
	v31 =	vld [tilespmem:s29+$0x4020]  }
0x82: {  	v17 =	vadd.f32 v17, v4;
	v4 =	vadd.f32 v30, v2;
	v29 =	vld [tilespmem:s29+$0x4030]  }
0x83: {  	v0 =	vadd.f32 v37, v0;
	v2 =	vadd.f32 v19, v3;
	v19 =	vld [tilespmem:s29+$0x4050]  }
0x84: {  	v1 =	vadd.f32 v36, v1;
	v3 =	vadd.f32 v22, v4;
	v22 =	vld [tilespmem:s29+$0x4070]  }
0x85: {  	v16 =	vadd.f32 v16, v5;
	v5 =	vadd.f32 v39, v0;
	v0 =	vld [tilespmem:s29+$0x4060]  }
0x86: {  	v27 =	vadd.f32 v27, v35;
	v30 =	vld [tilespmem:s29+$0x4040];
	v4 =	vadd.f32 v38, v1  }
0x87: {  	v6 =	vld [tilespmem:s29+$0x44D0];
	v10 =	vadd.f32 v63, v10;
	v7 =	vadd.f32 v7, v11  }
0x88: {  	v33 =	vld [tilespmem:s29+$0x4410];
	v12 =	vadd.f32 v31, v12;
	v13 =	vadd.f32 v29, v13  }
0x89: {  	v32 =	vld [tilespmem:s29+$0x4420];
	v14 =	vadd.f32 v19, v14;
	v35 =	vadd.f32 v22, v27  }
0x8a: {  	v1 =	vld [tilespmem:s29+$0x4400];
	v0 =	vadd.f32 v0, v25;
	v10 =	vadd.f32 v40, v10  }
0x8b: {  	v34 =	vld [tilespmem:s29+$0x4430];
	v11 =	vadd.f32 v41, v7;
	v7 =	vadd.f32 v30, v9  }
0x8c: {  	v31 =	vld [tilespmem:s29+$0x4450];
	v12 =	vadd.f32 v42, v12;
	v13 =	vadd.f32 v43, v13  }
0x8d: {  	s30 =	simm.s32 $0x100;
	v30 =	vld [tilespmem:s29+$0x4440];
	v14 =	vadd.f32 v45, v14;
	v9 =	vadd.f32 v44, v7  }
.LBB2_5:
0x8e: {  	p1 =	sne.s32 s30, $0x1F00;
	v7 =	vld [tilespmem:s29+$0x4460];
	v0 =	vadd.f32 v26, v0;
	v19 =	vadd.f32 v28, v35  }
0x8f: {  	v1 =	vadd.f32 v1, v20;
	v21 =	vadd.f32 v33, v21;
	s28 =	sadd.s32 $0x200, s28;
	v22 =	vld [tilespmem:s29+$0x4470]  }
0x90: {  	s1 =	sand.u32 $0x300, s30;
	s31 =	sand.u32 $0x3800, s28;
	v16 =	vadd.f32 v32, v16;
	v17 =	vadd.f32 v34, v17;
	v25 =	vld [tilespmem:s29+$0x44E0]  }
0x91: {  	v20 =	vadd.f32 v23, v1;
	v21 =	vadd.f32 v24, v21;
	v1 =	vld [tilespmem:s29+$0x44F0];
	s29 =	sor.u32 s1, s31  }
0x92: {  	v16 =	vadd.f32 v15, v16;
	v27 =	vld [tilespmem:s29+$0x4080];
	v17 =	vadd.f32 v18, v17  }
0x93: {  	v2 =	vadd.f32 v30, v2;
	v3 =	vadd.f32 v31, v3;
	v29 =	vld [tilespmem:s29+$0x4090]  }
0x94: {  	v4 =	vadd.f32 v7, v4;
	v30 =	vld [tilespmem:s29+$0x40A0];
	v5 =	vadd.f32 v22, v5  }
0x95: {  	v2 =	vadd.f32 v8, v2;
	v3 =	vadd.f32 v6, v3;
	v7 =	vld [tilespmem:s29+$0x40B0]  }
0x96: {  	v4 =	vadd.f32 v25, v4;
	v22 =	vld [tilespmem:s29+$0x40C0];
	v5 =	vadd.f32 v1, v5  }
0x97: {  	v25 =	vld [tilespmem:s29+$0x40D0]  }
0x98: {  	v26 =	vld [tilespmem:s29+$0x40E0]  }
0x99: {  	v28 =	vld [tilespmem:s29+$0x40F0]  }
0x9a: {  	v23 =	vld [tilespmem:s29+$0x4480]  }
0x9b: {  	v24 =	vld [tilespmem:s29+$0x4490]  }
0x9c: {  	v15 =	vld [tilespmem:s29+$0x44A0]  }
0x9d: {  	v18 =	vld [tilespmem:s29+$0x44B0]  }
0x9e: {  	v8 =	vld [tilespmem:s29+$0x44C0]  }
0x9f: {  	v6 =	vld [tilespmem:s29+$0x44D0]  }
0xa0: {  	v1 =	vld [tilespmem:s29+$0x4000]  }
0xa1: {  	v31 =	vld [tilespmem:s29+$0x4010]  }
0xa2: {  	v32 =	vld [tilespmem:s29+$0x4020]  }
0xa3: {  	v33 =	vld [tilespmem:s29+$0x4030]  }
0xa4: {  	v34 =	vld [tilespmem:s29+$0x4040]  }
0xa5: {  	v35 =	vld [tilespmem:s29+$0x4050]  }
0xa6: {  	v36 =	vld [tilespmem:s29+$0x4060]  }
0xa7: {  	v10 =	vadd.f32 v1, v10;
	v11 =	vadd.f32 v31, v11;
	v31 =	vld [tilespmem:s29+$0x4070]  }
0xa8: {  	v12 =	vadd.f32 v32, v12;
	v13 =	vadd.f32 v33, v13;
	v1 =	vld [tilespmem:s29+$0x4400]  }
.Ltmp3:
0xa9: {  	v10 =	vadd.f32 v27, v10;
	v11 =	vadd.f32 v29, v11;
	v33 =	vld [tilespmem:s29+$0x4410];
	(pc) =	sbr.rel @p1 .LBB2_5-.Ltmp3, $4  }
0xaa: {  	v12 =	vadd.f32 v30, v12;
	v32 =	vld [tilespmem:s29+$0x4420];
	v13 =	vadd.f32 v7, v13  }
0xab: {  	v7 =	vadd.f32 v34, v9;
	v14 =	vadd.f32 v35, v14;
	v34 =	vld [tilespmem:s29+$0x4430]  }
0xac: {  	v0 =	vadd.f32 v36, v0;
	v35 =	vadd.f32 v31, v19;
	v30 =	vld [tilespmem:s29+$0x4440]  }
0xad: {  	s30 =	sadd.s32 $0x100, s30;
	v9 =	vadd.f32 v22, v7;
	v14 =	vadd.f32 v25, v14;
	v31 =	vld [tilespmem:s29+$0x4450]  }
0xae: {  	v36 =	vld [tilespmem:s29+$0x4460]  }
0xaf: {  	v37 =	vld [tilespmem:s29+$0x4470]  }
0xb0: {  	v38 =	vld [tilespmem:s29+$0x44E0]  }
0xb1: {  	v39 =	vld [tilespmem:s29+$0x44F0];
	s1 =	sadd.s32 @!p0 s26, s8;
	s28 =	simm.s32 @!p0 $0x0;
	s29 =	simm.s32 @!p0 $0x4000  }
0xb2: {  	[tilespmem:s29], [sflag:$0x2] =	stream.linear.gather @!p0 [hbm4b:s1+s28], $0x4000, $0x38;
	[tilespmem:$0x10100] =	vst v63  }
0xb3: {  	s28 =	simm.s32 $0x0;
	_ =	swait.ge [sflag:s18], $0x4000  }
0xb4: {  	s31 =	sand.u32 $0x3800, s28;
	s29 =	sand.u32 $0x300, s28;
	[sflag:s18] =	ssyncset.done $0x0  }
0xb5: {  	s29 =	sor.u32 s29, s31;
	[sflag:s18] =	ssyncadd.s32 $0xFFFFC000  }
0xb6: {  	v40 =	vld [tilespmem:s29+$0x8080]  }
0xb7: {  	v41 =	vld [tilespmem:s29+$0x8090]  }
0xb8: {  	v42 =	vld [tilespmem:s29+$0x80A0]  }
0xb9: {  	v43 =	vld [tilespmem:s29+$0x80B0]  }
0xba: {  	v44 =	vld [tilespmem:s29+$0x80C0]  }
0xbb: {  	v45 =	vld [tilespmem:s29+$0x80D0]  }
0xbc: {  	v27 =	vld [tilespmem:s29+$0x80E0]  }
0xbd: {  	v29 =	vld [tilespmem:s29+$0x80F0]  }
0xbe: {  	v22 =	vld [tilespmem:s29+$0x8480]  }
0xbf: {  	v25 =	vld [tilespmem:s29+$0x8490]  }
0xc0: {  	v7 =	vld [tilespmem:s29+$0x84A0]  }
0xc1: {  	v26 =	vadd.f32 v26, v0;
	v19 =	vld [tilespmem:s29+$0x84B0]  }
0xc2: {  	v20 =	vadd.f32 v1, v20;
	v21 =	vadd.f32 v33, v21;
	v0 =	vld [tilespmem:s29+$0x84C0]  }
0xc3: {  	v16 =	vadd.f32 v32, v16;
	v61 =	vadd.f32 v34, v17;
	v62 =	vld [tilespmem:s29+$0x8000]  }
0xc4: {  	v17 =	vadd.f32 v23, v20;
	v20 =	vadd.f32 v24, v21;
	v21 =	vld [tilespmem:s29+$0x8010]  }
0xc5: {  	v15 =	vadd.f32 v15, v16;
	v16 =	vadd.f32 v18, v61;
	v18 =	vld [tilespmem:s29+$0x8020]  }
0xc6: {  	v28 =	vadd.f32 v28, v35;
	v23 =	vld [tilespmem:s29+$0x8030]  }
0xc7: {  	v2 =	vadd.f32 v30, v2;
	v3 =	vadd.f32 v31, v3;
	v24 =	vld [tilespmem:s29+$0x8040]  }
0xc8: {  	v4 =	vadd.f32 v36, v4;
	v5 =	vadd.f32 v37, v5;
	v30 =	vld [tilespmem:s29+$0x8050]  }
0xc9: {  	v2 =	vadd.f32 v8, v2;
	v63 =	vld [tilespmem:s29+$0x8060];
	v3 =	vadd.f32 v6, v3  }
0xca: {  	v1 =	vld [tilespmem:s29+$0x84D0];
	v4 =	vadd.f32 v38, v4;
	v5 =	vadd.f32 v39, v5  }
0xcb: {  	v6 =	vadd.f32 v62, v10;
	v8 =	vadd.f32 v21, v11;
	v21 =	vld [tilespmem:s29+$0x8070]  }
0xcc: {  	v31 =	vld [tilespmem:s29+$0x8400];
	v10 =	vadd.f32 v18, v12;
	v11 =	vadd.f32 v23, v13  }
0xcd: {  	v33 =	vld [tilespmem:s29+$0x8410];
	v9 =	vadd.f32 v24, v9;
	v14 =	vadd.f32 v30, v14  }
0xce: {  	v32 =	vld [tilespmem:s29+$0x8420];
	v18 =	vadd.f32 v63, v26;
	v6 =	vadd.f32 v40, v6  }
0xcf: {  	v34 =	vld [tilespmem:s29+$0x8430];
	v8 =	vadd.f32 v41, v8;
	v10 =	vadd.f32 v42, v10  }
0xd0: {  	v12 =	vld [tilespmem:s29+$0x8440];
	v11 =	vadd.f32 v43, v11;
	v35 =	vadd.f32 v21, v28  }
0xd1: {  	s30 =	simm.s32 $0x100;
	v13 =	vld [tilespmem:s29+$0x8450];
	v9 =	vadd.f32 v44, v9;
	v14 =	vadd.f32 v45, v14  }
.LBB2_7:
0xd2: {  	p1 =	sne.s32 s30, $0x1F00;
	v21 =	vld [tilespmem:s29+$0x8460];
	v18 =	vadd.f32 v27, v18;
	v23 =	vadd.f32 v29, v35  }
0xd3: {  	v17 =	vadd.f32 v31, v17;
	v20 =	vadd.f32 v33, v20;
	s28 =	sadd.s32 $0x200, s28;
	v24 =	vld [tilespmem:s29+$0x8470]  }
0xd4: {  	s31 =	sand.u32 $0x300, s30;
	s1 =	sand.u32 $0x3800, s28;
	v15 =	vadd.f32 v32, v15;
	v16 =	vadd.f32 v34, v16;
	v26 =	vld [tilespmem:s29+$0x84E0]  }
0xd5: {  	v17 =	vadd.f32 v22, v17;
	v20 =	vadd.f32 v25, v20;
	v22 =	vld [tilespmem:s29+$0x84F0];
	s29 =	sor.u32 s31, s1  }
0xd6: {  	v15 =	vadd.f32 v7, v15;
	v28 =	vld [tilespmem:s29+$0x8080];
	v16 =	vadd.f32 v19, v16  }
0xd7: {  	v2 =	vadd.f32 v12, v2;
	v3 =	vadd.f32 v13, v3;
	v30 =	vld [tilespmem:s29+$0x8090]  }
0xd8: {  	v4 =	vadd.f32 v21, v4;
	v12 =	vld [tilespmem:s29+$0x80A0];
	v5 =	vadd.f32 v24, v5  }
0xd9: {  	v2 =	vadd.f32 v0, v2;
	v3 =	vadd.f32 v1, v3;
	v13 =	vld [tilespmem:s29+$0x80B0]  }
0xda: {  	v4 =	vadd.f32 v26, v4;
	v21 =	vld [tilespmem:s29+$0x80C0];
	v5 =	vadd.f32 v22, v5  }
0xdb: {  	v24 =	vld [tilespmem:s29+$0x80D0]  }
0xdc: {  	v27 =	vld [tilespmem:s29+$0x80E0]  }
0xdd: {  	v29 =	vld [tilespmem:s29+$0x80F0]  }
0xde: {  	v22 =	vld [tilespmem:s29+$0x8480]  }
0xdf: {  	v25 =	vld [tilespmem:s29+$0x8490]  }
0xe0: {  	v7 =	vld [tilespmem:s29+$0x84A0]  }
0xe1: {  	v19 =	vld [tilespmem:s29+$0x84B0]  }
0xe2: {  	v0 =	vld [tilespmem:s29+$0x84C0]  }
0xe3: {  	v1 =	vld [tilespmem:s29+$0x84D0]  }
0xe4: {  	v26 =	vld [tilespmem:s29+$0x8000]  }
0xe5: {  	v31 =	vld [tilespmem:s29+$0x8010]  }
0xe6: {  	v32 =	vld [tilespmem:s29+$0x8020]  }
0xe7: {  	v33 =	vld [tilespmem:s29+$0x8030]  }
0xe8: {  	v34 =	vld [tilespmem:s29+$0x8040]  }
0xe9: {  	v35 =	vld [tilespmem:s29+$0x8050]  }
0xea: {  	v36 =	vld [tilespmem:s29+$0x8060]  }
0xeb: {  	v6 =	vadd.f32 v26, v6;
	v8 =	vadd.f32 v31, v8;
	v26 =	vld [tilespmem:s29+$0x8070]  }
0xec: {  	v10 =	vadd.f32 v32, v10;
	v11 =	vadd.f32 v33, v11;
	v31 =	vld [tilespmem:s29+$0x8400]  }
.Ltmp4:
0xed: {  	v6 =	vadd.f32 v28, v6;
	v8 =	vadd.f32 v30, v8;
	v33 =	vld [tilespmem:s29+$0x8410];
	(pc) =	sbr.rel @p1 .LBB2_7-.Ltmp4, $4  }
0xee: {  	v10 =	vadd.f32 v12, v10;
	v32 =	vld [tilespmem:s29+$0x8420];
	v11 =	vadd.f32 v13, v11  }
0xef: {  	v9 =	vadd.f32 v34, v9;
	v14 =	vadd.f32 v35, v14;
	v34 =	vld [tilespmem:s29+$0x8430]  }
0xf0: {  	v18 =	vadd.f32 v36, v18;
	v35 =	vadd.f32 v26, v23;
	v12 =	vld [tilespmem:s29+$0x8440]  }
0xf1: {  	s30 =	sadd.s32 $0x100, s30;
	v9 =	vadd.f32 v21, v9;
	v14 =	vadd.f32 v24, v14;
	v13 =	vld [tilespmem:s29+$0x8450]  }
0xf2: {  	v36 =	vld [tilespmem:s29+$0x8460]  }
0xf3: {  	v37 =	vld [tilespmem:s29+$0x8470]  }
0xf4: {  	v38 =	vld [tilespmem:s29+$0x84E0]  }
0xf5: {  	v39 =	vld [tilespmem:s29+$0x84F0];
	s1 =	sadd.s32 @!p0 s26, s9;
	s28 =	simm.s32 @!p0 $0x0;
	s29 =	simm.s32 @!p0 $0x8000  }
0xf6: {  	[tilespmem:s29], [sflag:$0x3] =	stream.linear.gather @!p0 [hbm4b:s1+s28], $0x4000, $0x38;
	[tilespmem:$0x10100] =	vst v63  }
0xf7: {  	s29 =	simm.s32 $0x0;
	_ =	swait.ge [sflag:s19], $0x4000  }
0xf8: {  	s31 =	sand.u32 $0x3800, s29;
	s28 =	sand.u32 $0x300, s29;
	[sflag:s19] =	ssyncset.done $0x0  }
0xf9: {  	s28 =	sor.u32 s28, s31;
	[sflag:s19] =	ssyncadd.s32 $0xFFFFC000  }
0xfa: {  	v40 =	vld [tilespmem:s28+$0xC080]  }
0xfb: {  	v41 =	vld [tilespmem:s28+$0xC090]  }
0xfc: {  	v42 =	vld [tilespmem:s28+$0xC0A0]  }
0xfd: {  	v43 =	vld [tilespmem:s28+$0xC0B0]  }
0xfe: {  	v44 =	vld [tilespmem:s28+$0xC0C0]  }
0xff: {  	v45 =	vld [tilespmem:s28+$0xC0D0]  }
0x100: {  	v28 =	vld [tilespmem:s28+$0xC0E0]  }
0x101: {  	v30 =	vld [tilespmem:s28+$0xC0F0]  }
0x102: {  	v24 =	vld [tilespmem:s28+$0xC480]  }
0x103: {  	v26 =	vld [tilespmem:s28+$0xC490]  }
0x104: {  	v21 =	vld [tilespmem:s28+$0xC4A0]  }
0x105: {  	v23 =	vld [tilespmem:s28+$0xC4B0]  }
0x106: {  	v27 =	vadd.f32 v27, v18;
	v31 =	vadd.f32 v31, v17;
	v18 =	vld [tilespmem:s28+$0xC4C0]  }
0x107: {  	v15 =	vadd.f32 v32, v15;
	v61 =	vadd.f32 v34, v16;
	v62 =	vld [tilespmem:s28+$0xC000]  }
0x108: {  	v20 =	vadd.f32 v33, v20;
	v16 =	vadd.f32 v22, v31;
	v22 =	vld [tilespmem:s28+$0xC010]  }
0x109: {  	v7 =	vadd.f32 v7, v15;
	v15 =	vadd.f32 v19, v61;
	v19 =	vld [tilespmem:s28+$0xC020]  }
0x10a: {  	v29 =	vadd.f32 v29, v35;
	v2 =	vadd.f32 v12, v2;
	v12 =	vld [tilespmem:s28+$0xC030]  }
0x10b: {  	v20 =	vadd.f32 v25, v20;
	v3 =	vadd.f32 v13, v3;
	v31 =	vld [tilespmem:s28+$0xC050]  }
0x10c: {  	v4 =	vadd.f32 v36, v4;
	v5 =	vadd.f32 v37, v5;
	v63 =	vld [tilespmem:s28+$0xC060]  }
0x10d: {  	v17 =	vld [tilespmem:s28+$0xC4D0];
	v0 =	vadd.f32 v0, v2;
	v1 =	vadd.f32 v1, v3  }
0x10e: {  	v25 =	vld [tilespmem:s28+$0xC040];
	v2 =	vadd.f32 v38, v4;
	v3 =	vadd.f32 v39, v5  }
0x10f: {  	v5 =	vadd.f32 v62, v6;
	v8 =	vadd.f32 v22, v8;
	v22 =	vld [tilespmem:s28+$0xC070]  }
0x110: {  	v4 =	vld [tilespmem:s28+$0xC400];
	v10 =	vadd.f32 v19, v10;
	v19 =	vadd.f32 v12, v11  }
0x111: {  	v6 =	vld [tilespmem:s28+$0xC410];
	v31 =	vadd.f32 v31, v14;
	v14 =	vadd.f32 v63, v27  }
0x112: {  	v13 =	vadd.f32 v40, v5;
	v12 =	vadd.f32 v41, v8;
	v5 =	vld [tilespmem:s28+$0xC420]  }
0x113: {  	v11 =	vadd.f32 v42, v10;
	v8 =	vadd.f32 v25, v9;
	v25 =	vld [tilespmem:s28+$0xC430]  }
0x114: {  	v10 =	vadd.f32 v43, v19;
	v19 =	vld [tilespmem:s28+$0xC440];
	v27 =	vadd.f32 v22, v29  }
0x115: {  	s30 =	simm.s32 $0x100;
	v9 =	vadd.f32 v44, v8;
	v8 =	vadd.f32 v45, v31;
	v22 =	vld [tilespmem:s28+$0xC450]  }
.LBB2_9:
0x116: {  	p1 =	sne.s32 s30, $0x1F00;
	v29 =	vld [tilespmem:s28+$0xC460];
	v14 =	vadd.f32 v28, v14;
	v27 =	vadd.f32 v30, v27  }
0x117: {  	v4 =	vadd.f32 v4, v16;
	v6 =	vadd.f32 v6, v20;
	s29 =	sadd.s32 $0x200, s29;
	v28 =	vld [tilespmem:s28+$0xC470]  }
0x118: {  	s31 =	sand.u32 $0x300, s30;
	s1 =	sand.u32 $0x3800, s29;
	v5 =	vadd.f32 v5, v7;
	v15 =	vadd.f32 v25, v15;
	v25 =	vld [tilespmem:s28+$0xC4E0]  }
0x119: {  	v16 =	vadd.f32 v24, v4;
	v20 =	vadd.f32 v26, v6;
	v4 =	vld [tilespmem:s28+$0xC4F0];
	s28 =	sor.u32 s31, s1  }
0x11a: {  	v7 =	vadd.f32 v21, v5;
	v31 =	vld [tilespmem:s28+$0xC080];
	v15 =	vadd.f32 v23, v15  }
0x11b: {  	v0 =	vadd.f32 v19, v0;
	v1 =	vadd.f32 v22, v1;
	v5 =	vld [tilespmem:s28+$0xC090]  }
0x11c: {  	v2 =	vadd.f32 v29, v2;
	v19 =	vld [tilespmem:s28+$0xC0A0];
	v3 =	vadd.f32 v28, v3  }
0x11d: {  	v0 =	vadd.f32 v18, v0;
	v1 =	vadd.f32 v17, v1;
	v22 =	vld [tilespmem:s28+$0xC0B0]  }
0x11e: {  	v2 =	vadd.f32 v25, v2;
	v29 =	vld [tilespmem:s28+$0xC0C0];
	v3 =	vadd.f32 v4, v3  }
0x11f: {  	v32 =	vld [tilespmem:s28+$0xC0D0]  }
0x120: {  	v28 =	vld [tilespmem:s28+$0xC0E0]  }
0x121: {  	v30 =	vld [tilespmem:s28+$0xC0F0]  }
0x122: {  	v24 =	vld [tilespmem:s28+$0xC480]  }
0x123: {  	v26 =	vld [tilespmem:s28+$0xC490]  }
0x124: {  	v21 =	vld [tilespmem:s28+$0xC4A0]  }
0x125: {  	v23 =	vld [tilespmem:s28+$0xC4B0]  }
0x126: {  	v18 =	vld [tilespmem:s28+$0xC4C0]  }
0x127: {  	v17 =	vld [tilespmem:s28+$0xC4D0]  }
0x128: {  	v4 =	vld [tilespmem:s28+$0xC000]  }
0x129: {  	v6 =	vld [tilespmem:s28+$0xC010]  }
0x12a: {  	v25 =	vld [tilespmem:s28+$0xC020]  }
0x12b: {  	v33 =	vld [tilespmem:s28+$0xC030]  }
0x12c: {  	v34 =	vld [tilespmem:s28+$0xC040]  }
0x12d: {  	v35 =	vld [tilespmem:s28+$0xC050]  }
0x12e: {  	v36 =	vld [tilespmem:s28+$0xC060]  }
0x12f: {  	v13 =	vadd.f32 v4, v13;
	v12 =	vadd.f32 v6, v12;
	v37 =	vld [tilespmem:s28+$0xC070]  }
0x130: {  	v11 =	vadd.f32 v25, v11;
	v10 =	vadd.f32 v33, v10;
	v4 =	vld [tilespmem:s28+$0xC400]  }
.Ltmp5:
0x131: {  	v13 =	vadd.f32 v31, v13;
	v12 =	vadd.f32 v5, v12;
	v6 =	vld [tilespmem:s28+$0xC410];
	(pc) =	sbr.rel @p1 .LBB2_9-.Ltmp5, $4  }
0x132: {  	v11 =	vadd.f32 v19, v11;
	v5 =	vld [tilespmem:s28+$0xC420];
	v10 =	vadd.f32 v22, v10  }
0x133: {  	v9 =	vadd.f32 v34, v9;
	v8 =	vadd.f32 v35, v8;
	v25 =	vld [tilespmem:s28+$0xC430]  }
0x134: {  	v14 =	vadd.f32 v36, v14;
	v27 =	vadd.f32 v37, v27;
	v19 =	vld [tilespmem:s28+$0xC440]  }
0x135: {  	s30 =	sadd.s32 $0x100, s30;
	v9 =	vadd.f32 v29, v9;
	v8 =	vadd.f32 v32, v8;
	v22 =	vld [tilespmem:s28+$0xC450]  }
0x136: {  	v29 =	vld [tilespmem:s28+$0xC460];
	v28 =	vadd.f32 v28, v14;
	v14 =	vadd.f32 v30, v27  }
0x137: {  	v4 =	vadd.f32 v4, v16;
	v6 =	vadd.f32 v6, v20;
	v61 =	vld [tilespmem:s28+$0xC470]  }
0x138: {  	v62 =	vld [tilespmem:s28+$0xC4E0];
	v5 =	vadd.f32 v5, v7;
	v15 =	vadd.f32 v25, v15  }
0x139: {  	v63 =	vld [tilespmem:s28+$0xC4F0];
	v7 =	vadd.f32 v24, v4;
	v6 =	vadd.f32 v26, v6  }
.Ltmp6:
0x13a: {  	v5 =	vadd.f32 v21, v5;
	v0 =	vadd.f32 v19, v0;
	(pc) =	sbr.rel @p0 .LBB2_12-.Ltmp6, $4  }
0x13b: {  	v4 =	vadd.f32 v23, v15;
	v1 =	vadd.f32 v22, v1  }
0x13c: {  	v15 =	vadd.f32 v29, v2;
	v16 =	vadd.f32 v61, v3  }
0x13d: {  	v3 =	vadd.f32 v18, v0;
	v2 =	vadd.f32 v17, v1  }
0x13e: {  	v1 =	vadd.f32 v62, v15;
	v0 =	vadd.f32 v63, v16  }
.Ltmp7:
0x13f: {  	(pc) =	sbr.rel .LBB2_2-.Ltmp7, $3  }
0x140: {  	_ =	sdelay $0x1  }
0x141: {  	s1 =	sadd.s32 s26, s10;
	s25 =	sadd.s32 $0x1, s25  }
0x142: {  	[tilespmem:s15], [sflag:$0x4] =	stream.linear.gather [hbm4b:s1+s2], $0x4000, $0x38;
	[tilespmem:$0x10100] =	vst v63  }
.LBB2_13:
0x143: {  	_ =	sfence.sel $0x180000  }
0x144: {  	[bflag:$0x0] =	sbarrier.arrive $0xFFFF  }
0x145: {  	_ =	strace $0x90000047  }
0x146: {  	[bflag:$0x2] =	sbarrier.arrive $0xFFFF  }
0x147: {  	p0 =	sne.s32 s0, $0x0;
	s0 =	rddreg [dreg:$0x2]  }
0x148: {  	s0 =	sadd.s32 @!p0 $0x100000, s0  }
0x149: {  	[sflag:s0] =	ssyncadd.tile.s32 @!p0 $0x1;
	_ =	shalt  }
.Lfunc_end2:
_tile_overlayer_lowered:
.L_overlay_start_2:
0x14a: {  	(tag) =	ssettag $0x2  }
0x14b: {  	s0 =	rddreg [dreg:$0x0];
	s2 =	stileid.u32  }
0x14c: {  	s1 =	rddreg [dreg:$0x1];
	p0 =	sne.s32 s2, $0x0  }
0x14d: {  	s3 =	rddreg [dreg:$0x2];
	[bflag:$0x3] =	sbarrier.arrive $0xFFFF;
	s2 =	simm.s32 @!p0 $0x1C05  }
0x14e: {  	[timem:s3], [sflag:s2] =	dma.local @!p0 [hbm:s0], s1  }
0x14f: {  	s0 =	simm.s32 @!p0 $0x5  }
0x150: {  	_ =	swait.ge @!p0 [sflag:s0], s1  }
0x151: {  	s1 =	ssub.s32 @!p0 $0x0, s1;
	[sflag:s0] =	ssyncset.done @!p0 $0x0  }
0x152: {  	[sflag:s0] =	ssyncadd.s32 @!p0 s1  }
0x153: {  	[bflag:$0x3] =	sbarrier.arrive $0xFFFF  }
0x154: {  	_ =	shalt  }

</sc_bundles>
